<compile_context>
chip_gen: v7x
topology: tpu7x:2x2x1
jax: 0.10.2.dev20260603
libtpu: 0.0.44.dev20260713+nightly
codegen_flags: <defaults>
</compile_context>

<pallas_src>
import functools

import jax
import jax.numpy as jnp
from jax import lax
from jax.experimental import pallas as pl
from jax.experimental.pallas import tpu as pltpu
from jax.experimental.pallas import tpu_sc as plsc

_SEQ = 8192
_EMB = 768
_KEEP = 4096

_INT_MIN = -2147483648

_NC = 2
_NS = 16
_NW = _NC * _NS
_ROWS_PER_W = _KEEP // _NW

_ROW_BLK = 2048
_GRID = _SEQ // _ROW_BLK
_SL = _SEQ // 128


def _tc_scores_q_body(x_ref, w_ref, b_ref, q_ref, scores_s, v_s):
    i = pl.program_id(0)

    @pl.when(i == 0)
    def _():
        cls = x_ref[0:1, :]
        v = lax.dot_general(
            cls, w_ref[...], (((1,), (1,)), ((), ())),
            preferred_element_type=jnp.float32,
        )
        v_s[...] = v + b_ref[...].reshape(1, _EMB)

    for j in range(_ROW_BLK // 128):
        s = jnp.sum(x_ref[pl.ds(j * 128, 128), :] * v_s[...], axis=1)
        scores_s[pl.ds(i * (_ROW_BLK // 128) + j, 1), :] = s.reshape(1, 128)

    @pl.when(i == _GRID - 1)
    def _():
        sc = scores_s[...]
        u = lax.bitcast_convert_type(sc, jnp.int32)
        ki = jnp.where(u >= 0, u, ~u ^ _INT_MIN)
        r0 = lax.broadcasted_iota(jnp.int32, (_SL, 128), 0)
        c0 = lax.broadcasted_iota(jnp.int32, (_SL, 128), 1)
        is_cls = (r0 == 0) & (c0 == 0)
        ki = jnp.where(is_cls, _INT_MIN, ki)
        kb = ki ^ _INT_MIN

        p = jnp.zeros((1, 1), jnp.int32)
        v = jnp.zeros((1, 1), jnp.int32)
        r = jnp.full((1, 1), _KEEP, jnp.int32)
        for bit in range(30, -1, -2):
            pv = 3 << bit
            if pv >= 2**31:
                pv -= 2**32
            active = (kb & p) == v
            nib = lax.shift_right_logical(kb, bit) & 3
            c3 = jnp.sum((active & (nib == 3)).astype(jnp.int32), keepdims=True)
            c2 = jnp.sum((active & (nib == 2)).astype(jnp.int32), keepdims=True)
            c1 = jnp.sum((active & (nib == 1)).astype(jnp.int32), keepdims=True)
            c32 = c3 + c2
            c321 = c32 + c1
            sel = jnp.where(
                r <= c3, 3, jnp.where(r <= c32, 2, jnp.where(r <= c321, 1, 0)))
            v = v | (sel << bit)
            r = r - jnp.where(
                r <= c3, 0, jnp.where(r <= c32, c3, jnp.where(r <= c321, c32, c321)))
            p = p | pv

        t = v ^ _INT_MIN
        gt = ki > t
        eq = ki == t
        cnt_gt = jnp.sum(gt.astype(jnp.int32), keepdims=True)
        extra = _KEEP - cnt_gt

        upper = (lax.broadcasted_iota(jnp.int32, (128, 128), 0)
                 <= lax.broadcasted_iota(jnp.int32, (128, 128), 1)
                 ).astype(jnp.float32)
        strict_low = (lax.broadcasted_iota(jnp.int32, (_SL, _SL), 1)
                      < lax.broadcasted_iota(jnp.int32, (_SL, _SL), 0)
                      ).astype(jnp.float32)

        def excl_cumsum(m):
            incl = jnp.dot(m, upper, preferred_element_type=jnp.float32)
            offs = jnp.dot(strict_low, jnp.sum(m, axis=1, keepdims=True),
                           preferred_element_type=jnp.float32)
            return incl + offs - m

        eq_rank = excl_cumsum(eq.astype(jnp.float32)).astype(jnp.int32)
        gt_rank = excl_cumsum(gt.astype(jnp.float32)).astype(jnp.int32)
        keep = gt | (eq & (eq_rank < extra))
        pos = gt_rank + jnp.minimum(eq_rank, extra)
        q_ref[...] = 2 * pos + keep.astype(jnp.int32)


def _tc_scores_q(x, w, b2):
    q2d = pl.pallas_call(
        _tc_scores_q_body,
        grid=(_GRID,),
        in_specs=[
            pl.BlockSpec((_ROW_BLK, _EMB), lambda i: (i, 0)),
            pl.BlockSpec((_EMB, _EMB), lambda i: (0, 0)),
            pl.BlockSpec((_EMB,), lambda i: (0,)),
        ],
        out_specs=pl.BlockSpec((_SL, 128), lambda i: (0, 0)),
        out_shape=jax.ShapeDtypeStruct((_SL, 128), jnp.int32),
        scratch_shapes=[
            pltpu.VMEM((_SL, 128), jnp.float32),
            pltpu.VMEM((1, _EMB), jnp.float32),
        ],
    )(x, w, b2)
    return q2d.reshape(_SEQ)


_GCHUNK = 16


def _sc_body(x_hbm, q_hbm, out_hbm, q_v, idx_v, rows_v, cls_v, semg, semw):
    wid = lax.axis_index("s") * _NC + lax.axis_index("c")
    base = wid * _ROWS_PER_W
    pltpu.sync_copy(q_hbm, q_v)

    def lower_bound_vreg(t):
        p = jnp.int32(0)
        for sh in (256, 128, 64, 32, 16, 8, 4, 2, 1):
            cand = p + sh
            probe = q_v[pl.ds((cand - 1) * 16, 16)][0]
            p = jnp.where(probe < t, cand, p)
        last = q_v[pl.ds(p * 16, 16)][0]
        return p + (last < t).astype(jnp.int32)

    jlo = lower_bound_vreg(2 * base + 1)
    jhi = lower_bound_vreg(2 * (base + _ROWS_PER_W) + 1)
    jlo = jnp.maximum(jlo - 1, 0)

    def body(j, carry):
        v16 = q_v[pl.ds(j * 16, 16)]
        iv = j * 16 + lax.iota(jnp.int32, 16)
        slot = lax.shift_right_arithmetic(v16, 1)
        inr = ((v16 & 1) == 1) & (slot >= base) & (slot < base + _ROWS_PER_W)
        slot = jnp.where(inr, slot - base, 0)
        plsc.store_scatter(idx_v, [slot], iv, mask=inr)
        return carry

    lax.fori_loop(jlo, jhi, body, 0)

    nch = _ROWS_PER_W // _GCHUNK
    gathers = [
        pltpu.async_copy(
            x_hbm.at[idx_v.at[pl.ds(c * _GCHUNK, _GCHUNK)]],
            rows_v.at[pl.ds(c * _GCHUNK, _GCHUNK)], semg,
        )
        for c in range(nch)
    ]
    copies = []
    for c in range(nch):
        gathers[c].wait()
        copies.append(pltpu.async_copy(
            rows_v.at[pl.ds(c * _GCHUNK, _GCHUNK)],
            out_hbm.at[pl.ds(base + c * _GCHUNK, _GCHUNK)], semw,
        ))

    @pl.when(wid == 0)
    def _():
        pltpu.sync_copy(x_hbm.at[pl.ds(0, 1)], cls_v)
        pltpu.sync_copy(cls_v, out_hbm.at[pl.ds(_KEEP, 1)])

    for cp in copies:
        cp.wait()


@functools.cache
def _sc_select_gather():
    mesh = plsc.VectorSubcoreMesh(
        core_axis_name="c", subcore_axis_name="s",
        num_cores=_NC, num_subcores=_NS,
    )
    return pl.kernel(
        _sc_body,
        out_type=jax.ShapeDtypeStruct((_KEEP + 1, _EMB), jnp.float32),
        mesh=mesh,
        compiler_params=pltpu.CompilerParams(needs_layout_passes=False),
        scratch_types=[
            pltpu.VMEM((_SEQ,), jnp.int32),
            pltpu.VMEM((_ROWS_PER_W,), jnp.int32),
            pltpu.VMEM((_ROWS_PER_W, _EMB), jnp.float32),
            pltpu.VMEM((1, _EMB), jnp.float32),
            pltpu.SemaphoreType.DMA,
            pltpu.SemaphoreType.DMA,
        ],
    )


def kernel(cap_emb_norm, W, b):
    q = _tc_scores_q(cap_emb_norm, W, b)
    return _sc_select_gather()(cap_emb_norm, q)

# --- scband reference (transcript-rebuilt; emitter-appended) ---
"""Pipeline reference for scband-text-selection-11931419148615 (READ-ONLY COPY).

The authoritative reference and input builder live on the scoring server;
editing this copy changes nothing except your own understanding.
"""

import jax, jax.numpy as jnp
import numpy as np
import math

EMBED = 768
SEQ = 8192
RATIO = 0.5

def setup_inputs(seed: int = 0) -> dict:
    key = jax.random.key(seed)
    k1, k2, k3 = jax.random.split(key, 3)
    cap_emb_norm = jax.random.normal(k1, (SEQ, EMBED), dtype=jnp.float32)
    # nn.Linear(embed_size, embed_size): weight [out, in], bias [out]
    bound = 1.0 / math.sqrt(EMBED)
    W = jax.random.uniform(k2, (EMBED, EMBED), minval=-bound, maxval=bound, dtype=jnp.float32)
    b = jax.random.uniform(k3, (EMBED,), minval=-bound, maxval=bound, dtype=jnp.float32)
    return {"cap_emb_norm": cap_emb_norm, "W": W, "b": b}

def reference(cap_emb_norm, W, b):
    # strategy == 'ratio'
    cap_cls_emb_norm = cap_emb_norm[0:1, :]
    cap_tok_emb_norm = cap_emb_norm[1:, :]
    attn_score = cap_cls_emb_norm @ W.T + b          # [1, E]
    attn_score = jnp.sum(attn_score * cap_tok_emb_norm, axis=-1)  # [SEQ-1]
    num_keep_token = math.ceil(attn_score.shape[0] * RATIO)
    _, keep_policy = jax.lax.top_k(attn_score, num_keep_token)
    # torch boolean-mask selection preserves original token order ->
    # equivalent to gathering with sorted kept indices
    keep_sorted = jnp.sort(keep_policy)
    cap_tok_emb_norm_sel = jnp.take(cap_tok_emb_norm, keep_sorted, axis=0)
    return jnp.concatenate([cap_tok_emb_norm_sel, cap_cls_emb_norm], axis=0)

if __name__ == "__main__":
    import jax
    _d = setup_inputs()
    print(jax.jit(kernel)(*tuple(_d.values())))

</pallas_src>

<mosaic_0001>
#map = affine_map<(d0, d1) -> (0, 0)>
#map1 = affine_map<(d0, d1) -> (0)>
module attributes {stable_mosaic.version = 14 : i64} {
  func.func @_sc_body(%arg0: i32, %arg1: i32, %arg2: memref<8192x768xf32, #tpu.memory_space<hbm>>, %arg3: memref<8192xi32, #tpu.memory_space<hbm>>, %arg4: memref<4097x768xf32, #tpu.memory_space<hbm>>, %arg5: memref<8192xi32, #tpu.memory_space<vmem>>, %arg6: memref<128xi32, #tpu.memory_space<vmem>>, %arg7: memref<128x768xf32, #tpu.memory_space<vmem>>, %arg8: memref<1x768xf32, #tpu.memory_space<vmem>>, %arg9: memref<!tpu.dma_semaphore, #tpu.memory_space<semaphore_mem>>, %arg10: memref<!tpu.dma_semaphore, #tpu.memory_space<semaphore_mem>>) attributes {dimension_semantics = [#tpu.dimension_semantics<core_parallel>, #tpu.dimension_semantics<subcore_parallel>], iteration_bounds = array<i64: 2, 16>, scalar_prefetch = 0 : i64, scratch_operands = 6 : i64, tpu.core_type = #tpu.core_type<sc_vector_subcore>, window_params = [{transform_indices = #map}, {transform_indices = #map1}, {transform_indices = #map}]} {
    %mul3A = arith.constant 2 : i32
    %mul3A_0 = arith.muli %arg1, %mul3A : i32
    %add3A = arith.addi %mul3A_0, %arg0 : i32
    %mul3A_1 = arith.constant 128 : i32
    %mul3A_2 = arith.muli %add3A, %mul3A_1 : i32
    "tpu.region"() ({
      %run_scoped3A = tpu.sem_alloc : memref<!tpu.dma_semaphore, #tpu.memory_space<semaphore_mem>>
      tpu.enqueue_dma source(%arg3 : memref<8192xi32, #tpu.memory_space<hbm>>) target(%arg5 : memref<8192xi32, #tpu.memory_space<vmem>>) target_semaphore(%run_scoped3A : memref<!tpu.dma_semaphore, #tpu.memory_space<semaphore_mem>>)
      tpu.wait_dma2 semaphore(%run_scoped3A : memref<!tpu.dma_semaphore, #tpu.memory_space<semaphore_mem>>) src(%arg3 : memref<8192xi32, #tpu.memory_space<hbm>>) dst(%arg5 : memref<8192xi32, #tpu.memory_space<vmem>>)
      tpu.yield
    }) : () -> ()
    %mul3A_3 = arith.constant 2 : i32
    %mul3A_4 = arith.muli %mul3A_3, %mul3A_2 : i32
    %add3A_5 = arith.constant 1 : i32
    %add3A_6 = arith.addi %mul3A_4, %add3A_5 : i32
    %add3A_7 = arith.constant 0 : i32
    %add3A_8 = arith.constant 256 : i32
    %add3A_9 = arith.addi %add3A_7, %add3A_8 : i32
    %sub3A = arith.constant 1 : i32
    %sub3A_10 = arith.subi %add3A_9, %sub3A : i32
    %mul3A_11 = arith.constant 16 : i32
    %mul3A_12 = arith.muli %sub3A_10, %mul3A_11 : i32
    %get3A = arith.index_cast %mul3A_12 : i32 to index
    %get3A_13 = tpu.vector_load %arg5[%get3A] {strides = array<i32>} : memref<8192xi32, #tpu.memory_space<vmem>>, vector<16xi32>,
    %slice3A = vector.extract_strided_slice %get3A_13 {offsets = [0], sizes = [1], strides = [1]} : vector<16xi32> to vector<1xi32>
    %squeeze3A = vector.extract %slice3A[0] : i32 from vector<1xi32>
    %lt3A = arith.cmpi slt, %squeeze3A, %add3A_6 : i32
    %jit3A = arith.constant 0 : i32
    %select_n3A = arith.select %lt3A, %add3A_9, %jit3A : i32
    %add3A_14 = arith.constant 128 : i32
    %add3A_15 = arith.addi %select_n3A, %add3A_14 : i32
    %sub3A_16 = arith.constant 1 : i32
    %sub3A_17 = arith.subi %add3A_15, %sub3A_16 : i32
    %mul3A_18 = arith.constant 16 : i32
    %mul3A_19 = arith.muli %sub3A_17, %mul3A_18 : i32
    %get3A_20 = arith.index_cast %mul3A_19 : i32 to index
    %get3A_21 = tpu.vector_load %arg5[%get3A_20] {strides = array<i32>} : memref<8192xi32, #tpu.memory_space<vmem>>, vector<16xi32>,
    %slice3A_22 = vector.extract_strided_slice %get3A_21 {offsets = [0], sizes = [1], strides = [1]} : vector<16xi32> to vector<1xi32>
    %squeeze3A_23 = vector.extract %slice3A_22[0] : i32 from vector<1xi32>
    %lt3A_24 = arith.cmpi slt, %squeeze3A_23, %add3A_6 : i32
    %select_n3A_25 = arith.select %lt3A_24, %add3A_15, %select_n3A : i32
    %add3A_26 = arith.constant 64 : i32
    %add3A_27 = arith.addi %select_n3A_25, %add3A_26 : i32
    %sub3A_28 = arith.constant 1 : i32
    %sub3A_29 = arith.subi %add3A_27, %sub3A_28 : i32
    %mul3A_30 = arith.constant 16 : i32
    %mul3A_31 = arith.muli %sub3A_29, %mul3A_30 : i32
    %get3A_32 = arith.index_cast %mul3A_31 : i32 to index
    %get3A_33 = tpu.vector_load %arg5[%get3A_32] {strides = array<i32>} : memref<8192xi32, #tpu.memory_space<vmem>>, vector<16xi32>,
    %slice3A_34 = vector.extract_strided_slice %get3A_33 {offsets = [0], sizes = [1], strides = [1]} : vector<16xi32> to vector<1xi32>
    %squeeze3A_35 = vector.extract %slice3A_34[0] : i32 from vector<1xi32>
    %lt3A_36 = arith.cmpi slt, %squeeze3A_35, %add3A_6 : i32
    %select_n3A_37 = arith.select %lt3A_36, %add3A_27, %select_n3A_25 : i32
    %add3A_38 = arith.constant 32 : i32
    %add3A_39 = arith.addi %select_n3A_37, %add3A_38 : i32
    %sub3A_40 = arith.constant 1 : i32
    %sub3A_41 = arith.subi %add3A_39, %sub3A_40 : i32
    %mul3A_42 = arith.constant 16 : i32
    %mul3A_43 = arith.muli %sub3A_41, %mul3A_42 : i32
    %get3A_44 = arith.index_cast %mul3A_43 : i32 to index
    %get3A_45 = tpu.vector_load %arg5[%get3A_44] {strides = array<i32>} : memref<8192xi32, #tpu.memory_space<vmem>>, vector<16xi32>,
    %slice3A_46 = vector.extract_strided_slice %get3A_45 {offsets = [0], sizes = [1], strides = [1]} : vector<16xi32> to vector<1xi32>
    %squeeze3A_47 = vector.extract %slice3A_46[0] : i32 from vector<1xi32>
    %lt3A_48 = arith.cmpi slt, %squeeze3A_47, %add3A_6 : i32
    %select_n3A_49 = arith.select %lt3A_48, %add3A_39, %select_n3A_37 : i32
    %add3A_50 = arith.constant 16 : i32
    %add3A_51 = arith.addi %select_n3A_49, %add3A_50 : i32
    %sub3A_52 = arith.constant 1 : i32
    %sub3A_53 = arith.subi %add3A_51, %sub3A_52 : i32
    %mul3A_54 = arith.constant 16 : i32
    %mul3A_55 = arith.muli %sub3A_53, %mul3A_54 : i32
    %get3A_56 = arith.index_cast %mul3A_55 : i32 to index
    %get3A_57 = tpu.vector_load %arg5[%get3A_56] {strides = array<i32>} : memref<8192xi32, #tpu.memory_space<vmem>>, vector<16xi32>,
    %slice3A_58 = vector.extract_strided_slice %get3A_57 {offsets = [0], sizes = [1], strides = [1]} : vector<16xi32> to vector<1xi32>
    %squeeze3A_59 = vector.extract %slice3A_58[0] : i32 from vector<1xi32>
    %lt3A_60 = arith.cmpi slt, %squeeze3A_59, %add3A_6 : i32
    %select_n3A_61 = arith.select %lt3A_60, %add3A_51, %select_n3A_49 : i32
    %add3A_62 = arith.constant 8 : i32
    %add3A_63 = arith.addi %select_n3A_61, %add3A_62 : i32
    %sub3A_64 = arith.constant 1 : i32
    %sub3A_65 = arith.subi %add3A_63, %sub3A_64 : i32
    %mul3A_66 = arith.constant 16 : i32
    %mul3A_67 = arith.muli %sub3A_65, %mul3A_66 : i32
    %get3A_68 = arith.index_cast %mul3A_67 : i32 to index
    %get3A_69 = tpu.vector_load %arg5[%get3A_68] {strides = array<i32>} : memref<8192xi32, #tpu.memory_space<vmem>>, vector<16xi32>,
    %slice3A_70 = vector.extract_strided_slice %get3A_69 {offsets = [0], sizes = [1], strides = [1]} : vector<16xi32> to vector<1xi32>
    %squeeze3A_71 = vector.extract %slice3A_70[0] : i32 from vector<1xi32>
    %lt3A_72 = arith.cmpi slt, %squeeze3A_71, %add3A_6 : i32
    %select_n3A_73 = arith.select %lt3A_72, %add3A_63, %select_n3A_61 : i32
    %add3A_74 = arith.constant 4 : i32
    %add3A_75 = arith.addi %select_n3A_73, %add3A_74 : i32
    %sub3A_76 = arith.constant 1 : i32
    %sub3A_77 = arith.subi %add3A_75, %sub3A_76 : i32
    %mul3A_78 = arith.constant 16 : i32
    %mul3A_79 = arith.muli %sub3A_77, %mul3A_78 : i32
    %get3A_80 = arith.index_cast %mul3A_79 : i32 to index
    %get3A_81 = tpu.vector_load %arg5[%get3A_80] {strides = array<i32>} : memref<8192xi32, #tpu.memory_space<vmem>>, vector<16xi32>,
    %slice3A_82 = vector.extract_strided_slice %get3A_81 {offsets = [0], sizes = [1], strides = [1]} : vector<16xi32> to vector<1xi32>
    %squeeze3A_83 = vector.extract %slice3A_82[0] : i32 from vector<1xi32>
    %lt3A_84 = arith.cmpi slt, %squeeze3A_83, %add3A_6 : i32
    %select_n3A_85 = arith.select %lt3A_84, %add3A_75, %select_n3A_73 : i32
    %add3A_86 = arith.constant 2 : i32
    %add3A_87 = arith.addi %select_n3A_85, %add3A_86 : i32
    %sub3A_88 = arith.constant 1 : i32
    %sub3A_89 = arith.subi %add3A_87, %sub3A_88 : i32
    %mul3A_90 = arith.constant 16 : i32
    %mul3A_91 = arith.muli %sub3A_89, %mul3A_90 : i32
    %get3A_92 = arith.index_cast %mul3A_91 : i32 to index
    %get3A_93 = tpu.vector_load %arg5[%get3A_92] {strides = array<i32>} : memref<8192xi32, #tpu.memory_space<vmem>>, vector<16xi32>,
    %slice3A_94 = vector.extract_strided_slice %get3A_93 {offsets = [0], sizes = [1], strides = [1]} : vector<16xi32> to vector<1xi32>
    %squeeze3A_95 = vector.extract %slice3A_94[0] : i32 from vector<1xi32>
    %lt3A_96 = arith.cmpi slt, %squeeze3A_95, %add3A_6 : i32
    %select_n3A_97 = arith.select %lt3A_96, %add3A_87, %select_n3A_85 : i32
    %add3A_98 = arith.constant 1 : i32
    %add3A_99 = arith.addi %select_n3A_97, %add3A_98 : i32
    %sub3A_100 = arith.constant 1 : i32
    %sub3A_101 = arith.subi %add3A_99, %sub3A_100 : i32
    %mul3A_102 = arith.constant 16 : i32
    %mul3A_103 = arith.muli %sub3A_101, %mul3A_102 : i32
    %get3A_104 = arith.index_cast %mul3A_103 : i32 to index
    %get3A_105 = tpu.vector_load %arg5[%get3A_104] {strides = array<i32>} : memref<8192xi32, #tpu.memory_space<vmem>>, vector<16xi32>,
    %slice3A_106 = vector.extract_strided_slice %get3A_105 {offsets = [0], sizes = [1], strides = [1]} : vector<16xi32> to vector<1xi32>
    %squeeze3A_107 = vector.extract %slice3A_106[0] : i32 from vector<1xi32>
    %lt3A_108 = arith.cmpi slt, %squeeze3A_107, %add3A_6 : i32
    %select_n3A_109 = arith.select %lt3A_108, %add3A_99, %select_n3A_97 : i32
    %mul3A_110 = arith.constant 16 : i32
    %mul3A_111 = arith.muli %select_n3A_109, %mul3A_110 : i32
    %get3A_112 = arith.index_cast %mul3A_111 : i32 to index
    %get3A_113 = tpu.vector_load %arg5[%get3A_112] {strides = array<i32>} : memref<8192xi32, #tpu.memory_space<vmem>>, vector<16xi32>,
    %slice3A_114 = vector.extract_strided_slice %get3A_113 {offsets = [0], sizes = [1], strides = [1]} : vector<16xi32> to vector<1xi32>
    %squeeze3A_115 = vector.extract %slice3A_114[0] : i32 from vector<1xi32>
    %lt3A_116 = arith.cmpi slt, %squeeze3A_115, %add3A_6 : i32
    %convert_element_type3A = arith.extui %lt3A_116 : i1 to i32
    %add3A_117 = arith.addi %select_n3A_109, %convert_element_type3A : i32
    %add3A_118 = arith.constant 128 : i32
    %add3A_119 = arith.addi %mul3A_2, %add3A_118 : i32
    %mul3A_120 = arith.constant 2 : i32
    %mul3A_121 = arith.muli %mul3A_120, %add3A_119 : i32
    %add3A_122 = arith.constant 1 : i32
    %add3A_123 = arith.addi %mul3A_121, %add3A_122 : i32
    %add3A_124 = arith.constant 0 : i32
    %add3A_125 = arith.constant 256 : i32
    %add3A_126 = arith.addi %add3A_124, %add3A_125 : i32
    %sub3A_127 = arith.constant 1 : i32
    %sub3A_128 = arith.subi %add3A_126, %sub3A_127 : i32
    %mul3A_129 = arith.constant 16 : i32
    %mul3A_130 = arith.muli %sub3A_128, %mul3A_129 : i32
    %get3A_131 = arith.index_cast %mul3A_130 : i32 to index
    %get3A_132 = tpu.vector_load %arg5[%get3A_131] {strides = array<i32>} : memref<8192xi32, #tpu.memory_space<vmem>>, vector<16xi32>,
    %slice3A_133 = vector.extract_strided_slice %get3A_132 {offsets = [0], sizes = [1], strides = [1]} : vector<16xi32> to vector<1xi32>
    %squeeze3A_134 = vector.extract %slice3A_133[0] : i32 from vector<1xi32>
    %lt3A_135 = arith.cmpi slt, %squeeze3A_134, %add3A_123 : i32
    %jit3A_136 = arith.constant 0 : i32
    %select_n3A_137 = arith.select %lt3A_135, %add3A_126, %jit3A_136 : i32
    %add3A_138 = arith.constant 128 : i32
    %add3A_139 = arith.addi %select_n3A_137, %add3A_138 : i32
    %sub3A_140 = arith.constant 1 : i32
    %sub3A_141 = arith.subi %add3A_139, %sub3A_140 : i32
    %mul3A_142 = arith.constant 16 : i32
    %mul3A_143 = arith.muli %sub3A_141, %mul3A_142 : i32
    %get3A_144 = arith.index_cast %mul3A_143 : i32 to index
    %get3A_145 = tpu.vector_load %arg5[%get3A_144] {strides = array<i32>} : memref<8192xi32, #tpu.memory_space<vmem>>, vector<16xi32>,
    %slice3A_146 = vector.extract_strided_slice %get3A_145 {offsets = [0], sizes = [1], strides = [1]} : vector<16xi32> to vector<1xi32>
    %squeeze3A_147 = vector.extract %slice3A_146[0] : i32 from vector<1xi32>
    %lt3A_148 = arith.cmpi slt, %squeeze3A_147, %add3A_123 : i32
    %select_n3A_149 = arith.select %lt3A_148, %add3A_139, %select_n3A_137 : i32
    %add3A_150 = arith.constant 64 : i32
    %add3A_151 = arith.addi %select_n3A_149, %add3A_150 : i32
    %sub3A_152 = arith.constant 1 : i32
    %sub3A_153 = arith.subi %add3A_151, %sub3A_152 : i32
    %mul3A_154 = arith.constant 16 : i32
    %mul3A_155 = arith.muli %sub3A_153, %mul3A_154 : i32
    %get3A_156 = arith.index_cast %mul3A_155 : i32 to index
    %get3A_157 = tpu.vector_load %arg5[%get3A_156] {strides = array<i32>} : memref<8192xi32, #tpu.memory_space<vmem>>, vector<16xi32>,
    %slice3A_158 = vector.extract_strided_slice %get3A_157 {offsets = [0], sizes = [1], strides = [1]} : vector<16xi32> to vector<1xi32>
    %squeeze3A_159 = vector.extract %slice3A_158[0] : i32 from vector<1xi32>
    %lt3A_160 = arith.cmpi slt, %squeeze3A_159, %add3A_123 : i32
    %select_n3A_161 = arith.select %lt3A_160, %add3A_151, %select_n3A_149 : i32
    %add3A_162 = arith.constant 32 : i32
    %add3A_163 = arith.addi %select_n3A_161, %add3A_162 : i32
    %sub3A_164 = arith.constant 1 : i32
    %sub3A_165 = arith.subi %add3A_163, %sub3A_164 : i32
    %mul3A_166 = arith.constant 16 : i32
    %mul3A_167 = arith.muli %sub3A_165, %mul3A_166 : i32
    %get3A_168 = arith.index_cast %mul3A_167 : i32 to index
    %get3A_169 = tpu.vector_load %arg5[%get3A_168] {strides = array<i32>} : memref<8192xi32, #tpu.memory_space<vmem>>, vector<16xi32>,
    %slice3A_170 = vector.extract_strided_slice %get3A_169 {offsets = [0], sizes = [1], strides = [1]} : vector<16xi32> to vector<1xi32>
    %squeeze3A_171 = vector.extract %slice3A_170[0] : i32 from vector<1xi32>
    %lt3A_172 = arith.cmpi slt, %squeeze3A_171, %add3A_123 : i32
    %select_n3A_173 = arith.select %lt3A_172, %add3A_163, %select_n3A_161 : i32
    %add3A_174 = arith.constant 16 : i32
    %add3A_175 = arith.addi %select_n3A_173, %add3A_174 : i32
    %sub3A_176 = arith.constant 1 : i32
    %sub3A_177 = arith.subi %add3A_175, %sub3A_176 : i32
    %mul3A_178 = arith.constant 16 : i32
    %mul3A_179 = arith.muli %sub3A_177, %mul3A_178 : i32
    %get3A_180 = arith.index_cast %mul3A_179 : i32 to index
    %get3A_181 = tpu.vector_load %arg5[%get3A_180] {strides = array<i32>} : memref<8192xi32, #tpu.memory_space<vmem>>, vector<16xi32>,
    %slice3A_182 = vector.extract_strided_slice %get3A_181 {offsets = [0], sizes = [1], strides = [1]} : vector<16xi32> to vector<1xi32>
    %squeeze3A_183 = vector.extract %slice3A_182[0] : i32 from vector<1xi32>
    %lt3A_184 = arith.cmpi slt, %squeeze3A_183, %add3A_123 : i32
    %select_n3A_185 = arith.select %lt3A_184, %add3A_175, %select_n3A_173 : i32
    %add3A_186 = arith.constant 8 : i32
    %add3A_187 = arith.addi %select_n3A_185, %add3A_186 : i32
    %sub3A_188 = arith.constant 1 : i32
    %sub3A_189 = arith.subi %add3A_187, %sub3A_188 : i32
    %mul3A_190 = arith.constant 16 : i32
    %mul3A_191 = arith.muli %sub3A_189, %mul3A_190 : i32
    %get3A_192 = arith.index_cast %mul3A_191 : i32 to index
    %get3A_193 = tpu.vector_load %arg5[%get3A_192] {strides = array<i32>} : memref<8192xi32, #tpu.memory_space<vmem>>, vector<16xi32>,
    %slice3A_194 = vector.extract_strided_slice %get3A_193 {offsets = [0], sizes = [1], strides = [1]} : vector<16xi32> to vector<1xi32>
    %squeeze3A_195 = vector.extract %slice3A_194[0] : i32 from vector<1xi32>
    %lt3A_196 = arith.cmpi slt, %squeeze3A_195, %add3A_123 : i32
    %select_n3A_197 = arith.select %lt3A_196, %add3A_187, %select_n3A_185 : i32
    %add3A_198 = arith.constant 4 : i32
    %add3A_199 = arith.addi %select_n3A_197, %add3A_198 : i32
    %sub3A_200 = arith.constant 1 : i32
    %sub3A_201 = arith.subi %add3A_199, %sub3A_200 : i32
    %mul3A_202 = arith.constant 16 : i32
    %mul3A_203 = arith.muli %sub3A_201, %mul3A_202 : i32
    %get3A_204 = arith.index_cast %mul3A_203 : i32 to index
    %get3A_205 = tpu.vector_load %arg5[%get3A_204] {strides = array<i32>} : memref<8192xi32, #tpu.memory_space<vmem>>, vector<16xi32>,
    %slice3A_206 = vector.extract_strided_slice %get3A_205 {offsets = [0], sizes = [1], strides = [1]} : vector<16xi32> to vector<1xi32>
    %squeeze3A_207 = vector.extract %slice3A_206[0] : i32 from vector<1xi32>
    %lt3A_208 = arith.cmpi slt, %squeeze3A_207, %add3A_123 : i32
    %select_n3A_209 = arith.select %lt3A_208, %add3A_199, %select_n3A_197 : i32
    %add3A_210 = arith.constant 2 : i32
    %add3A_211 = arith.addi %select_n3A_209, %add3A_210 : i32
    %sub3A_212 = arith.constant 1 : i32
    %sub3A_213 = arith.subi %add3A_211, %sub3A_212 : i32
    %mul3A_214 = arith.constant 16 : i32
    %mul3A_215 = arith.muli %sub3A_213, %mul3A_214 : i32
    %get3A_216 = arith.index_cast %mul3A_215 : i32 to index
    %get3A_217 = tpu.vector_load %arg5[%get3A_216] {strides = array<i32>} : memref<8192xi32, #tpu.memory_space<vmem>>, vector<16xi32>,
    %slice3A_218 = vector.extract_strided_slice %get3A_217 {offsets = [0], sizes = [1], strides = [1]} : vector<16xi32> to vector<1xi32>
    %squeeze3A_219 = vector.extract %slice3A_218[0] : i32 from vector<1xi32>
    %lt3A_220 = arith.cmpi slt, %squeeze3A_219, %add3A_123 : i32
    %select_n3A_221 = arith.select %lt3A_220, %add3A_211, %select_n3A_209 : i32
    %add3A_222 = arith.constant 1 : i32
    %add3A_223 = arith.addi %select_n3A_221, %add3A_222 : i32
    %sub3A_224 = arith.constant 1 : i32
    %sub3A_225 = arith.subi %add3A_223, %sub3A_224 : i32
    %mul3A_226 = arith.constant 16 : i32
    %mul3A_227 = arith.muli %sub3A_225, %mul3A_226 : i32
    %get3A_228 = arith.index_cast %mul3A_227 : i32 to index
    %get3A_229 = tpu.vector_load %arg5[%get3A_228] {strides = array<i32>} : memref<8192xi32, #tpu.memory_space<vmem>>, vector<16xi32>,
    %slice3A_230 = vector.extract_strided_slice %get3A_229 {offsets = [0], sizes = [1], strides = [1]} : vector<16xi32> to vector<1xi32>
    %squeeze3A_231 = vector.extract %slice3A_230[0] : i32 from vector<1xi32>
    %lt3A_232 = arith.cmpi slt, %squeeze3A_231, %add3A_123 : i32
    %select_n3A_233 = arith.select %lt3A_232, %add3A_223, %select_n3A_221 : i32
    %mul3A_234 = arith.constant 16 : i32
    %mul3A_235 = arith.muli %select_n3A_233, %mul3A_234 : i32
    %get3A_236 = arith.index_cast %mul3A_235 : i32 to index
    %get3A_237 = tpu.vector_load %arg5[%get3A_236] {strides = array<i32>} : memref<8192xi32, #tpu.memory_space<vmem>>, vector<16xi32>,
    %slice3A_238 = vector.extract_strided_slice %get3A_237 {offsets = [0], sizes = [1], strides = [1]} : vector<16xi32> to vector<1xi32>
    %squeeze3A_239 = vector.extract %slice3A_238[0] : i32 from vector<1xi32>
    %lt3A_240 = arith.cmpi slt, %squeeze3A_239, %add3A_123 : i32
    %convert_element_type3A_241 = arith.extui %lt3A_240 : i1 to i32
    %add3A_242 = arith.addi %select_n3A_233, %convert_element_type3A_241 : i32
    %sub3A_243 = arith.constant 1 : i32
    %sub3A_244 = arith.subi %add3A_117, %sub3A_243 : i32
    %max3A = arith.constant 0 : i32
    %max3A_245 = arith.maxsi %sub3A_244, %max3A : i32
    %while3A = arith.constant 0 : i32
    %while3A_246 = arith.subi %add3A_242, %max3A_245 : i32
    %while3A_247 = arith.addi %max3A_245, %while3A_246 : i32
    %while3A_248 = arith.constant 1 : i32
    %while3A_249 = arith.divsi %while3A_246, %while3A_248 : i32
    %while3A_250 = arith.muli %while3A_249, %while3A_248 : i32
    %while3A_251 = arith.addi %max3A_245, %while3A_250 : i32
    %while3A_252 = arith.constant 1 : i32
    scf.for %while3A_559 = %max3A_245 to %while3A_251 step %while3A_252  : i32 {
      %mul3A_560 = arith.constant 16 : i32
      %mul3A_561 = arith.muli %while3A_559, %mul3A_560 : i32
      %get3A_562 = arith.index_cast %mul3A_561 : i32 to index
      %get3A_563 = tpu.vector_load %arg5[%get3A_562] {strides = array<i32>} : memref<8192xi32, #tpu.memory_space<vmem>>, vector<16xi32>,
      %mul3A_564 = arith.constant 16 : i32
      %mul3A_565 = arith.muli %while3A_559, %mul3A_564 : i32
      %iota3A = tpu.iota {dimensions = array<i32: 0>} : vector<16xi32>
      %add3A_566 = vector.broadcast %mul3A_565 : i32 to vector<16xi32>
      %add3A_567 = arith.addi %add3A_566, %iota3A : vector<16xi32>
      %shift_right_arithmetic3A = arith.constant 1 : i32
      %shift_right_arithmetic3A_568 = vector.broadcast %shift_right_arithmetic3A : i32 to vector<16xi32>
      %shift_right_arithmetic3A_569 = arith.shrsi %get3A_563, %shift_right_arithmetic3A_568 : vector<16xi32>
      %and3A = arith.constant 1 : i32
      %and3A_570 = vector.broadcast %and3A : i32 to vector<16xi32>
      %and3A_571 = arith.andi %get3A_563, %and3A_570 : vector<16xi32>
      %eq3A_572 = arith.constant 1 : i32
      %eq3A_573 = vector.broadcast %eq3A_572 : i32 to vector<16xi32>
      %eq3A_574 = arith.cmpi eq, %and3A_571, %eq3A_573 : vector<16xi32>
      %ge3A = vector.broadcast %mul3A_2 : i32 to vector<16xi32>
      %ge3A_575 = arith.cmpi sge, %shift_right_arithmetic3A_569, %ge3A : vector<16xi32>
      %and3A_576 = arith.andi %eq3A_574, %ge3A_575 : vector<16xi1>
      %add3A_577 = arith.constant 128 : i32
      %add3A_578 = arith.addi %mul3A_2, %add3A_577 : i32
      %lt3A_579 = vector.broadcast %add3A_578 : i32 to vector<16xi32>
      %lt3A_580 = arith.cmpi slt, %shift_right_arithmetic3A_569, %lt3A_579 : vector<16xi32>
      %and3A_581 = arith.andi %and3A_576, %lt3A_580 : vector<16xi1>
      %sub3A_582 = vector.broadcast %mul3A_2 : i32 to vector<16xi32>
      %sub3A_583 = arith.subi %shift_right_arithmetic3A_569, %sub3A_582 : vector<16xi32>
      %jit3A_584 = arith.constant 0 : i32
      %broadcast_in_dim3A = vector.broadcast %jit3A_584 : i32 to vector<16xi32>
      %select_n3A_585 = arith.select %and3A_581, %sub3A_583, %broadcast_in_dim3A : vector<16xi1>, vector<16xi32>
      tpu.vector_store_idx %arg6[%select_n3A_585], %add3A_567 masked %and3A_581 : memref<128xi32, #tpu.memory_space<vmem>>[vector<16xi32>], vector<16xi32>, vector<16xi1>
    }
    %while3A_253 = arith.constant 1 : i32
    scf.for %while3A_559 = %while3A_251 to %while3A_247 step %while3A_253  : i32 {
      %mul3A_560 = arith.constant 16 : i32
      %mul3A_561 = arith.muli %while3A_559, %mul3A_560 : i32
      %get3A_562 = arith.index_cast %mul3A_561 : i32 to index
      %get3A_563 = tpu.vector_load %arg5[%get3A_562] {strides = array<i32>} : memref<8192xi32, #tpu.memory_space<vmem>>, vector<16xi32>,
      %mul3A_564 = arith.constant 16 : i32
      %mul3A_565 = arith.muli %while3A_559, %mul3A_564 : i32
      %iota3A = tpu.iota {dimensions = array<i32: 0>} : vector<16xi32>
      %add3A_566 = vector.broadcast %mul3A_565 : i32 to vector<16xi32>
      %add3A_567 = arith.addi %add3A_566, %iota3A : vector<16xi32>
      %shift_right_arithmetic3A = arith.constant 1 : i32
      %shift_right_arithmetic3A_568 = vector.broadcast %shift_right_arithmetic3A : i32 to vector<16xi32>
      %shift_right_arithmetic3A_569 = arith.shrsi %get3A_563, %shift_right_arithmetic3A_568 : vector<16xi32>
      %and3A = arith.constant 1 : i32
      %and3A_570 = vector.broadcast %and3A : i32 to vector<16xi32>
      %and3A_571 = arith.andi %get3A_563, %and3A_570 : vector<16xi32>
      %eq3A_572 = arith.constant 1 : i32
      %eq3A_573 = vector.broadcast %eq3A_572 : i32 to vector<16xi32>
      %eq3A_574 = arith.cmpi eq, %and3A_571, %eq3A_573 : vector<16xi32>
      %ge3A = vector.broadcast %mul3A_2 : i32 to vector<16xi32>
      %ge3A_575 = arith.cmpi sge, %shift_right_arithmetic3A_569, %ge3A : vector<16xi32>
      %and3A_576 = arith.andi %eq3A_574, %ge3A_575 : vector<16xi1>
      %add3A_577 = arith.constant 128 : i32
      %add3A_578 = arith.addi %mul3A_2, %add3A_577 : i32
      %lt3A_579 = vector.broadcast %add3A_578 : i32 to vector<16xi32>
      %lt3A_580 = arith.cmpi slt, %shift_right_arithmetic3A_569, %lt3A_579 : vector<16xi32>
      %and3A_581 = arith.andi %and3A_576, %lt3A_580 : vector<16xi1>
      %sub3A_582 = vector.broadcast %mul3A_2 : i32 to vector<16xi32>
      %sub3A_583 = arith.subi %shift_right_arithmetic3A_569, %sub3A_582 : vector<16xi32>
      %jit3A_584 = arith.constant 0 : i32
      %broadcast_in_dim3A = vector.broadcast %jit3A_584 : i32 to vector<16xi32>
      %select_n3A_585 = arith.select %and3A_581, %sub3A_583, %broadcast_in_dim3A : vector<16xi1>, vector<16xi32>
      tpu.vector_store_idx %arg6[%select_n3A_585], %add3A_567 masked %and3A_581 : memref<128xi32, #tpu.memory_space<vmem>>[vector<16xi32>], vector<16xi32>, vector<16xi1>
    }
    %dma_start3A = arith.constant 0 : i32
    %dma_start3A_254 = arith.constant 0 : i32
    %dma_start3A_255 = tpu.memref_slice %arg7[%dma_start3A, %dma_start3A_254] : memref<128x768xf32, #tpu.memory_space<vmem>> -> memref<16x768xf32, #tpu.memory_space<vmem>>
    %dma_start3A_256 = arith.constant 0 : i32
    %dma_start3A_257 = tpu.memref_slice %arg6[%dma_start3A_256] : memref<128xi32, #tpu.memory_space<vmem>> -> memref<16xi32, #tpu.memory_space<vmem>>
    %dma_start3A_258 = arith.constant 0 : i32
    %dma_start3A_259 = arith.constant 0 : i32
    %dma_start3A_260 = tpu.memref_slice %arg2[%dma_start3A_258, %dma_start3A_259] : memref<8192x768xf32, #tpu.memory_space<hbm>> -> memref<8192x768xf32, #tpu.memory_space<hbm>>
    tpu.enqueue_indirect_dma source(%dma_start3A_260 : memref<8192x768xf32, #tpu.memory_space<hbm>>) target(%dma_start3A_255 : memref<16x768xf32, #tpu.memory_space<vmem>>) offsets(%dma_start3A_257 : memref<16xi32, #tpu.memory_space<vmem>>) semaphore(%arg9 : memref<!tpu.dma_semaphore, #tpu.memory_space<semaphore_mem>>)
    %dma_start3A_261 = arith.constant 16 : i32
    %dma_start3A_262 = arith.constant 0 : i32
    %dma_start3A_263 = tpu.memref_slice %arg7[%dma_start3A_261, %dma_start3A_262] : memref<128x768xf32, #tpu.memory_space<vmem>> -> memref<16x768xf32, #tpu.memory_space<vmem>>
    %dma_start3A_264 = arith.constant 16 : i32
    %dma_start3A_265 = tpu.memref_slice %arg6[%dma_start3A_264] : memref<128xi32, #tpu.memory_space<vmem>> -> memref<16xi32, #tpu.memory_space<vmem>>
    %dma_start3A_266 = arith.constant 0 : i32
    %dma_start3A_267 = arith.constant 0 : i32
    %dma_start3A_268 = tpu.memref_slice %arg2[%dma_start3A_266, %dma_start3A_267] : memref<8192x768xf32, #tpu.memory_space<hbm>> -> memref<8192x768xf32, #tpu.memory_space<hbm>>
    tpu.enqueue_indirect_dma source(%dma_start3A_268 : memref<8192x768xf32, #tpu.memory_space<hbm>>) target(%dma_start3A_263 : memref<16x768xf32, #tpu.memory_space<vmem>>) offsets(%dma_start3A_265 : memref<16xi32, #tpu.memory_space<vmem>>) semaphore(%arg9 : memref<!tpu.dma_semaphore, #tpu.memory_space<semaphore_mem>>)
    %dma_start3A_269 = arith.constant 32 : i32
    %dma_start3A_270 = arith.constant 0 : i32
    %dma_start3A_271 = tpu.memref_slice %arg7[%dma_start3A_269, %dma_start3A_270] : memref<128x768xf32, #tpu.memory_space<vmem>> -> memref<16x768xf32, #tpu.memory_space<vmem>>
    %dma_start3A_272 = arith.constant 32 : i32
    %dma_start3A_273 = tpu.memref_slice %arg6[%dma_start3A_272] : memref<128xi32, #tpu.memory_space<vmem>> -> memref<16xi32, #tpu.memory_space<vmem>>
    %dma_start3A_274 = arith.constant 0 : i32
    %dma_start3A_275 = arith.constant 0 : i32
    %dma_start3A_276 = tpu.memref_slice %arg2[%dma_start3A_274, %dma_start3A_275] : memref<8192x768xf32, #tpu.memory_space<hbm>> -> memref<8192x768xf32, #tpu.memory_space<hbm>>
    tpu.enqueue_indirect_dma source(%dma_start3A_276 : memref<8192x768xf32, #tpu.memory_space<hbm>>) target(%dma_start3A_271 : memref<16x768xf32, #tpu.memory_space<vmem>>) offsets(%dma_start3A_273 : memref<16xi32, #tpu.memory_space<vmem>>) semaphore(%arg9 : memref<!tpu.dma_semaphore, #tpu.memory_space<semaphore_mem>>)
    %dma_start3A_277 = arith.constant 48 : i32
    %dma_start3A_278 = arith.constant 0 : i32
    %dma_start3A_279 = tpu.memref_slice %arg7[%dma_start3A_277, %dma_start3A_278] : memref<128x768xf32, #tpu.memory_space<vmem>> -> memref<16x768xf32, #tpu.memory_space<vmem>>
    %dma_start3A_280 = arith.constant 48 : i32
    %dma_start3A_281 = tpu.memref_slice %arg6[%dma_start3A_280] : memref<128xi32, #tpu.memory_space<vmem>> -> memref<16xi32, #tpu.memory_space<vmem>>
    %dma_start3A_282 = arith.constant 0 : i32
    %dma_start3A_283 = arith.constant 0 : i32
    %dma_start3A_284 = tpu.memref_slice %arg2[%dma_start3A_282, %dma_start3A_283] : memref<8192x768xf32, #tpu.memory_space<hbm>> -> memref<8192x768xf32, #tpu.memory_space<hbm>>
    tpu.enqueue_indirect_dma source(%dma_start3A_284 : memref<8192x768xf32, #tpu.memory_space<hbm>>) target(%dma_start3A_279 : memref<16x768xf32, #tpu.memory_space<vmem>>) offsets(%dma_start3A_281 : memref<16xi32, #tpu.memory_space<vmem>>) semaphore(%arg9 : memref<!tpu.dma_semaphore, #tpu.memory_space<semaphore_mem>>)
    %dma_start3A_285 = arith.constant 64 : i32
    %dma_start3A_286 = arith.constant 0 : i32
    %dma_start3A_287 = tpu.memref_slice %arg7[%dma_start3A_285, %dma_start3A_286] : memref<128x768xf32, #tpu.memory_space<vmem>> -> memref<16x768xf32, #tpu.memory_space<vmem>>
    %dma_start3A_288 = arith.constant 64 : i32
    %dma_start3A_289 = tpu.memref_slice %arg6[%dma_start3A_288] : memref<128xi32, #tpu.memory_space<vmem>> -> memref<16xi32, #tpu.memory_space<vmem>>
    %dma_start3A_290 = arith.constant 0 : i32
    %dma_start3A_291 = arith.constant 0 : i32
    %dma_start3A_292 = tpu.memref_slice %arg2[%dma_start3A_290, %dma_start3A_291] : memref<8192x768xf32, #tpu.memory_space<hbm>> -> memref<8192x768xf32, #tpu.memory_space<hbm>>
    tpu.enqueue_indirect_dma source(%dma_start3A_292 : memref<8192x768xf32, #tpu.memory_space<hbm>>) target(%dma_start3A_287 : memref<16x768xf32, #tpu.memory_space<vmem>>) offsets(%dma_start3A_289 : memref<16xi32, #tpu.memory_space<vmem>>) semaphore(%arg9 : memref<!tpu.dma_semaphore, #tpu.memory_space<semaphore_mem>>)
    %dma_start3A_293 = arith.constant 80 : i32
    %dma_start3A_294 = arith.constant 0 : i32
    %dma_start3A_295 = tpu.memref_slice %arg7[%dma_start3A_293, %dma_start3A_294] : memref<128x768xf32, #tpu.memory_space<vmem>> -> memref<16x768xf32, #tpu.memory_space<vmem>>
    %dma_start3A_296 = arith.constant 80 : i32
    %dma_start3A_297 = tpu.memref_slice %arg6[%dma_start3A_296] : memref<128xi32, #tpu.memory_space<vmem>> -> memref<16xi32, #tpu.memory_space<vmem>>
    %dma_start3A_298 = arith.constant 0 : i32
    %dma_start3A_299 = arith.constant 0 : i32
    %dma_start3A_300 = tpu.memref_slice %arg2[%dma_start3A_298, %dma_start3A_299] : memref<8192x768xf32, #tpu.memory_space<hbm>> -> memref<8192x768xf32, #tpu.memory_space<hbm>>
    tpu.enqueue_indirect_dma source(%dma_start3A_300 : memref<8192x768xf32, #tpu.memory_space<hbm>>) target(%dma_start3A_295 : memref<16x768xf32, #tpu.memory_space<vmem>>) offsets(%dma_start3A_297 : memref<16xi32, #tpu.memory_space<vmem>>) semaphore(%arg9 : memref<!tpu.dma_semaphore, #tpu.memory_space<semaphore_mem>>)
    %dma_start3A_301 = arith.constant 96 : i32
    %dma_start3A_302 = arith.constant 0 : i32
    %dma_start3A_303 = tpu.memref_slice %arg7[%dma_start3A_301, %dma_start3A_302] : memref<128x768xf32, #tpu.memory_space<vmem>> -> memref<16x768xf32, #tpu.memory_space<vmem>>
    %dma_start3A_304 = arith.constant 96 : i32
    %dma_start3A_305 = tpu.memref_slice %arg6[%dma_start3A_304] : memref<128xi32, #tpu.memory_space<vmem>> -> memref<16xi32, #tpu.memory_space<vmem>>
    %dma_start3A_306 = arith.constant 0 : i32
    %dma_start3A_307 = arith.constant 0 : i32
    %dma_start3A_308 = tpu.memref_slice %arg2[%dma_start3A_306, %dma_start3A_307] : memref<8192x768xf32, #tpu.memory_space<hbm>> -> memref<8192x768xf32, #tpu.memory_space<hbm>>
    tpu.enqueue_indirect_dma source(%dma_start3A_308 : memref<8192x768xf32, #tpu.memory_space<hbm>>) target(%dma_start3A_303 : memref<16x768xf32, #tpu.memory_space<vmem>>) offsets(%dma_start3A_305 : memref<16xi32, #tpu.memory_space<vmem>>) semaphore(%arg9 : memref<!tpu.dma_semaphore, #tpu.memory_space<semaphore_mem>>)
    %dma_start3A_309 = arith.constant 112 : i32
    %dma_start3A_310 = arith.constant 0 : i32
    %dma_start3A_311 = tpu.memref_slice %arg7[%dma_start3A_309, %dma_start3A_310] : memref<128x768xf32, #tpu.memory_space<vmem>> -> memref<16x768xf32, #tpu.memory_space<vmem>>
    %dma_start3A_312 = arith.constant 112 : i32
    %dma_start3A_313 = tpu.memref_slice %arg6[%dma_start3A_312] : memref<128xi32, #tpu.memory_space<vmem>> -> memref<16xi32, #tpu.memory_space<vmem>>
    %dma_start3A_314 = arith.constant 0 : i32
    %dma_start3A_315 = arith.constant 0 : i32
    %dma_start3A_316 = tpu.memref_slice %arg2[%dma_start3A_314, %dma_start3A_315] : memref<8192x768xf32, #tpu.memory_space<hbm>> -> memref<8192x768xf32, #tpu.memory_space<hbm>>
    tpu.enqueue_indirect_dma source(%dma_start3A_316 : memref<8192x768xf32, #tpu.memory_space<hbm>>) target(%dma_start3A_311 : memref<16x768xf32, #tpu.memory_space<vmem>>) offsets(%dma_start3A_313 : memref<16xi32, #tpu.memory_space<vmem>>) semaphore(%arg9 : memref<!tpu.dma_semaphore, #tpu.memory_space<semaphore_mem>>)
    %dma_wait3A = arith.constant 0 : i32
    %dma_wait3A_317 = arith.constant 0 : i32
    %dma_wait3A_318 = tpu.memref_slice %arg7[%dma_wait3A, %dma_wait3A_317] : memref<128x768xf32, #tpu.memory_space<vmem>> -> memref<16x768xf32, #tpu.memory_space<vmem>>
    %dma_wait3A_319 = arith.constant 0 : i32
    %dma_wait3A_320 = tpu.memref_slice %arg6[%dma_wait3A_319] : memref<128xi32, #tpu.memory_space<vmem>> -> memref<16xi32, #tpu.memory_space<vmem>>
    %dma_wait3A_321 = arith.constant 0 : i32
    %dma_wait3A_322 = arith.constant 0 : i32
    %dma_wait3A_323 = tpu.memref_slice %arg2[%dma_wait3A_321, %dma_wait3A_322] : memref<8192x768xf32, #tpu.memory_space<hbm>> -> memref<8192x768xf32, #tpu.memory_space<hbm>>
    tpu.wait_indirect_dma semaphore(%arg9 : memref<!tpu.dma_semaphore, #tpu.memory_space<semaphore_mem>>) src(%dma_wait3A_323 : memref<8192x768xf32, #tpu.memory_space<hbm>>) dst(%dma_wait3A_318 : memref<16x768xf32, #tpu.memory_space<vmem>>)
    %add3A_324 = arith.constant 0 : i32
    %add3A_325 = arith.addi %mul3A_2, %add3A_324 : i32
    %dma_start3A_326 = arith.constant 0 : i32
    %dma_start3A_327 = arith.constant 0 : i32
    %dma_start3A_328 = tpu.memref_slice %arg7[%dma_start3A_326, %dma_start3A_327] : memref<128x768xf32, #tpu.memory_space<vmem>> -> memref<16x768xf32, #tpu.memory_space<vmem>>
    %dma_start3A_329 = arith.constant 0 : i32
    %dma_start3A_330 = tpu.memref_slice %arg4[%add3A_325, %dma_start3A_329] : memref<4097x768xf32, #tpu.memory_space<hbm>> -> memref<16x768xf32, #tpu.memory_space<hbm>>
    %dma_start3A_331 = arith.constant 0 : i32
    %dma_start3A_332 = tpu.memref_slice %arg4[%add3A_325, %dma_start3A_331] : memref<4097x768xf32, #tpu.memory_space<hbm>> -> memref<16x768xf32, #tpu.memory_space<hbm>>
    %dma_start3A_333 = arith.constant 0 : i32
    %dma_start3A_334 = arith.constant 0 : i32
    %dma_start3A_335 = tpu.memref_slice %arg7[%dma_start3A_333, %dma_start3A_334] : memref<128x768xf32, #tpu.memory_space<vmem>> -> memref<16x768xf32, #tpu.memory_space<vmem>>
    tpu.enqueue_dma source(%dma_start3A_335 : memref<16x768xf32, #tpu.memory_space<vmem>>) target(%dma_start3A_332 : memref<16x768xf32, #tpu.memory_space<hbm>>) target_semaphore(%arg10 : memref<!tpu.dma_semaphore, #tpu.memory_space<semaphore_mem>>)
    %dma_wait3A_336 = arith.constant 16 : i32
    %dma_wait3A_337 = arith.constant 0 : i32
    %dma_wait3A_338 = tpu.memref_slice %arg7[%dma_wait3A_336, %dma_wait3A_337] : memref<128x768xf32, #tpu.memory_space<vmem>> -> memref<16x768xf32, #tpu.memory_space<vmem>>
    %dma_wait3A_339 = arith.constant 16 : i32
    %dma_wait3A_340 = tpu.memref_slice %arg6[%dma_wait3A_339] : memref<128xi32, #tpu.memory_space<vmem>> -> memref<16xi32, #tpu.memory_space<vmem>>
    %dma_wait3A_341 = arith.constant 0 : i32
    %dma_wait3A_342 = arith.constant 0 : i32
    %dma_wait3A_343 = tpu.memref_slice %arg2[%dma_wait3A_341, %dma_wait3A_342] : memref<8192x768xf32, #tpu.memory_space<hbm>> -> memref<8192x768xf32, #tpu.memory_space<hbm>>
    tpu.wait_indirect_dma semaphore(%arg9 : memref<!tpu.dma_semaphore, #tpu.memory_space<semaphore_mem>>) src(%dma_wait3A_343 : memref<8192x768xf32, #tpu.memory_space<hbm>>) dst(%dma_wait3A_338 : memref<16x768xf32, #tpu.memory_space<vmem>>)
    %add3A_344 = arith.constant 16 : i32
    %add3A_345 = arith.addi %mul3A_2, %add3A_344 : i32
    %dma_start3A_346 = arith.constant 16 : i32
    %dma_start3A_347 = arith.constant 0 : i32
    %dma_start3A_348 = tpu.memref_slice %arg7[%dma_start3A_346, %dma_start3A_347] : memref<128x768xf32, #tpu.memory_space<vmem>> -> memref<16x768xf32, #tpu.memory_space<vmem>>
    %dma_start3A_349 = arith.constant 0 : i32
    %dma_start3A_350 = tpu.memref_slice %arg4[%add3A_345, %dma_start3A_349] : memref<4097x768xf32, #tpu.memory_space<hbm>> -> memref<16x768xf32, #tpu.memory_space<hbm>>
    %dma_start3A_351 = arith.constant 0 : i32
    %dma_start3A_352 = tpu.memref_slice %arg4[%add3A_345, %dma_start3A_351] : memref<4097x768xf32, #tpu.memory_space<hbm>> -> memref<16x768xf32, #tpu.memory_space<hbm>>
    %dma_start3A_353 = arith.constant 16 : i32
    %dma_start3A_354 = arith.constant 0 : i32
    %dma_start3A_355 = tpu.memref_slice %arg7[%dma_start3A_353, %dma_start3A_354] : memref<128x768xf32, #tpu.memory_space<vmem>> -> memref<16x768xf32, #tpu.memory_space<vmem>>
    tpu.enqueue_dma source(%dma_start3A_355 : memref<16x768xf32, #tpu.memory_space<vmem>>) target(%dma_start3A_352 : memref<16x768xf32, #tpu.memory_space<hbm>>) target_semaphore(%arg10 : memref<!tpu.dma_semaphore, #tpu.memory_space<semaphore_mem>>)
    %dma_wait3A_356 = arith.constant 32 : i32
    %dma_wait3A_357 = arith.constant 0 : i32
    %dma_wait3A_358 = tpu.memref_slice %arg7[%dma_wait3A_356, %dma_wait3A_357] : memref<128x768xf32, #tpu.memory_space<vmem>> -> memref<16x768xf32, #tpu.memory_space<vmem>>
    %dma_wait3A_359 = arith.constant 32 : i32
    %dma_wait3A_360 = tpu.memref_slice %arg6[%dma_wait3A_359] : memref<128xi32, #tpu.memory_space<vmem>> -> memref<16xi32, #tpu.memory_space<vmem>>
    %dma_wait3A_361 = arith.constant 0 : i32
    %dma_wait3A_362 = arith.constant 0 : i32
    %dma_wait3A_363 = tpu.memref_slice %arg2[%dma_wait3A_361, %dma_wait3A_362] : memref<8192x768xf32, #tpu.memory_space<hbm>> -> memref<8192x768xf32, #tpu.memory_space<hbm>>
    tpu.wait_indirect_dma semaphore(%arg9 : memref<!tpu.dma_semaphore, #tpu.memory_space<semaphore_mem>>) src(%dma_wait3A_363 : memref<8192x768xf32, #tpu.memory_space<hbm>>) dst(%dma_wait3A_358 : memref<16x768xf32, #tpu.memory_space<vmem>>)
    %add3A_364 = arith.constant 32 : i32
    %add3A_365 = arith.addi %mul3A_2, %add3A_364 : i32
    %dma_start3A_366 = arith.constant 32 : i32
    %dma_start3A_367 = arith.constant 0 : i32
    %dma_start3A_368 = tpu.memref_slice %arg7[%dma_start3A_366, %dma_start3A_367] : memref<128x768xf32, #tpu.memory_space<vmem>> -> memref<16x768xf32, #tpu.memory_space<vmem>>
    %dma_start3A_369 = arith.constant 0 : i32
    %dma_start3A_370 = tpu.memref_slice %arg4[%add3A_365, %dma_start3A_369] : memref<4097x768xf32, #tpu.memory_space<hbm>> -> memref<16x768xf32, #tpu.memory_space<hbm>>
    %dma_start3A_371 = arith.constant 0 : i32
    %dma_start3A_372 = tpu.memref_slice %arg4[%add3A_365, %dma_start3A_371] : memref<4097x768xf32, #tpu.memory_space<hbm>> -> memref<16x768xf32, #tpu.memory_space<hbm>>
    %dma_start3A_373 = arith.constant 32 : i32
    %dma_start3A_374 = arith.constant 0 : i32
    %dma_start3A_375 = tpu.memref_slice %arg7[%dma_start3A_373, %dma_start3A_374] : memref<128x768xf32, #tpu.memory_space<vmem>> -> memref<16x768xf32, #tpu.memory_space<vmem>>
    tpu.enqueue_dma source(%dma_start3A_375 : memref<16x768xf32, #tpu.memory_space<vmem>>) target(%dma_start3A_372 : memref<16x768xf32, #tpu.memory_space<hbm>>) target_semaphore(%arg10 : memref<!tpu.dma_semaphore, #tpu.memory_space<semaphore_mem>>)
    %dma_wait3A_376 = arith.constant 48 : i32
    %dma_wait3A_377 = arith.constant 0 : i32
    %dma_wait3A_378 = tpu.memref_slice %arg7[%dma_wait3A_376, %dma_wait3A_377] : memref<128x768xf32, #tpu.memory_space<vmem>> -> memref<16x768xf32, #tpu.memory_space<vmem>>
    %dma_wait3A_379 = arith.constant 48 : i32
    %dma_wait3A_380 = tpu.memref_slice %arg6[%dma_wait3A_379] : memref<128xi32, #tpu.memory_space<vmem>> -> memref<16xi32, #tpu.memory_space<vmem>>
    %dma_wait3A_381 = arith.constant 0 : i32
    %dma_wait3A_382 = arith.constant 0 : i32
    %dma_wait3A_383 = tpu.memref_slice %arg2[%dma_wait3A_381, %dma_wait3A_382] : memref<8192x768xf32, #tpu.memory_space<hbm>> -> memref<8192x768xf32, #tpu.memory_space<hbm>>
    tpu.wait_indirect_dma semaphore(%arg9 : memref<!tpu.dma_semaphore, #tpu.memory_space<semaphore_mem>>) src(%dma_wait3A_383 : memref<8192x768xf32, #tpu.memory_space<hbm>>) dst(%dma_wait3A_378 : memref<16x768xf32, #tpu.memory_space<vmem>>)
    %add3A_384 = arith.constant 48 : i32
    %add3A_385 = arith.addi %mul3A_2, %add3A_384 : i32
    %dma_start3A_386 = arith.constant 48 : i32
    %dma_start3A_387 = arith.constant 0 : i32
    %dma_start3A_388 = tpu.memref_slice %arg7[%dma_start3A_386, %dma_start3A_387] : memref<128x768xf32, #tpu.memory_space<vmem>> -> memref<16x768xf32, #tpu.memory_space<vmem>>
    %dma_start3A_389 = arith.constant 0 : i32
    %dma_start3A_390 = tpu.memref_slice %arg4[%add3A_385, %dma_start3A_389] : memref<4097x768xf32, #tpu.memory_space<hbm>> -> memref<16x768xf32, #tpu.memory_space<hbm>>
    %dma_start3A_391 = arith.constant 0 : i32
    %dma_start3A_392 = tpu.memref_slice %arg4[%add3A_385, %dma_start3A_391] : memref<4097x768xf32, #tpu.memory_space<hbm>> -> memref<16x768xf32, #tpu.memory_space<hbm>>
    %dma_start3A_393 = arith.constant 48 : i32
    %dma_start3A_394 = arith.constant 0 : i32
    %dma_start3A_395 = tpu.memref_slice %arg7[%dma_start3A_393, %dma_start3A_394] : memref<128x768xf32, #tpu.memory_space<vmem>> -> memref<16x768xf32, #tpu.memory_space<vmem>>
    tpu.enqueue_dma source(%dma_start3A_395 : memref<16x768xf32, #tpu.memory_space<vmem>>) target(%dma_start3A_392 : memref<16x768xf32, #tpu.memory_space<hbm>>) target_semaphore(%arg10 : memref<!tpu.dma_semaphore, #tpu.memory_space<semaphore_mem>>)
    %dma_wait3A_396 = arith.constant 64 : i32
    %dma_wait3A_397 = arith.constant 0 : i32
    %dma_wait3A_398 = tpu.memref_slice %arg7[%dma_wait3A_396, %dma_wait3A_397] : memref<128x768xf32, #tpu.memory_space<vmem>> -> memref<16x768xf32, #tpu.memory_space<vmem>>
    %dma_wait3A_399 = arith.constant 64 : i32
    %dma_wait3A_400 = tpu.memref_slice %arg6[%dma_wait3A_399] : memref<128xi32, #tpu.memory_space<vmem>> -> memref<16xi32, #tpu.memory_space<vmem>>
    %dma_wait3A_401 = arith.constant 0 : i32
    %dma_wait3A_402 = arith.constant 0 : i32
    %dma_wait3A_403 = tpu.memref_slice %arg2[%dma_wait3A_401, %dma_wait3A_402] : memref<8192x768xf32, #tpu.memory_space<hbm>> -> memref<8192x768xf32, #tpu.memory_space<hbm>>
    tpu.wait_indirect_dma semaphore(%arg9 : memref<!tpu.dma_semaphore, #tpu.memory_space<semaphore_mem>>) src(%dma_wait3A_403 : memref<8192x768xf32, #tpu.memory_space<hbm>>) dst(%dma_wait3A_398 : memref<16x768xf32, #tpu.memory_space<vmem>>)
    %add3A_404 = arith.constant 64 : i32
    %add3A_405 = arith.addi %mul3A_2, %add3A_404 : i32
    %dma_start3A_406 = arith.constant 64 : i32
    %dma_start3A_407 = arith.constant 0 : i32
    %dma_start3A_408 = tpu.memref_slice %arg7[%dma_start3A_406, %dma_start3A_407] : memref<128x768xf32, #tpu.memory_space<vmem>> -> memref<16x768xf32, #tpu.memory_space<vmem>>
    %dma_start3A_409 = arith.constant 0 : i32
    %dma_start3A_410 = tpu.memref_slice %arg4[%add3A_405, %dma_start3A_409] : memref<4097x768xf32, #tpu.memory_space<hbm>> -> memref<16x768xf32, #tpu.memory_space<hbm>>
    %dma_start3A_411 = arith.constant 0 : i32
    %dma_start3A_412 = tpu.memref_slice %arg4[%add3A_405, %dma_start3A_411] : memref<4097x768xf32, #tpu.memory_space<hbm>> -> memref<16x768xf32, #tpu.memory_space<hbm>>
    %dma_start3A_413 = arith.constant 64 : i32
    %dma_start3A_414 = arith.constant 0 : i32
    %dma_start3A_415 = tpu.memref_slice %arg7[%dma_start3A_413, %dma_start3A_414] : memref<128x768xf32, #tpu.memory_space<vmem>> -> memref<16x768xf32, #tpu.memory_space<vmem>>
    tpu.enqueue_dma source(%dma_start3A_415 : memref<16x768xf32, #tpu.memory_space<vmem>>) target(%dma_start3A_412 : memref<16x768xf32, #tpu.memory_space<hbm>>) target_semaphore(%arg10 : memref<!tpu.dma_semaphore, #tpu.memory_space<semaphore_mem>>)
    %dma_wait3A_416 = arith.constant 80 : i32
    %dma_wait3A_417 = arith.constant 0 : i32
    %dma_wait3A_418 = tpu.memref_slice %arg7[%dma_wait3A_416, %dma_wait3A_417] : memref<128x768xf32, #tpu.memory_space<vmem>> -> memref<16x768xf32, #tpu.memory_space<vmem>>
    %dma_wait3A_419 = arith.constant 80 : i32
    %dma_wait3A_420 = tpu.memref_slice %arg6[%dma_wait3A_419] : memref<128xi32, #tpu.memory_space<vmem>> -> memref<16xi32, #tpu.memory_space<vmem>>
    %dma_wait3A_421 = arith.constant 0 : i32
    %dma_wait3A_422 = arith.constant 0 : i32
    %dma_wait3A_423 = tpu.memref_slice %arg2[%dma_wait3A_421, %dma_wait3A_422] : memref<8192x768xf32, #tpu.memory_space<hbm>> -> memref<8192x768xf32, #tpu.memory_space<hbm>>
    tpu.wait_indirect_dma semaphore(%arg9 : memref<!tpu.dma_semaphore, #tpu.memory_space<semaphore_mem>>) src(%dma_wait3A_423 : memref<8192x768xf32, #tpu.memory_space<hbm>>) dst(%dma_wait3A_418 : memref<16x768xf32, #tpu.memory_space<vmem>>)
    %add3A_424 = arith.constant 80 : i32
    %add3A_425 = arith.addi %mul3A_2, %add3A_424 : i32
    %dma_start3A_426 = arith.constant 80 : i32
    %dma_start3A_427 = arith.constant 0 : i32
    %dma_start3A_428 = tpu.memref_slice %arg7[%dma_start3A_426, %dma_start3A_427] : memref<128x768xf32, #tpu.memory_space<vmem>> -> memref<16x768xf32, #tpu.memory_space<vmem>>
    %dma_start3A_429 = arith.constant 0 : i32
    %dma_start3A_430 = tpu.memref_slice %arg4[%add3A_425, %dma_start3A_429] : memref<4097x768xf32, #tpu.memory_space<hbm>> -> memref<16x768xf32, #tpu.memory_space<hbm>>
    %dma_start3A_431 = arith.constant 0 : i32
    %dma_start3A_432 = tpu.memref_slice %arg4[%add3A_425, %dma_start3A_431] : memref<4097x768xf32, #tpu.memory_space<hbm>> -> memref<16x768xf32, #tpu.memory_space<hbm>>
    %dma_start3A_433 = arith.constant 80 : i32
    %dma_start3A_434 = arith.constant 0 : i32
    %dma_start3A_435 = tpu.memref_slice %arg7[%dma_start3A_433, %dma_start3A_434] : memref<128x768xf32, #tpu.memory_space<vmem>> -> memref<16x768xf32, #tpu.memory_space<vmem>>
    tpu.enqueue_dma source(%dma_start3A_435 : memref<16x768xf32, #tpu.memory_space<vmem>>) target(%dma_start3A_432 : memref<16x768xf32, #tpu.memory_space<hbm>>) target_semaphore(%arg10 : memref<!tpu.dma_semaphore, #tpu.memory_space<semaphore_mem>>)
    %dma_wait3A_436 = arith.constant 96 : i32
    %dma_wait3A_437 = arith.constant 0 : i32
    %dma_wait3A_438 = tpu.memref_slice %arg7[%dma_wait3A_436, %dma_wait3A_437] : memref<128x768xf32, #tpu.memory_space<vmem>> -> memref<16x768xf32, #tpu.memory_space<vmem>>
    %dma_wait3A_439 = arith.constant 96 : i32
    %dma_wait3A_440 = tpu.memref_slice %arg6[%dma_wait3A_439] : memref<128xi32, #tpu.memory_space<vmem>> -> memref<16xi32, #tpu.memory_space<vmem>>
    %dma_wait3A_441 = arith.constant 0 : i32
    %dma_wait3A_442 = arith.constant 0 : i32
    %dma_wait3A_443 = tpu.memref_slice %arg2[%dma_wait3A_441, %dma_wait3A_442] : memref<8192x768xf32, #tpu.memory_space<hbm>> -> memref<8192x768xf32, #tpu.memory_space<hbm>>
    tpu.wait_indirect_dma semaphore(%arg9 : memref<!tpu.dma_semaphore, #tpu.memory_space<semaphore_mem>>) src(%dma_wait3A_443 : memref<8192x768xf32, #tpu.memory_space<hbm>>) dst(%dma_wait3A_438 : memref<16x768xf32, #tpu.memory_space<vmem>>)
    %add3A_444 = arith.constant 96 : i32
    %add3A_445 = arith.addi %mul3A_2, %add3A_444 : i32
    %dma_start3A_446 = arith.constant 96 : i32
    %dma_start3A_447 = arith.constant 0 : i32
    %dma_start3A_448 = tpu.memref_slice %arg7[%dma_start3A_446, %dma_start3A_447] : memref<128x768xf32, #tpu.memory_space<vmem>> -> memref<16x768xf32, #tpu.memory_space<vmem>>
    %dma_start3A_449 = arith.constant 0 : i32
    %dma_start3A_450 = tpu.memref_slice %arg4[%add3A_445, %dma_start3A_449] : memref<4097x768xf32, #tpu.memory_space<hbm>> -> memref<16x768xf32, #tpu.memory_space<hbm>>
    %dma_start3A_451 = arith.constant 0 : i32
    %dma_start3A_452 = tpu.memref_slice %arg4[%add3A_445, %dma_start3A_451] : memref<4097x768xf32, #tpu.memory_space<hbm>> -> memref<16x768xf32, #tpu.memory_space<hbm>>
    %dma_start3A_453 = arith.constant 96 : i32
    %dma_start3A_454 = arith.constant 0 : i32
    %dma_start3A_455 = tpu.memref_slice %arg7[%dma_start3A_453, %dma_start3A_454] : memref<128x768xf32, #tpu.memory_space<vmem>> -> memref<16x768xf32, #tpu.memory_space<vmem>>
    tpu.enqueue_dma source(%dma_start3A_455 : memref<16x768xf32, #tpu.memory_space<vmem>>) target(%dma_start3A_452 : memref<16x768xf32, #tpu.memory_space<hbm>>) target_semaphore(%arg10 : memref<!tpu.dma_semaphore, #tpu.memory_space<semaphore_mem>>)
    %dma_wait3A_456 = arith.constant 112 : i32
    %dma_wait3A_457 = arith.constant 0 : i32
    %dma_wait3A_458 = tpu.memref_slice %arg7[%dma_wait3A_456, %dma_wait3A_457] : memref<128x768xf32, #tpu.memory_space<vmem>> -> memref<16x768xf32, #tpu.memory_space<vmem>>
    %dma_wait3A_459 = arith.constant 112 : i32
    %dma_wait3A_460 = tpu.memref_slice %arg6[%dma_wait3A_459] : memref<128xi32, #tpu.memory_space<vmem>> -> memref<16xi32, #tpu.memory_space<vmem>>
    %dma_wait3A_461 = arith.constant 0 : i32
    %dma_wait3A_462 = arith.constant 0 : i32
    %dma_wait3A_463 = tpu.memref_slice %arg2[%dma_wait3A_461, %dma_wait3A_462] : memref<8192x768xf32, #tpu.memory_space<hbm>> -> memref<8192x768xf32, #tpu.memory_space<hbm>>
    tpu.wait_indirect_dma semaphore(%arg9 : memref<!tpu.dma_semaphore, #tpu.memory_space<semaphore_mem>>) src(%dma_wait3A_463 : memref<8192x768xf32, #tpu.memory_space<hbm>>) dst(%dma_wait3A_458 : memref<16x768xf32, #tpu.memory_space<vmem>>)
    %add3A_464 = arith.constant 112 : i32
    %add3A_465 = arith.addi %mul3A_2, %add3A_464 : i32
    %dma_start3A_466 = arith.constant 112 : i32
    %dma_start3A_467 = arith.constant 0 : i32
    %dma_start3A_468 = tpu.memref_slice %arg7[%dma_start3A_466, %dma_start3A_467] : memref<128x768xf32, #tpu.memory_space<vmem>> -> memref<16x768xf32, #tpu.memory_space<vmem>>
    %dma_start3A_469 = arith.constant 0 : i32
    %dma_start3A_470 = tpu.memref_slice %arg4[%add3A_465, %dma_start3A_469] : memref<4097x768xf32, #tpu.memory_space<hbm>> -> memref<16x768xf32, #tpu.memory_space<hbm>>
    %dma_start3A_471 = arith.constant 0 : i32
    %dma_start3A_472 = tpu.memref_slice %arg4[%add3A_465, %dma_start3A_471] : memref<4097x768xf32, #tpu.memory_space<hbm>> -> memref<16x768xf32, #tpu.memory_space<hbm>>
    %dma_start3A_473 = arith.constant 112 : i32
    %dma_start3A_474 = arith.constant 0 : i32
    %dma_start3A_475 = tpu.memref_slice %arg7[%dma_start3A_473, %dma_start3A_474] : memref<128x768xf32, #tpu.memory_space<vmem>> -> memref<16x768xf32, #tpu.memory_space<vmem>>
    tpu.enqueue_dma source(%dma_start3A_475 : memref<16x768xf32, #tpu.memory_space<vmem>>) target(%dma_start3A_472 : memref<16x768xf32, #tpu.memory_space<hbm>>) target_semaphore(%arg10 : memref<!tpu.dma_semaphore, #tpu.memory_space<semaphore_mem>>)
    %eq3A = arith.constant 0 : i32
    %eq3A_476 = arith.cmpi eq, %add3A, %eq3A : i32
    %convert_element_type3A_477 = arith.extui %eq3A_476 : i1 to i32
    %cond3A = arith.constant 0 : i32
    %cond3A_478 = arith.cmpi ne, %convert_element_type3A_477, %cond3A : i32
    scf.if %cond3A_478 {
      "tpu.region"() ({
        %run_scoped3A = tpu.sem_alloc : memref<!tpu.dma_semaphore, #tpu.memory_space<semaphore_mem>>
        %dma_start3A_559 = arith.constant 0 : i32
        %dma_start3A_560 = arith.constant 0 : i32
        %dma_start3A_561 = tpu.memref_slice %arg2[%dma_start3A_559, %dma_start3A_560] : memref<8192x768xf32, #tpu.memory_space<hbm>> -> memref<1x768xf32, #tpu.memory_space<hbm>>
        %dma_start3A_562 = arith.constant 0 : i32
        %dma_start3A_563 = arith.constant 0 : i32
        %dma_start3A_564 = tpu.memref_slice %arg2[%dma_start3A_562, %dma_start3A_563] : memref<8192x768xf32, #tpu.memory_space<hbm>> -> memref<1x768xf32, #tpu.memory_space<hbm>>
        tpu.enqueue_dma source(%dma_start3A_564 : memref<1x768xf32, #tpu.memory_space<hbm>>) target(%arg8 : memref<1x768xf32, #tpu.memory_space<vmem>>) target_semaphore(%run_scoped3A : memref<!tpu.dma_semaphore, #tpu.memory_space<semaphore_mem>>)
        %dma_wait3A_565 = arith.constant 0 : i32
        %dma_wait3A_566 = arith.constant 0 : i32
        %dma_wait3A_567 = tpu.memref_slice %arg2[%dma_wait3A_565, %dma_wait3A_566] : memref<8192x768xf32, #tpu.memory_space<hbm>> -> memref<1x768xf32, #tpu.memory_space<hbm>>
        %dma_wait3A_568 = arith.constant 0 : i32
        %dma_wait3A_569 = arith.constant 0 : i32
        %dma_wait3A_570 = tpu.memref_slice %arg2[%dma_wait3A_568, %dma_wait3A_569] : memref<8192x768xf32, #tpu.memory_space<hbm>> -> memref<1x768xf32, #tpu.memory_space<hbm>>
        tpu.wait_dma2 semaphore(%run_scoped3A : memref<!tpu.dma_semaphore, #tpu.memory_space<semaphore_mem>>) src(%dma_wait3A_570 : memref<1x768xf32, #tpu.memory_space<hbm>>) dst(%arg8 : memref<1x768xf32, #tpu.memory_space<vmem>>)
        tpu.yield
      }) : () -> ()
      "tpu.region"() ({
        %run_scoped3A = tpu.sem_alloc : memref<!tpu.dma_semaphore, #tpu.memory_space<semaphore_mem>>
        %dma_start3A_559 = arith.constant 4096 : i32
        %dma_start3A_560 = arith.constant 0 : i32
        %dma_start3A_561 = tpu.memref_slice %arg4[%dma_start3A_559, %dma_start3A_560] : memref<4097x768xf32, #tpu.memory_space<hbm>> -> memref<1x768xf32, #tpu.memory_space<hbm>>
        %dma_start3A_562 = arith.constant 4096 : i32
        %dma_start3A_563 = arith.constant 0 : i32
        %dma_start3A_564 = tpu.memref_slice %arg4[%dma_start3A_562, %dma_start3A_563] : memref<4097x768xf32, #tpu.memory_space<hbm>> -> memref<1x768xf32, #tpu.memory_space<hbm>>
        tpu.enqueue_dma source(%arg8 : memref<1x768xf32, #tpu.memory_space<vmem>>) target(%dma_start3A_564 : memref<1x768xf32, #tpu.memory_space<hbm>>) target_semaphore(%run_scoped3A : memref<!tpu.dma_semaphore, #tpu.memory_space<semaphore_mem>>)
        %dma_wait3A_565 = arith.constant 4096 : i32
        %dma_wait3A_566 = arith.constant 0 : i32
        %dma_wait3A_567 = tpu.memref_slice %arg4[%dma_wait3A_565, %dma_wait3A_566] : memref<4097x768xf32, #tpu.memory_space<hbm>> -> memref<1x768xf32, #tpu.memory_space<hbm>>
        %dma_wait3A_568 = arith.constant 4096 : i32
        %dma_wait3A_569 = arith.constant 0 : i32
        %dma_wait3A_570 = tpu.memref_slice %arg4[%dma_wait3A_568, %dma_wait3A_569] : memref<4097x768xf32, #tpu.memory_space<hbm>> -> memref<1x768xf32, #tpu.memory_space<hbm>>
        tpu.wait_dma2 semaphore(%run_scoped3A : memref<!tpu.dma_semaphore, #tpu.memory_space<semaphore_mem>>) src(%arg8 : memref<1x768xf32, #tpu.memory_space<vmem>>) dst(%dma_wait3A_570 : memref<1x768xf32, #tpu.memory_space<hbm>>)
        tpu.yield
      }) : () -> ()
    } else {
    }
    %dma_wait3A_479 = arith.constant 0 : i32
    %dma_wait3A_480 = arith.constant 0 : i32
    %dma_wait3A_481 = tpu.memref_slice %arg7[%dma_wait3A_479, %dma_wait3A_480] : memref<128x768xf32, #tpu.memory_space<vmem>> -> memref<16x768xf32, #tpu.memory_space<vmem>>
    %dma_wait3A_482 = arith.constant 0 : i32
    %dma_wait3A_483 = tpu.memref_slice %arg4[%add3A_325, %dma_wait3A_482] : memref<4097x768xf32, #tpu.memory_space<hbm>> -> memref<16x768xf32, #tpu.memory_space<hbm>>
    %dma_wait3A_484 = arith.constant 0 : i32
    %dma_wait3A_485 = tpu.memref_slice %arg4[%add3A_325, %dma_wait3A_484] : memref<4097x768xf32, #tpu.memory_space<hbm>> -> memref<16x768xf32, #tpu.memory_space<hbm>>
    %dma_wait3A_486 = arith.constant 0 : i32
    %dma_wait3A_487 = arith.constant 0 : i32
    %dma_wait3A_488 = tpu.memref_slice %arg7[%dma_wait3A_486, %dma_wait3A_487] : memref<128x768xf32, #tpu.memory_space<vmem>> -> memref<16x768xf32, #tpu.memory_space<vmem>>
    tpu.wait_dma2 semaphore(%arg10 : memref<!tpu.dma_semaphore, #tpu.memory_space<semaphore_mem>>) src(%dma_wait3A_488 : memref<16x768xf32, #tpu.memory_space<vmem>>) dst(%dma_wait3A_485 : memref<16x768xf32, #tpu.memory_space<hbm>>)
    %dma_wait3A_489 = arith.constant 16 : i32
    %dma_wait3A_490 = arith.constant 0 : i32
    %dma_wait3A_491 = tpu.memref_slice %arg7[%dma_wait3A_489, %dma_wait3A_490] : memref<128x768xf32, #tpu.memory_space<vmem>> -> memref<16x768xf32, #tpu.memory_space<vmem>>
    %dma_wait3A_492 = arith.constant 0 : i32
    %dma_wait3A_493 = tpu.memref_slice %arg4[%add3A_345, %dma_wait3A_492] : memref<4097x768xf32, #tpu.memory_space<hbm>> -> memref<16x768xf32, #tpu.memory_space<hbm>>
    %dma_wait3A_494 = arith.constant 0 : i32
    %dma_wait3A_495 = tpu.memref_slice %arg4[%add3A_345, %dma_wait3A_494] : memref<4097x768xf32, #tpu.memory_space<hbm>> -> memref<16x768xf32, #tpu.memory_space<hbm>>
    %dma_wait3A_496 = arith.constant 16 : i32
    %dma_wait3A_497 = arith.constant 0 : i32
    %dma_wait3A_498 = tpu.memref_slice %arg7[%dma_wait3A_496, %dma_wait3A_497] : memref<128x768xf32, #tpu.memory_space<vmem>> -> memref<16x768xf32, #tpu.memory_space<vmem>>
    tpu.wait_dma2 semaphore(%arg10 : memref<!tpu.dma_semaphore, #tpu.memory_space<semaphore_mem>>) src(%dma_wait3A_498 : memref<16x768xf32, #tpu.memory_space<vmem>>) dst(%dma_wait3A_495 : memref<16x768xf32, #tpu.memory_space<hbm>>)
    %dma_wait3A_499 = arith.constant 32 : i32
    %dma_wait3A_500 = arith.constant 0 : i32
    %dma_wait3A_501 = tpu.memref_slice %arg7[%dma_wait3A_499, %dma_wait3A_500] : memref<128x768xf32, #tpu.memory_space<vmem>> -> memref<16x768xf32, #tpu.memory_space<vmem>>
    %dma_wait3A_502 = arith.constant 0 : i32
    %dma_wait3A_503 = tpu.memref_slice %arg4[%add3A_365, %dma_wait3A_502] : memref<4097x768xf32, #tpu.memory_space<hbm>> -> memref<16x768xf32, #tpu.memory_space<hbm>>
    %dma_wait3A_504 = arith.constant 0 : i32
    %dma_wait3A_505 = tpu.memref_slice %arg4[%add3A_365, %dma_wait3A_504] : memref<4097x768xf32, #tpu.memory_space<hbm>> -> memref<16x768xf32, #tpu.memory_space<hbm>>
    %dma_wait3A_506 = arith.constant 32 : i32
    %dma_wait3A_507 = arith.constant 0 : i32
    %dma_wait3A_508 = tpu.memref_slice %arg7[%dma_wait3A_506, %dma_wait3A_507] : memref<128x768xf32, #tpu.memory_space<vmem>> -> memref<16x768xf32, #tpu.memory_space<vmem>>
    tpu.wait_dma2 semaphore(%arg10 : memref<!tpu.dma_semaphore, #tpu.memory_space<semaphore_mem>>) src(%dma_wait3A_508 : memref<16x768xf32, #tpu.memory_space<vmem>>) dst(%dma_wait3A_505 : memref<16x768xf32, #tpu.memory_space<hbm>>)
    %dma_wait3A_509 = arith.constant 48 : i32
    %dma_wait3A_510 = arith.constant 0 : i32
    %dma_wait3A_511 = tpu.memref_slice %arg7[%dma_wait3A_509, %dma_wait3A_510] : memref<128x768xf32, #tpu.memory_space<vmem>> -> memref<16x768xf32, #tpu.memory_space<vmem>>
    %dma_wait3A_512 = arith.constant 0 : i32
    %dma_wait3A_513 = tpu.memref_slice %arg4[%add3A_385, %dma_wait3A_512] : memref<4097x768xf32, #tpu.memory_space<hbm>> -> memref<16x768xf32, #tpu.memory_space<hbm>>
    %dma_wait3A_514 = arith.constant 0 : i32
    %dma_wait3A_515 = tpu.memref_slice %arg4[%add3A_385, %dma_wait3A_514] : memref<4097x768xf32, #tpu.memory_space<hbm>> -> memref<16x768xf32, #tpu.memory_space<hbm>>
    %dma_wait3A_516 = arith.constant 48 : i32
    %dma_wait3A_517 = arith.constant 0 : i32
    %dma_wait3A_518 = tpu.memref_slice %arg7[%dma_wait3A_516, %dma_wait3A_517] : memref<128x768xf32, #tpu.memory_space<vmem>> -> memref<16x768xf32, #tpu.memory_space<vmem>>
    tpu.wait_dma2 semaphore(%arg10 : memref<!tpu.dma_semaphore, #tpu.memory_space<semaphore_mem>>) src(%dma_wait3A_518 : memref<16x768xf32, #tpu.memory_space<vmem>>) dst(%dma_wait3A_515 : memref<16x768xf32, #tpu.memory_space<hbm>>)
    %dma_wait3A_519 = arith.constant 64 : i32
    %dma_wait3A_520 = arith.constant 0 : i32
    %dma_wait3A_521 = tpu.memref_slice %arg7[%dma_wait3A_519, %dma_wait3A_520] : memref<128x768xf32, #tpu.memory_space<vmem>> -> memref<16x768xf32, #tpu.memory_space<vmem>>
    %dma_wait3A_522 = arith.constant 0 : i32
    %dma_wait3A_523 = tpu.memref_slice %arg4[%add3A_405, %dma_wait3A_522] : memref<4097x768xf32, #tpu.memory_space<hbm>> -> memref<16x768xf32, #tpu.memory_space<hbm>>
    %dma_wait3A_524 = arith.constant 0 : i32
    %dma_wait3A_525 = tpu.memref_slice %arg4[%add3A_405, %dma_wait3A_524] : memref<4097x768xf32, #tpu.memory_space<hbm>> -> memref<16x768xf32, #tpu.memory_space<hbm>>
    %dma_wait3A_526 = arith.constant 64 : i32
    %dma_wait3A_527 = arith.constant 0 : i32
    %dma_wait3A_528 = tpu.memref_slice %arg7[%dma_wait3A_526, %dma_wait3A_527] : memref<128x768xf32, #tpu.memory_space<vmem>> -> memref<16x768xf32, #tpu.memory_space<vmem>>
    tpu.wait_dma2 semaphore(%arg10 : memref<!tpu.dma_semaphore, #tpu.memory_space<semaphore_mem>>) src(%dma_wait3A_528 : memref<16x768xf32, #tpu.memory_space<vmem>>) dst(%dma_wait3A_525 : memref<16x768xf32, #tpu.memory_space<hbm>>)
    %dma_wait3A_529 = arith.constant 80 : i32
    %dma_wait3A_530 = arith.constant 0 : i32
    %dma_wait3A_531 = tpu.memref_slice %arg7[%dma_wait3A_529, %dma_wait3A_530] : memref<128x768xf32, #tpu.memory_space<vmem>> -> memref<16x768xf32, #tpu.memory_space<vmem>>
    %dma_wait3A_532 = arith.constant 0 : i32
    %dma_wait3A_533 = tpu.memref_slice %arg4[%add3A_425, %dma_wait3A_532] : memref<4097x768xf32, #tpu.memory_space<hbm>> -> memref<16x768xf32, #tpu.memory_space<hbm>>
    %dma_wait3A_534 = arith.constant 0 : i32
    %dma_wait3A_535 = tpu.memref_slice %arg4[%add3A_425, %dma_wait3A_534] : memref<4097x768xf32, #tpu.memory_space<hbm>> -> memref<16x768xf32, #tpu.memory_space<hbm>>
    %dma_wait3A_536 = arith.constant 80 : i32
    %dma_wait3A_537 = arith.constant 0 : i32
    %dma_wait3A_538 = tpu.memref_slice %arg7[%dma_wait3A_536, %dma_wait3A_537] : memref<128x768xf32, #tpu.memory_space<vmem>> -> memref<16x768xf32, #tpu.memory_space<vmem>>
    tpu.wait_dma2 semaphore(%arg10 : memref<!tpu.dma_semaphore, #tpu.memory_space<semaphore_mem>>) src(%dma_wait3A_538 : memref<16x768xf32, #tpu.memory_space<vmem>>) dst(%dma_wait3A_535 : memref<16x768xf32, #tpu.memory_space<hbm>>)
    %dma_wait3A_539 = arith.constant 96 : i32
    %dma_wait3A_540 = arith.constant 0 : i32
    %dma_wait3A_541 = tpu.memref_slice %arg7[%dma_wait3A_539, %dma_wait3A_540] : memref<128x768xf32, #tpu.memory_space<vmem>> -> memref<16x768xf32, #tpu.memory_space<vmem>>
    %dma_wait3A_542 = arith.constant 0 : i32
    %dma_wait3A_543 = tpu.memref_slice %arg4[%add3A_445, %dma_wait3A_542] : memref<4097x768xf32, #tpu.memory_space<hbm>> -> memref<16x768xf32, #tpu.memory_space<hbm>>
    %dma_wait3A_544 = arith.constant 0 : i32
    %dma_wait3A_545 = tpu.memref_slice %arg4[%add3A_445, %dma_wait3A_544] : memref<4097x768xf32, #tpu.memory_space<hbm>> -> memref<16x768xf32, #tpu.memory_space<hbm>>
    %dma_wait3A_546 = arith.constant 96 : i32
    %dma_wait3A_547 = arith.constant 0 : i32
    %dma_wait3A_548 = tpu.memref_slice %arg7[%dma_wait3A_546, %dma_wait3A_547] : memref<128x768xf32, #tpu.memory_space<vmem>> -> memref<16x768xf32, #tpu.memory_space<vmem>>
    tpu.wait_dma2 semaphore(%arg10 : memref<!tpu.dma_semaphore, #tpu.memory_space<semaphore_mem>>) src(%dma_wait3A_548 : memref<16x768xf32, #tpu.memory_space<vmem>>) dst(%dma_wait3A_545 : memref<16x768xf32, #tpu.memory_space<hbm>>)
    %dma_wait3A_549 = arith.constant 112 : i32
    %dma_wait3A_550 = arith.constant 0 : i32
    %dma_wait3A_551 = tpu.memref_slice %arg7[%dma_wait3A_549, %dma_wait3A_550] : memref<128x768xf32, #tpu.memory_space<vmem>> -> memref<16x768xf32, #tpu.memory_space<vmem>>
    %dma_wait3A_552 = arith.constant 0 : i32
    %dma_wait3A_553 = tpu.memref_slice %arg4[%add3A_465, %dma_wait3A_552] : memref<4097x768xf32, #tpu.memory_space<hbm>> -> memref<16x768xf32, #tpu.memory_space<hbm>>
    %dma_wait3A_554 = arith.constant 0 : i32
    %dma_wait3A_555 = tpu.memref_slice %arg4[%add3A_465, %dma_wait3A_554] : memref<4097x768xf32, #tpu.memory_space<hbm>> -> memref<16x768xf32, #tpu.memory_space<hbm>>
    %dma_wait3A_556 = arith.constant 112 : i32
    %dma_wait3A_557 = arith.constant 0 : i32
    %dma_wait3A_558 = tpu.memref_slice %arg7[%dma_wait3A_556, %dma_wait3A_557] : memref<128x768xf32, #tpu.memory_space<vmem>> -> memref<16x768xf32, #tpu.memory_space<vmem>>
    tpu.wait_dma2 semaphore(%arg10 : memref<!tpu.dma_semaphore, #tpu.memory_space<semaphore_mem>>) src(%dma_wait3A_558 : memref<16x768xf32, #tpu.memory_space<vmem>>) dst(%dma_wait3A_555 : memref<16x768xf32, #tpu.memory_space<hbm>>)
    return
  }
}

module attributes {stable_mosaic.version = 14 : i64} {
  func.func @_tc_scores_q_body(%arg0: i32, %arg1: memref<2048x768xf32, #tpu.memory_space<vmem>>, %arg2: memref<768x768xf32, #tpu.memory_space<vmem>>, %arg3: memref<768xf32, #tpu.memory_space<vmem>>, %arg4: memref<64x128xi32, #tpu.memory_space<vmem>>, %arg5: memref<64x128xf32, #tpu.memory_space<vmem>>, %arg6: memref<1x768xf32, #tpu.memory_space<vmem>>) attributes {dimension_semantics = [#tpu.dimension_semantics<arbitrary>], iteration_bounds = array<i64: 4>, scalar_prefetch = 0 : i64, scratch_operands = 2 : i64, tpu.core_type = #tpu.core_type<tc>, window_params = [{transform_indices = @transform_0, window_bounds = array<i64: 2048, 768>}, {pipeline_mode = #tpu.pipeline_mode<synchronous>, transform_indices = @transform_1, window_bounds = array<i64: 768, 768>}, {pipeline_mode = #tpu.pipeline_mode<synchronous>, transform_indices = @transform_2, window_bounds = array<i64: 768>}, {pipeline_mode = #tpu.pipeline_mode<synchronous>, transform_indices = @transform_3, window_bounds = array<i64: 64, 128>}]} {
    %eq3A = arith.constant 0 : i32
    %eq3A_0 = arith.cmpi eq, %arg0, %eq3A : i32
    %convert_element_type3A = arith.extui %eq3A_0 : i1 to i32
    %cond3A = arith.constant 0 : i32
    %cond3A_1 = arith.cmpi ne, %convert_element_type3A, %cond3A : i32
    scf.if %cond3A_1 {
      %get3A_289 = arith.constant 0 : index
      %get3A_290 = arith.constant 0 : index
      %get3A_291 = vector.load %arg1[%get3A_289, %get3A_290] : memref<2048x768xf32, #tpu.memory_space<vmem>>, vector<1x768xf32>
      %get3A_292 = arith.constant 0 : index
      %get3A_293 = arith.constant 0 : index
      %get3A_294 = vector.load %arg2[%get3A_292, %get3A_293] : memref<768x768xf32, #tpu.memory_space<vmem>>, vector<768x768xf32>
      %dot_general3A = arith.constant dense<0.000000e+00> : vector<1x768xf32>
      %dot_general3A_295 = tpu.matmul %get3A_291, %get3A_294, %dot_general3A {dimension_numbers = #tpu.dot_dimension_numbers<[1], [1], [0], [0], [0, 0, 1, 0], [], []>, transpose_lhs_hint = false} : vector<1x768xf32>, vector<768x768xf32>, vector<1x768xf32> -> vector<1x768xf32>
      %get3A_296 = arith.constant 0 : index
      %get3A_297 = vector.load %arg3[%get3A_296] : memref<768xf32, #tpu.memory_space<vmem>>, vector<768xf32>
      %reshape3A_298 = vector.shape_cast %get3A_297 : vector<768xf32> to vector<1x768xf32>
      %add3A_299 = arith.addf %dot_general3A_295, %reshape3A_298 : vector<1x768xf32>
      %swap3A_300 = arith.constant 0 : index
      %swap3A_301 = arith.constant 0 : index
      %swap3A_302 = vector.load %arg6[%swap3A_300, %swap3A_301] : memref<1x768xf32, #tpu.memory_space<vmem>>, vector<1x768xf32>
      tpu.vector_store %arg6[%swap3A_300, %swap3A_301], %add3A_299 {strides = array<i32>} : memref<1x768xf32, #tpu.memory_space<vmem>>, vector<1x768xf32>,
    } else {
    }
    %get3A = arith.constant 0 : index
    %get3A_2 = arith.constant 0 : index
    %get3A_3 = vector.load %arg1[%get3A, %get3A_2] : memref<2048x768xf32, #tpu.memory_space<vmem>>, vector<128x768xf32>
    %get3A_4 = arith.constant 0 : index
    %get3A_5 = arith.constant 0 : index
    %get3A_6 = vector.load %arg6[%get3A_4, %get3A_5] : memref<1x768xf32, #tpu.memory_space<vmem>>, vector<1x768xf32>
    %mul3A = vector.broadcast %get3A_6 : vector<1x768xf32> to vector<128x768xf32>
    %mul3A_7 = arith.mulf %get3A_3, %mul3A : vector<128x768xf32>
    %reduce_sum3A = arith.constant dense<0.000000e+00> : vector<128xf32>
    %reduce_sum3A_8 = vector.multi_reduction <add>, %mul3A_7, %reduce_sum3A [1] : vector<128x768xf32> to vector<128xf32>
    %reshape3A = vector.shape_cast %reduce_sum3A_8 : vector<128xf32> to vector<1x128xf32>
    %mul3A_9 = arith.constant 16 : i32
    %mul3A_10 = arith.muli %arg0, %mul3A_9 : i32
    %add3A = arith.constant 0 : i32
    %add3A_11 = arith.addi %mul3A_10, %add3A : i32
    %swap3A = arith.index_cast %add3A_11 : i32 to index
    %swap3A_12 = arith.constant 0 : index
    %swap3A_13 = vector.load %arg5[%swap3A, %swap3A_12] : memref<64x128xf32, #tpu.memory_space<vmem>>, vector<1x128xf32>
    tpu.vector_store %arg5[%swap3A, %swap3A_12], %reshape3A {strides = array<i32>} : memref<64x128xf32, #tpu.memory_space<vmem>>, vector<1x128xf32>,
    %get3A_14 = arith.constant 128 : index
    %get3A_15 = arith.constant 0 : index
    %get3A_16 = vector.load %arg1[%get3A_14, %get3A_15] : memref<2048x768xf32, #tpu.memory_space<vmem>>, vector<128x768xf32>
    %get3A_17 = arith.constant 0 : index
    %get3A_18 = arith.constant 0 : index
    %get3A_19 = vector.load %arg6[%get3A_17, %get3A_18] : memref<1x768xf32, #tpu.memory_space<vmem>>, vector<1x768xf32>
    %mul3A_20 = vector.broadcast %get3A_19 : vector<1x768xf32> to vector<128x768xf32>
    %mul3A_21 = arith.mulf %get3A_16, %mul3A_20 : vector<128x768xf32>
    %reduce_sum3A_22 = arith.constant dense<0.000000e+00> : vector<128xf32>
    %reduce_sum3A_23 = vector.multi_reduction <add>, %mul3A_21, %reduce_sum3A_22 [1] : vector<128x768xf32> to vector<128xf32>
    %reshape3A_24 = vector.shape_cast %reduce_sum3A_23 : vector<128xf32> to vector<1x128xf32>
    %mul3A_25 = arith.constant 16 : i32
    %mul3A_26 = arith.muli %arg0, %mul3A_25 : i32
    %add3A_27 = arith.constant 1 : i32
    %add3A_28 = arith.addi %mul3A_26, %add3A_27 : i32
    %swap3A_29 = arith.index_cast %add3A_28 : i32 to index
    %swap3A_30 = arith.constant 0 : index
    %swap3A_31 = vector.load %arg5[%swap3A_29, %swap3A_30] : memref<64x128xf32, #tpu.memory_space<vmem>>, vector<1x128xf32>
    tpu.vector_store %arg5[%swap3A_29, %swap3A_30], %reshape3A_24 {strides = array<i32>} : memref<64x128xf32, #tpu.memory_space<vmem>>, vector<1x128xf32>,
    %get3A_32 = arith.constant 256 : index
    %get3A_33 = arith.constant 0 : index
    %get3A_34 = vector.load %arg1[%get3A_32, %get3A_33] : memref<2048x768xf32, #tpu.memory_space<vmem>>, vector<128x768xf32>
    %get3A_35 = arith.constant 0 : index
    %get3A_36 = arith.constant 0 : index
    %get3A_37 = vector.load %arg6[%get3A_35, %get3A_36] : memref<1x768xf32, #tpu.memory_space<vmem>>, vector<1x768xf32>
    %mul3A_38 = vector.broadcast %get3A_37 : vector<1x768xf32> to vector<128x768xf32>
    %mul3A_39 = arith.mulf %get3A_34, %mul3A_38 : vector<128x768xf32>
    %reduce_sum3A_40 = arith.constant dense<0.000000e+00> : vector<128xf32>
    %reduce_sum3A_41 = vector.multi_reduction <add>, %mul3A_39, %reduce_sum3A_40 [1] : vector<128x768xf32> to vector<128xf32>
    %reshape3A_42 = vector.shape_cast %reduce_sum3A_41 : vector<128xf32> to vector<1x128xf32>
    %mul3A_43 = arith.constant 16 : i32
    %mul3A_44 = arith.muli %arg0, %mul3A_43 : i32
    %add3A_45 = arith.constant 2 : i32
    %add3A_46 = arith.addi %mul3A_44, %add3A_45 : i32
    %swap3A_47 = arith.index_cast %add3A_46 : i32 to index
    %swap3A_48 = arith.constant 0 : index
    %swap3A_49 = vector.load %arg5[%swap3A_47, %swap3A_48] : memref<64x128xf32, #tpu.memory_space<vmem>>, vector<1x128xf32>
    tpu.vector_store %arg5[%swap3A_47, %swap3A_48], %reshape3A_42 {strides = array<i32>} : memref<64x128xf32, #tpu.memory_space<vmem>>, vector<1x128xf32>,
    %get3A_50 = arith.constant 384 : index
    %get3A_51 = arith.constant 0 : index
    %get3A_52 = vector.load %arg1[%get3A_50, %get3A_51] : memref<2048x768xf32, #tpu.memory_space<vmem>>, vector<128x768xf32>
    %get3A_53 = arith.constant 0 : index
    %get3A_54 = arith.constant 0 : index
    %get3A_55 = vector.load %arg6[%get3A_53, %get3A_54] : memref<1x768xf32, #tpu.memory_space<vmem>>, vector<1x768xf32>
    %mul3A_56 = vector.broadcast %get3A_55 : vector<1x768xf32> to vector<128x768xf32>
    %mul3A_57 = arith.mulf %get3A_52, %mul3A_56 : vector<128x768xf32>
    %reduce_sum3A_58 = arith.constant dense<0.000000e+00> : vector<128xf32>
    %reduce_sum3A_59 = vector.multi_reduction <add>, %mul3A_57, %reduce_sum3A_58 [1] : vector<128x768xf32> to vector<128xf32>
    %reshape3A_60 = vector.shape_cast %reduce_sum3A_59 : vector<128xf32> to vector<1x128xf32>
    %mul3A_61 = arith.constant 16 : i32
    %mul3A_62 = arith.muli %arg0, %mul3A_61 : i32
    %add3A_63 = arith.constant 3 : i32
    %add3A_64 = arith.addi %mul3A_62, %add3A_63 : i32
    %swap3A_65 = arith.index_cast %add3A_64 : i32 to index
    %swap3A_66 = arith.constant 0 : index
    %swap3A_67 = vector.load %arg5[%swap3A_65, %swap3A_66] : memref<64x128xf32, #tpu.memory_space<vmem>>, vector<1x128xf32>
    tpu.vector_store %arg5[%swap3A_65, %swap3A_66], %reshape3A_60 {strides = array<i32>} : memref<64x128xf32, #tpu.memory_space<vmem>>, vector<1x128xf32>,
    %get3A_68 = arith.constant 512 : index
    %get3A_69 = arith.constant 0 : index
    %get3A_70 = vector.load %arg1[%get3A_68, %get3A_69] : memref<2048x768xf32, #tpu.memory_space<vmem>>, vector<128x768xf32>
    %get3A_71 = arith.constant 0 : index
    %get3A_72 = arith.constant 0 : index
    %get3A_73 = vector.load %arg6[%get3A_71, %get3A_72] : memref<1x768xf32, #tpu.memory_space<vmem>>, vector<1x768xf32>
    %mul3A_74 = vector.broadcast %get3A_73 : vector<1x768xf32> to vector<128x768xf32>
    %mul3A_75 = arith.mulf %get3A_70, %mul3A_74 : vector<128x768xf32>
    %reduce_sum3A_76 = arith.constant dense<0.000000e+00> : vector<128xf32>
    %reduce_sum3A_77 = vector.multi_reduction <add>, %mul3A_75, %reduce_sum3A_76 [1] : vector<128x768xf32> to vector<128xf32>
    %reshape3A_78 = vector.shape_cast %reduce_sum3A_77 : vector<128xf32> to vector<1x128xf32>
    %mul3A_79 = arith.constant 16 : i32
    %mul3A_80 = arith.muli %arg0, %mul3A_79 : i32
    %add3A_81 = arith.constant 4 : i32
    %add3A_82 = arith.addi %mul3A_80, %add3A_81 : i32
    %swap3A_83 = arith.index_cast %add3A_82 : i32 to index
    %swap3A_84 = arith.constant 0 : index
    %swap3A_85 = vector.load %arg5[%swap3A_83, %swap3A_84] : memref<64x128xf32, #tpu.memory_space<vmem>>, vector<1x128xf32>
    tpu.vector_store %arg5[%swap3A_83, %swap3A_84], %reshape3A_78 {strides = array<i32>} : memref<64x128xf32, #tpu.memory_space<vmem>>, vector<1x128xf32>,
    %get3A_86 = arith.constant 640 : index
    %get3A_87 = arith.constant 0 : index
    %get3A_88 = vector.load %arg1[%get3A_86, %get3A_87] : memref<2048x768xf32, #tpu.memory_space<vmem>>, vector<128x768xf32>
    %get3A_89 = arith.constant 0 : index
    %get3A_90 = arith.constant 0 : index
    %get3A_91 = vector.load %arg6[%get3A_89, %get3A_90] : memref<1x768xf32, #tpu.memory_space<vmem>>, vector<1x768xf32>
    %mul3A_92 = vector.broadcast %get3A_91 : vector<1x768xf32> to vector<128x768xf32>
    %mul3A_93 = arith.mulf %get3A_88, %mul3A_92 : vector<128x768xf32>
    %reduce_sum3A_94 = arith.constant dense<0.000000e+00> : vector<128xf32>
    %reduce_sum3A_95 = vector.multi_reduction <add>, %mul3A_93, %reduce_sum3A_94 [1] : vector<128x768xf32> to vector<128xf32>
    %reshape3A_96 = vector.shape_cast %reduce_sum3A_95 : vector<128xf32> to vector<1x128xf32>
    %mul3A_97 = arith.constant 16 : i32
    %mul3A_98 = arith.muli %arg0, %mul3A_97 : i32
    %add3A_99 = arith.constant 5 : i32
    %add3A_100 = arith.addi %mul3A_98, %add3A_99 : i32
    %swap3A_101 = arith.index_cast %add3A_100 : i32 to index
    %swap3A_102 = arith.constant 0 : index
    %swap3A_103 = vector.load %arg5[%swap3A_101, %swap3A_102] : memref<64x128xf32, #tpu.memory_space<vmem>>, vector<1x128xf32>
    tpu.vector_store %arg5[%swap3A_101, %swap3A_102], %reshape3A_96 {strides = array<i32>} : memref<64x128xf32, #tpu.memory_space<vmem>>, vector<1x128xf32>,
    %get3A_104 = arith.constant 768 : index
    %get3A_105 = arith.constant 0 : index
    %get3A_106 = vector.load %arg1[%get3A_104, %get3A_105] : memref<2048x768xf32, #tpu.memory_space<vmem>>, vector<128x768xf32>
    %get3A_107 = arith.constant 0 : index
    %get3A_108 = arith.constant 0 : index
    %get3A_109 = vector.load %arg6[%get3A_107, %get3A_108] : memref<1x768xf32, #tpu.memory_space<vmem>>, vector<1x768xf32>
    %mul3A_110 = vector.broadcast %get3A_109 : vector<1x768xf32> to vector<128x768xf32>
    %mul3A_111 = arith.mulf %get3A_106, %mul3A_110 : vector<128x768xf32>
    %reduce_sum3A_112 = arith.constant dense<0.000000e+00> : vector<128xf32>
    %reduce_sum3A_113 = vector.multi_reduction <add>, %mul3A_111, %reduce_sum3A_112 [1] : vector<128x768xf32> to vector<128xf32>
    %reshape3A_114 = vector.shape_cast %reduce_sum3A_113 : vector<128xf32> to vector<1x128xf32>
    %mul3A_115 = arith.constant 16 : i32
    %mul3A_116 = arith.muli %arg0, %mul3A_115 : i32
    %add3A_117 = arith.constant 6 : i32
    %add3A_118 = arith.addi %mul3A_116, %add3A_117 : i32
    %swap3A_119 = arith.index_cast %add3A_118 : i32 to index
    %swap3A_120 = arith.constant 0 : index
    %swap3A_121 = vector.load %arg5[%swap3A_119, %swap3A_120] : memref<64x128xf32, #tpu.memory_space<vmem>>, vector<1x128xf32>
    tpu.vector_store %arg5[%swap3A_119, %swap3A_120], %reshape3A_114 {strides = array<i32>} : memref<64x128xf32, #tpu.memory_space<vmem>>, vector<1x128xf32>,
    %get3A_122 = arith.constant 896 : index
    %get3A_123 = arith.constant 0 : index
    %get3A_124 = vector.load %arg1[%get3A_122, %get3A_123] : memref<2048x768xf32, #tpu.memory_space<vmem>>, vector<128x768xf32>
    %get3A_125 = arith.constant 0 : index
    %get3A_126 = arith.constant 0 : index
    %get3A_127 = vector.load %arg6[%get3A_125, %get3A_126] : memref<1x768xf32, #tpu.memory_space<vmem>>, vector<1x768xf32>
    %mul3A_128 = vector.broadcast %get3A_127 : vector<1x768xf32> to vector<128x768xf32>
    %mul3A_129 = arith.mulf %get3A_124, %mul3A_128 : vector<128x768xf32>
    %reduce_sum3A_130 = arith.constant dense<0.000000e+00> : vector<128xf32>
    %reduce_sum3A_131 = vector.multi_reduction <add>, %mul3A_129, %reduce_sum3A_130 [1] : vector<128x768xf32> to vector<128xf32>
    %reshape3A_132 = vector.shape_cast %reduce_sum3A_131 : vector<128xf32> to vector<1x128xf32>
    %mul3A_133 = arith.constant 16 : i32
    %mul3A_134 = arith.muli %arg0, %mul3A_133 : i32
    %add3A_135 = arith.constant 7 : i32
    %add3A_136 = arith.addi %mul3A_134, %add3A_135 : i32
    %swap3A_137 = arith.index_cast %add3A_136 : i32 to index
    %swap3A_138 = arith.constant 0 : index
    %swap3A_139 = vector.load %arg5[%swap3A_137, %swap3A_138] : memref<64x128xf32, #tpu.memory_space<vmem>>, vector<1x128xf32>
    tpu.vector_store %arg5[%swap3A_137, %swap3A_138], %reshape3A_132 {strides = array<i32>} : memref<64x128xf32, #tpu.memory_space<vmem>>, vector<1x128xf32>,
    %get3A_140 = arith.constant 1024 : index
    %get3A_141 = arith.constant 0 : index
    %get3A_142 = vector.load %arg1[%get3A_140, %get3A_141] : memref<2048x768xf32, #tpu.memory_space<vmem>>, vector<128x768xf32>
    %get3A_143 = arith.constant 0 : index
    %get3A_144 = arith.constant 0 : index
    %get3A_145 = vector.load %arg6[%get3A_143, %get3A_144] : memref<1x768xf32, #tpu.memory_space<vmem>>, vector<1x768xf32>
    %mul3A_146 = vector.broadcast %get3A_145 : vector<1x768xf32> to vector<128x768xf32>
    %mul3A_147 = arith.mulf %get3A_142, %mul3A_146 : vector<128x768xf32>
    %reduce_sum3A_148 = arith.constant dense<0.000000e+00> : vector<128xf32>
    %reduce_sum3A_149 = vector.multi_reduction <add>, %mul3A_147, %reduce_sum3A_148 [1] : vector<128x768xf32> to vector<128xf32>
    %reshape3A_150 = vector.shape_cast %reduce_sum3A_149 : vector<128xf32> to vector<1x128xf32>
    %mul3A_151 = arith.constant 16 : i32
    %mul3A_152 = arith.muli %arg0, %mul3A_151 : i32
    %add3A_153 = arith.constant 8 : i32
    %add3A_154 = arith.addi %mul3A_152, %add3A_153 : i32
    %swap3A_155 = arith.index_cast %add3A_154 : i32 to index
    %swap3A_156 = arith.constant 0 : index
    %swap3A_157 = vector.load %arg5[%swap3A_155, %swap3A_156] : memref<64x128xf32, #tpu.memory_space<vmem>>, vector<1x128xf32>
    tpu.vector_store %arg5[%swap3A_155, %swap3A_156], %reshape3A_150 {strides = array<i32>} : memref<64x128xf32, #tpu.memory_space<vmem>>, vector<1x128xf32>,
    %get3A_158 = arith.constant 1152 : index
    %get3A_159 = arith.constant 0 : index
    %get3A_160 = vector.load %arg1[%get3A_158, %get3A_159] : memref<2048x768xf32, #tpu.memory_space<vmem>>, vector<128x768xf32>
    %get3A_161 = arith.constant 0 : index
    %get3A_162 = arith.constant 0 : index
    %get3A_163 = vector.load %arg6[%get3A_161, %get3A_162] : memref<1x768xf32, #tpu.memory_space<vmem>>, vector<1x768xf32>
    %mul3A_164 = vector.broadcast %get3A_163 : vector<1x768xf32> to vector<128x768xf32>
    %mul3A_165 = arith.mulf %get3A_160, %mul3A_164 : vector<128x768xf32>
    %reduce_sum3A_166 = arith.constant dense<0.000000e+00> : vector<128xf32>
    %reduce_sum3A_167 = vector.multi_reduction <add>, %mul3A_165, %reduce_sum3A_166 [1] : vector<128x768xf32> to vector<128xf32>
    %reshape3A_168 = vector.shape_cast %reduce_sum3A_167 : vector<128xf32> to vector<1x128xf32>
    %mul3A_169 = arith.constant 16 : i32
    %mul3A_170 = arith.muli %arg0, %mul3A_169 : i32
    %add3A_171 = arith.constant 9 : i32
    %add3A_172 = arith.addi %mul3A_170, %add3A_171 : i32
    %swap3A_173 = arith.index_cast %add3A_172 : i32 to index
    %swap3A_174 = arith.constant 0 : index
    %swap3A_175 = vector.load %arg5[%swap3A_173, %swap3A_174] : memref<64x128xf32, #tpu.memory_space<vmem>>, vector<1x128xf32>
    tpu.vector_store %arg5[%swap3A_173, %swap3A_174], %reshape3A_168 {strides = array<i32>} : memref<64x128xf32, #tpu.memory_space<vmem>>, vector<1x128xf32>,
    %get3A_176 = arith.constant 1280 : index
    %get3A_177 = arith.constant 0 : index
    %get3A_178 = vector.load %arg1[%get3A_176, %get3A_177] : memref<2048x768xf32, #tpu.memory_space<vmem>>, vector<128x768xf32>
    %get3A_179 = arith.constant 0 : index
    %get3A_180 = arith.constant 0 : index
    %get3A_181 = vector.load %arg6[%get3A_179, %get3A_180] : memref<1x768xf32, #tpu.memory_space<vmem>>, vector<1x768xf32>
    %mul3A_182 = vector.broadcast %get3A_181 : vector<1x768xf32> to vector<128x768xf32>
    %mul3A_183 = arith.mulf %get3A_178, %mul3A_182 : vector<128x768xf32>
    %reduce_sum3A_184 = arith.constant dense<0.000000e+00> : vector<128xf32>
    %reduce_sum3A_185 = vector.multi_reduction <add>, %mul3A_183, %reduce_sum3A_184 [1] : vector<128x768xf32> to vector<128xf32>
    %reshape3A_186 = vector.shape_cast %reduce_sum3A_185 : vector<128xf32> to vector<1x128xf32>
    %mul3A_187 = arith.constant 16 : i32
    %mul3A_188 = arith.muli %arg0, %mul3A_187 : i32
    %add3A_189 = arith.constant 10 : i32
    %add3A_190 = arith.addi %mul3A_188, %add3A_189 : i32
    %swap3A_191 = arith.index_cast %add3A_190 : i32 to index
    %swap3A_192 = arith.constant 0 : index
    %swap3A_193 = vector.load %arg5[%swap3A_191, %swap3A_192] : memref<64x128xf32, #tpu.memory_space<vmem>>, vector<1x128xf32>
    tpu.vector_store %arg5[%swap3A_191, %swap3A_192], %reshape3A_186 {strides = array<i32>} : memref<64x128xf32, #tpu.memory_space<vmem>>, vector<1x128xf32>,
    %get3A_194 = arith.constant 1408 : index
    %get3A_195 = arith.constant 0 : index
    %get3A_196 = vector.load %arg1[%get3A_194, %get3A_195] : memref<2048x768xf32, #tpu.memory_space<vmem>>, vector<128x768xf32>
    %get3A_197 = arith.constant 0 : index
    %get3A_198 = arith.constant 0 : index
    %get3A_199 = vector.load %arg6[%get3A_197, %get3A_198] : memref<1x768xf32, #tpu.memory_space<vmem>>, vector<1x768xf32>
    %mul3A_200 = vector.broadcast %get3A_199 : vector<1x768xf32> to vector<128x768xf32>
    %mul3A_201 = arith.mulf %get3A_196, %mul3A_200 : vector<128x768xf32>
    %reduce_sum3A_202 = arith.constant dense<0.000000e+00> : vector<128xf32>
    %reduce_sum3A_203 = vector.multi_reduction <add>, %mul3A_201, %reduce_sum3A_202 [1] : vector<128x768xf32> to vector<128xf32>
    %reshape3A_204 = vector.shape_cast %reduce_sum3A_203 : vector<128xf32> to vector<1x128xf32>
    %mul3A_205 = arith.constant 16 : i32
    %mul3A_206 = arith.muli %arg0, %mul3A_205 : i32
    %add3A_207 = arith.constant 11 : i32
    %add3A_208 = arith.addi %mul3A_206, %add3A_207 : i32
    %swap3A_209 = arith.index_cast %add3A_208 : i32 to index
    %swap3A_210 = arith.constant 0 : index
    %swap3A_211 = vector.load %arg5[%swap3A_209, %swap3A_210] : memref<64x128xf32, #tpu.memory_space<vmem>>, vector<1x128xf32>
    tpu.vector_store %arg5[%swap3A_209, %swap3A_210], %reshape3A_204 {strides = array<i32>} : memref<64x128xf32, #tpu.memory_space<vmem>>, vector<1x128xf32>,
    %get3A_212 = arith.constant 1536 : index
    %get3A_213 = arith.constant 0 : index
    %get3A_214 = vector.load %arg1[%get3A_212, %get3A_213] : memref<2048x768xf32, #tpu.memory_space<vmem>>, vector<128x768xf32>
    %get3A_215 = arith.constant 0 : index
    %get3A_216 = arith.constant 0 : index
    %get3A_217 = vector.load %arg6[%get3A_215, %get3A_216] : memref<1x768xf32, #tpu.memory_space<vmem>>, vector<1x768xf32>
    %mul3A_218 = vector.broadcast %get3A_217 : vector<1x768xf32> to vector<128x768xf32>
    %mul3A_219 = arith.mulf %get3A_214, %mul3A_218 : vector<128x768xf32>
    %reduce_sum3A_220 = arith.constant dense<0.000000e+00> : vector<128xf32>
    %reduce_sum3A_221 = vector.multi_reduction <add>, %mul3A_219, %reduce_sum3A_220 [1] : vector<128x768xf32> to vector<128xf32>
    %reshape3A_222 = vector.shape_cast %reduce_sum3A_221 : vector<128xf32> to vector<1x128xf32>
    %mul3A_223 = arith.constant 16 : i32
    %mul3A_224 = arith.muli %arg0, %mul3A_223 : i32
    %add3A_225 = arith.constant 12 : i32
    %add3A_226 = arith.addi %mul3A_224, %add3A_225 : i32
    %swap3A_227 = arith.index_cast %add3A_226 : i32 to index
    %swap3A_228 = arith.constant 0 : index
    %swap3A_229 = vector.load %arg5[%swap3A_227, %swap3A_228] : memref<64x128xf32, #tpu.memory_space<vmem>>, vector<1x128xf32>
    tpu.vector_store %arg5[%swap3A_227, %swap3A_228], %reshape3A_222 {strides = array<i32>} : memref<64x128xf32, #tpu.memory_space<vmem>>, vector<1x128xf32>,
    %get3A_230 = arith.constant 1664 : index
    %get3A_231 = arith.constant 0 : index
    %get3A_232 = vector.load %arg1[%get3A_230, %get3A_231] : memref<2048x768xf32, #tpu.memory_space<vmem>>, vector<128x768xf32>
    %get3A_233 = arith.constant 0 : index
    %get3A_234 = arith.constant 0 : index
    %get3A_235 = vector.load %arg6[%get3A_233, %get3A_234] : memref<1x768xf32, #tpu.memory_space<vmem>>, vector<1x768xf32>
    %mul3A_236 = vector.broadcast %get3A_235 : vector<1x768xf32> to vector<128x768xf32>
    %mul3A_237 = arith.mulf %get3A_232, %mul3A_236 : vector<128x768xf32>
    %reduce_sum3A_238 = arith.constant dense<0.000000e+00> : vector<128xf32>
    %reduce_sum3A_239 = vector.multi_reduction <add>, %mul3A_237, %reduce_sum3A_238 [1] : vector<128x768xf32> to vector<128xf32>
    %reshape3A_240 = vector.shape_cast %reduce_sum3A_239 : vector<128xf32> to vector<1x128xf32>
    %mul3A_241 = arith.constant 16 : i32
    %mul3A_242 = arith.muli %arg0, %mul3A_241 : i32
    %add3A_243 = arith.constant 13 : i32
    %add3A_244 = arith.addi %mul3A_242, %add3A_243 : i32
    %swap3A_245 = arith.index_cast %add3A_244 : i32 to index
    %swap3A_246 = arith.constant 0 : index
    %swap3A_247 = vector.load %arg5[%swap3A_245, %swap3A_246] : memref<64x128xf32, #tpu.memory_space<vmem>>, vector<1x128xf32>
    tpu.vector_store %arg5[%swap3A_245, %swap3A_246], %reshape3A_240 {strides = array<i32>} : memref<64x128xf32, #tpu.memory_space<vmem>>, vector<1x128xf32>,
    %get3A_248 = arith.constant 1792 : index
    %get3A_249 = arith.constant 0 : index
    %get3A_250 = vector.load %arg1[%get3A_248, %get3A_249] : memref<2048x768xf32, #tpu.memory_space<vmem>>, vector<128x768xf32>
    %get3A_251 = arith.constant 0 : index
    %get3A_252 = arith.constant 0 : index
    %get3A_253 = vector.load %arg6[%get3A_251, %get3A_252] : memref<1x768xf32, #tpu.memory_space<vmem>>, vector<1x768xf32>
    %mul3A_254 = vector.broadcast %get3A_253 : vector<1x768xf32> to vector<128x768xf32>
    %mul3A_255 = arith.mulf %get3A_250, %mul3A_254 : vector<128x768xf32>
    %reduce_sum3A_256 = arith.constant dense<0.000000e+00> : vector<128xf32>
    %reduce_sum3A_257 = vector.multi_reduction <add>, %mul3A_255, %reduce_sum3A_256 [1] : vector<128x768xf32> to vector<128xf32>
    %reshape3A_258 = vector.shape_cast %reduce_sum3A_257 : vector<128xf32> to vector<1x128xf32>
    %mul3A_259 = arith.constant 16 : i32
    %mul3A_260 = arith.muli %arg0, %mul3A_259 : i32
    %add3A_261 = arith.constant 14 : i32
    %add3A_262 = arith.addi %mul3A_260, %add3A_261 : i32
    %swap3A_263 = arith.index_cast %add3A_262 : i32 to index
    %swap3A_264 = arith.constant 0 : index
    %swap3A_265 = vector.load %arg5[%swap3A_263, %swap3A_264] : memref<64x128xf32, #tpu.memory_space<vmem>>, vector<1x128xf32>
    tpu.vector_store %arg5[%swap3A_263, %swap3A_264], %reshape3A_258 {strides = array<i32>} : memref<64x128xf32, #tpu.memory_space<vmem>>, vector<1x128xf32>,
    %get3A_266 = arith.constant 1920 : index
    %get3A_267 = arith.constant 0 : index
    %get3A_268 = vector.load %arg1[%get3A_266, %get3A_267] : memref<2048x768xf32, #tpu.memory_space<vmem>>, vector<128x768xf32>
    %get3A_269 = arith.constant 0 : index
    %get3A_270 = arith.constant 0 : index
    %get3A_271 = vector.load %arg6[%get3A_269, %get3A_270] : memref<1x768xf32, #tpu.memory_space<vmem>>, vector<1x768xf32>
    %mul3A_272 = vector.broadcast %get3A_271 : vector<1x768xf32> to vector<128x768xf32>
    %mul3A_273 = arith.mulf %get3A_268, %mul3A_272 : vector<128x768xf32>
    %reduce_sum3A_274 = arith.constant dense<0.000000e+00> : vector<128xf32>
    %reduce_sum3A_275 = vector.multi_reduction <add>, %mul3A_273, %reduce_sum3A_274 [1] : vector<128x768xf32> to vector<128xf32>
    %reshape3A_276 = vector.shape_cast %reduce_sum3A_275 : vector<128xf32> to vector<1x128xf32>
    %mul3A_277 = arith.constant 16 : i32
    %mul3A_278 = arith.muli %arg0, %mul3A_277 : i32
    %add3A_279 = arith.constant 15 : i32
    %add3A_280 = arith.addi %mul3A_278, %add3A_279 : i32
    %swap3A_281 = arith.index_cast %add3A_280 : i32 to index
    %swap3A_282 = arith.constant 0 : index
    %swap3A_283 = vector.load %arg5[%swap3A_281, %swap3A_282] : memref<64x128xf32, #tpu.memory_space<vmem>>, vector<1x128xf32>
    tpu.vector_store %arg5[%swap3A_281, %swap3A_282], %reshape3A_276 {strides = array<i32>} : memref<64x128xf32, #tpu.memory_space<vmem>>, vector<1x128xf32>,
    %eq3A_284 = arith.constant 3 : i32
    %eq3A_285 = arith.cmpi eq, %arg0, %eq3A_284 : i32
    %convert_element_type3A_286 = arith.extui %eq3A_285 : i1 to i32
    %cond3A_287 = arith.constant 0 : i32
    %cond3A_288 = arith.cmpi ne, %convert_element_type3A_286, %cond3A_287 : i32
    scf.if %cond3A_288 {
      %get3A_289 = arith.constant 0 : index
      %get3A_290 = arith.constant 0 : index
      %get3A_291 = vector.load %arg5[%get3A_289, %get3A_290] : memref<64x128xf32, #tpu.memory_space<vmem>>, vector<64x128xf32>
      %bitcast_convert_type3A = tpu.bitcast %get3A_291 : vector<64x128xf32> -> vector<64x128xi32>
      %ge3A = arith.constant 0 : i32
      %ge3A_292 = vector.broadcast %ge3A : i32 to vector<64x128xi32>
      %ge3A_293 = arith.cmpi sge, %bitcast_convert_type3A, %ge3A_292 : vector<64x128xi32>
      %not3A = arith.constant dense<-1> : vector<64x128xi32>
      %not3A_294 = arith.xori %bitcast_convert_type3A, %not3A : vector<64x128xi32>
      %xor3A = arith.constant -2147483648 : i32
      %xor3A_295 = vector.broadcast %xor3A : i32 to vector<64x128xi32>
      %xor3A_296 = arith.xori %not3A_294, %xor3A_295 : vector<64x128xi32>
      %select_n3A = arith.select %ge3A_293, %bitcast_convert_type3A, %xor3A_296 : vector<64x128xi1>, vector<64x128xi32>
      %iota3A = tpu.iota {dimensions = array<i32: 0>} : vector<64x128xi32>
      %iota3A_297 = tpu.iota {dimensions = array<i32: 1>} : vector<64x128xi32>
      %eq3A_298 = arith.constant 0 : i32
      %eq3A_299 = vector.broadcast %eq3A_298 : i32 to vector<64x128xi32>
      %eq3A_300 = arith.cmpi eq, %iota3A, %eq3A_299 : vector<64x128xi32>
      %eq3A_301 = arith.constant 0 : i32
      %eq3A_302 = vector.broadcast %eq3A_301 : i32 to vector<64x128xi32>
      %eq3A_303 = arith.cmpi eq, %iota3A_297, %eq3A_302 : vector<64x128xi32>
      %and3A = arith.andi %eq3A_300, %eq3A_303 : vector<64x128xi1>
      %jit3A = arith.constant -2147483648 : i32
      %broadcast_in_dim3A = vector.broadcast %jit3A : i32 to vector<64x128xi32>
      %select_n3A_304 = arith.select %and3A, %broadcast_in_dim3A, %select_n3A : vector<64x128xi1>, vector<64x128xi32>
      %xor3A_305 = arith.constant -2147483648 : i32
      %xor3A_306 = vector.broadcast %xor3A_305 : i32 to vector<64x128xi32>
      %xor3A_307 = arith.xori %select_n3A_304, %xor3A_306 : vector<64x128xi32>
      %broadcast_in_dim3A_308 = arith.constant 0 : i32
      %broadcast_in_dim3A_309 = vector.broadcast %broadcast_in_dim3A_308 : i32 to vector<1x1xi32>
      %broadcast_in_dim3A_310 = arith.constant 0 : i32
      %broadcast_in_dim3A_311 = vector.broadcast %broadcast_in_dim3A_310 : i32 to vector<1x1xi32>
      %broadcast_in_dim3A_312 = arith.constant 4096 : i32
      %broadcast_in_dim3A_313 = vector.broadcast %broadcast_in_dim3A_312 : i32 to vector<1x1xi32>
      %and3A_314 = vector.broadcast %broadcast_in_dim3A_309 : vector<1x1xi32> to vector<64x128xi32>
      %and3A_315 = arith.andi %xor3A_307, %and3A_314 : vector<64x128xi32>
      %eq3A_316 = vector.broadcast %broadcast_in_dim3A_311 : vector<1x1xi32> to vector<64x128xi32>
      %eq3A_317 = arith.cmpi eq, %and3A_315, %eq3A_316 : vector<64x128xi32>
      %shift_right_logical3A = arith.constant 30 : i32
      %shift_right_logical3A_318 = vector.broadcast %shift_right_logical3A : i32 to vector<64x128xi32>
      %shift_right_logical3A_319 = arith.shrui %xor3A_307, %shift_right_logical3A_318 : vector<64x128xi32>
      %and3A_320 = arith.constant 3 : i32
      %and3A_321 = vector.broadcast %and3A_320 : i32 to vector<64x128xi32>
      %and3A_322 = arith.andi %shift_right_logical3A_319, %and3A_321 : vector<64x128xi32>
      %eq3A_323 = arith.constant 3 : i32
      %eq3A_324 = vector.broadcast %eq3A_323 : i32 to vector<64x128xi32>
      %eq3A_325 = arith.cmpi eq, %and3A_322, %eq3A_324 : vector<64x128xi32>
      %and3A_326 = arith.andi %eq3A_317, %eq3A_325 : vector<64x128xi1>
      %convert_element_type3A_327 = arith.extui %and3A_326 : vector<64x128xi1> to vector<64x128xi32>
      %reduce_sum3A_328 = vector.shape_cast %convert_element_type3A_327 : vector<64x128xi32> to vector<1x64x128xi32>
      %reduce_sum3A_329 = arith.constant dense<0> : vector<1xi32>
      %reduce_sum3A_330 = vector.multi_reduction <add>, %reduce_sum3A_328, %reduce_sum3A_329 [1, 2] : vector<1x64x128xi32> to vector<1xi32>
      %reduce_sum3A_331 = vector.shape_cast %reduce_sum3A_330 : vector<1xi32> to vector<1x1x1xi32>
      %reduce_sum3A_332 = vector.extract %reduce_sum3A_331[0, 0, 0] : i32 from vector<1x1x1xi32>
      %broadcast_in_dim3A_333 = vector.broadcast %reduce_sum3A_332 : i32 to vector<1x1xi32>
      %eq3A_334 = arith.constant 2 : i32
      %eq3A_335 = vector.broadcast %eq3A_334 : i32 to vector<64x128xi32>
      %eq3A_336 = arith.cmpi eq, %and3A_322, %eq3A_335 : vector<64x128xi32>
      %and3A_337 = arith.andi %eq3A_317, %eq3A_336 : vector<64x128xi1>
      %convert_element_type3A_338 = arith.extui %and3A_337 : vector<64x128xi1> to vector<64x128xi32>
      %reduce_sum3A_339 = vector.shape_cast %convert_element_type3A_338 : vector<64x128xi32> to vector<1x64x128xi32>
      %reduce_sum3A_340 = arith.constant dense<0> : vector<1xi32>
      %reduce_sum3A_341 = vector.multi_reduction <add>, %reduce_sum3A_339, %reduce_sum3A_340 [1, 2] : vector<1x64x128xi32> to vector<1xi32>
      %reduce_sum3A_342 = vector.shape_cast %reduce_sum3A_341 : vector<1xi32> to vector<1x1x1xi32>
      %reduce_sum3A_343 = vector.extract %reduce_sum3A_342[0, 0, 0] : i32 from vector<1x1x1xi32>
      %broadcast_in_dim3A_344 = vector.broadcast %reduce_sum3A_343 : i32 to vector<1x1xi32>
      %eq3A_345 = arith.constant 1 : i32
      %eq3A_346 = vector.broadcast %eq3A_345 : i32 to vector<64x128xi32>
      %eq3A_347 = arith.cmpi eq, %and3A_322, %eq3A_346 : vector<64x128xi32>
      %and3A_348 = arith.andi %eq3A_317, %eq3A_347 : vector<64x128xi1>
      %convert_element_type3A_349 = arith.extui %and3A_348 : vector<64x128xi1> to vector<64x128xi32>
      %reduce_sum3A_350 = vector.shape_cast %convert_element_type3A_349 : vector<64x128xi32> to vector<1x64x128xi32>
      %reduce_sum3A_351 = arith.constant dense<0> : vector<1xi32>
      %reduce_sum3A_352 = vector.multi_reduction <add>, %reduce_sum3A_350, %reduce_sum3A_351 [1, 2] : vector<1x64x128xi32> to vector<1xi32>
      %reduce_sum3A_353 = vector.shape_cast %reduce_sum3A_352 : vector<1xi32> to vector<1x1x1xi32>
      %reduce_sum3A_354 = vector.extract %reduce_sum3A_353[0, 0, 0] : i32 from vector<1x1x1xi32>
      %broadcast_in_dim3A_355 = vector.broadcast %reduce_sum3A_354 : i32 to vector<1x1xi32>
      %add3A_356 = arith.addi %broadcast_in_dim3A_333, %broadcast_in_dim3A_344 : vector<1x1xi32>
      %add3A_357 = arith.addi %add3A_356, %broadcast_in_dim3A_355 : vector<1x1xi32>
      %le3A = arith.cmpi sle, %broadcast_in_dim3A_313, %broadcast_in_dim3A_333 : vector<1x1xi32>
      %le3A_358 = arith.cmpi sle, %broadcast_in_dim3A_313, %add3A_356 : vector<1x1xi32>
      %le3A_359 = arith.cmpi sle, %broadcast_in_dim3A_313, %add3A_357 : vector<1x1xi32>
      %jit3A_360 = arith.constant 1 : i32
      %jit3A_361 = arith.constant 0 : i32
      %broadcast_in_dim3A_362 = vector.broadcast %jit3A_360 : i32 to vector<1x1xi32>
      %broadcast_in_dim3A_363 = vector.broadcast %jit3A_361 : i32 to vector<1x1xi32>
      %select_n3A_364 = arith.select %le3A_359, %broadcast_in_dim3A_362, %broadcast_in_dim3A_363 : vector<1x1xi1>, vector<1x1xi32>
      %jit3A_365 = arith.constant 2 : i32
      %broadcast_in_dim3A_366 = vector.broadcast %jit3A_365 : i32 to vector<1x1xi32>
      %select_n3A_367 = arith.select %le3A_358, %broadcast_in_dim3A_366, %select_n3A_364 : vector<1x1xi1>, vector<1x1xi32>
      %jit3A_368 = arith.constant 3 : i32
      %broadcast_in_dim3A_369 = vector.broadcast %jit3A_368 : i32 to vector<1x1xi32>
      %select_n3A_370 = arith.select %le3A, %broadcast_in_dim3A_369, %select_n3A_367 : vector<1x1xi1>, vector<1x1xi32>
      %shift_left3A = arith.constant 30 : i32
      %shift_left3A_371 = vector.broadcast %shift_left3A : i32 to vector<1x1xi32>
      %shift_left3A_372 = arith.shli %select_n3A_370, %shift_left3A_371 : vector<1x1xi32>
      %or3A = arith.ori %broadcast_in_dim3A_311, %shift_left3A_372 : vector<1x1xi32>
      %le3A_373 = arith.cmpi sle, %broadcast_in_dim3A_313, %broadcast_in_dim3A_333 : vector<1x1xi32>
      %le3A_374 = arith.cmpi sle, %broadcast_in_dim3A_313, %add3A_356 : vector<1x1xi32>
      %le3A_375 = arith.cmpi sle, %broadcast_in_dim3A_313, %add3A_357 : vector<1x1xi32>
      %select_n3A_376 = arith.select %le3A_375, %add3A_356, %add3A_357 : vector<1x1xi1>, vector<1x1xi32>
      %select_n3A_377 = arith.select %le3A_374, %broadcast_in_dim3A_333, %select_n3A_376 : vector<1x1xi1>, vector<1x1xi32>
      %jit3A_378 = arith.constant 0 : i32
      %broadcast_in_dim3A_379 = vector.broadcast %jit3A_378 : i32 to vector<1x1xi32>
      %select_n3A_380 = arith.select %le3A_373, %broadcast_in_dim3A_379, %select_n3A_377 : vector<1x1xi1>, vector<1x1xi32>
      %sub3A = arith.subi %broadcast_in_dim3A_313, %select_n3A_380 : vector<1x1xi32>
      %or3A_381 = arith.constant -1073741824 : i32
      %or3A_382 = vector.broadcast %or3A_381 : i32 to vector<1x1xi32>
      %or3A_383 = arith.ori %broadcast_in_dim3A_309, %or3A_382 : vector<1x1xi32>
      %and3A_384 = vector.broadcast %or3A_383 : vector<1x1xi32> to vector<64x128xi32>
      %and3A_385 = arith.andi %xor3A_307, %and3A_384 : vector<64x128xi32>
      %eq3A_386 = vector.broadcast %or3A : vector<1x1xi32> to vector<64x128xi32>
      %eq3A_387 = arith.cmpi eq, %and3A_385, %eq3A_386 : vector<64x128xi32>
      %shift_right_logical3A_388 = arith.constant 28 : i32
      %shift_right_logical3A_389 = vector.broadcast %shift_right_logical3A_388 : i32 to vector<64x128xi32>
      %shift_right_logical3A_390 = arith.shrui %xor3A_307, %shift_right_logical3A_389 : vector<64x128xi32>
      %and3A_391 = arith.constant 3 : i32
      %and3A_392 = vector.broadcast %and3A_391 : i32 to vector<64x128xi32>
      %and3A_393 = arith.andi %shift_right_logical3A_390, %and3A_392 : vector<64x128xi32>
      %eq3A_394 = arith.constant 3 : i32
      %eq3A_395 = vector.broadcast %eq3A_394 : i32 to vector<64x128xi32>
      %eq3A_396 = arith.cmpi eq, %and3A_393, %eq3A_395 : vector<64x128xi32>
      %and3A_397 = arith.andi %eq3A_387, %eq3A_396 : vector<64x128xi1>
      %convert_element_type3A_398 = arith.extui %and3A_397 : vector<64x128xi1> to vector<64x128xi32>
      %reduce_sum3A_399 = vector.shape_cast %convert_element_type3A_398 : vector<64x128xi32> to vector<1x64x128xi32>
      %reduce_sum3A_400 = arith.constant dense<0> : vector<1xi32>
      %reduce_sum3A_401 = vector.multi_reduction <add>, %reduce_sum3A_399, %reduce_sum3A_400 [1, 2] : vector<1x64x128xi32> to vector<1xi32>
      %reduce_sum3A_402 = vector.shape_cast %reduce_sum3A_401 : vector<1xi32> to vector<1x1x1xi32>
      %reduce_sum3A_403 = vector.extract %reduce_sum3A_402[0, 0, 0] : i32 from vector<1x1x1xi32>
      %broadcast_in_dim3A_404 = vector.broadcast %reduce_sum3A_403 : i32 to vector<1x1xi32>
      %eq3A_405 = arith.constant 2 : i32
      %eq3A_406 = vector.broadcast %eq3A_405 : i32 to vector<64x128xi32>
      %eq3A_407 = arith.cmpi eq, %and3A_393, %eq3A_406 : vector<64x128xi32>
      %and3A_408 = arith.andi %eq3A_387, %eq3A_407 : vector<64x128xi1>
      %convert_element_type3A_409 = arith.extui %and3A_408 : vector<64x128xi1> to vector<64x128xi32>
      %reduce_sum3A_410 = vector.shape_cast %convert_element_type3A_409 : vector<64x128xi32> to vector<1x64x128xi32>
      %reduce_sum3A_411 = arith.constant dense<0> : vector<1xi32>
      %reduce_sum3A_412 = vector.multi_reduction <add>, %reduce_sum3A_410, %reduce_sum3A_411 [1, 2] : vector<1x64x128xi32> to vector<1xi32>
      %reduce_sum3A_413 = vector.shape_cast %reduce_sum3A_412 : vector<1xi32> to vector<1x1x1xi32>
      %reduce_sum3A_414 = vector.extract %reduce_sum3A_413[0, 0, 0] : i32 from vector<1x1x1xi32>
      %broadcast_in_dim3A_415 = vector.broadcast %reduce_sum3A_414 : i32 to vector<1x1xi32>
      %eq3A_416 = arith.constant 1 : i32
      %eq3A_417 = vector.broadcast %eq3A_416 : i32 to vector<64x128xi32>
      %eq3A_418 = arith.cmpi eq, %and3A_393, %eq3A_417 : vector<64x128xi32>
      %and3A_419 = arith.andi %eq3A_387, %eq3A_418 : vector<64x128xi1>
      %convert_element_type3A_420 = arith.extui %and3A_419 : vector<64x128xi1> to vector<64x128xi32>
      %reduce_sum3A_421 = vector.shape_cast %convert_element_type3A_420 : vector<64x128xi32> to vector<1x64x128xi32>
      %reduce_sum3A_422 = arith.constant dense<0> : vector<1xi32>
      %reduce_sum3A_423 = vector.multi_reduction <add>, %reduce_sum3A_421, %reduce_sum3A_422 [1, 2] : vector<1x64x128xi32> to vector<1xi32>
      %reduce_sum3A_424 = vector.shape_cast %reduce_sum3A_423 : vector<1xi32> to vector<1x1x1xi32>
      %reduce_sum3A_425 = vector.extract %reduce_sum3A_424[0, 0, 0] : i32 from vector<1x1x1xi32>
      %broadcast_in_dim3A_426 = vector.broadcast %reduce_sum3A_425 : i32 to vector<1x1xi32>
      %add3A_427 = arith.addi %broadcast_in_dim3A_404, %broadcast_in_dim3A_415 : vector<1x1xi32>
      %add3A_428 = arith.addi %add3A_427, %broadcast_in_dim3A_426 : vector<1x1xi32>
      %le3A_429 = arith.cmpi sle, %sub3A, %broadcast_in_dim3A_404 : vector<1x1xi32>
      %le3A_430 = arith.cmpi sle, %sub3A, %add3A_427 : vector<1x1xi32>
      %le3A_431 = arith.cmpi sle, %sub3A, %add3A_428 : vector<1x1xi32>
      %jit3A_432 = arith.constant 1 : i32
      %jit3A_433 = arith.constant 0 : i32
      %broadcast_in_dim3A_434 = vector.broadcast %jit3A_432 : i32 to vector<1x1xi32>
      %broadcast_in_dim3A_435 = vector.broadcast %jit3A_433 : i32 to vector<1x1xi32>
      %select_n3A_436 = arith.select %le3A_431, %broadcast_in_dim3A_434, %broadcast_in_dim3A_435 : vector<1x1xi1>, vector<1x1xi32>
      %jit3A_437 = arith.constant 2 : i32
      %broadcast_in_dim3A_438 = vector.broadcast %jit3A_437 : i32 to vector<1x1xi32>
      %select_n3A_439 = arith.select %le3A_430, %broadcast_in_dim3A_438, %select_n3A_436 : vector<1x1xi1>, vector<1x1xi32>
      %jit3A_440 = arith.constant 3 : i32
      %broadcast_in_dim3A_441 = vector.broadcast %jit3A_440 : i32 to vector<1x1xi32>
      %select_n3A_442 = arith.select %le3A_429, %broadcast_in_dim3A_441, %select_n3A_439 : vector<1x1xi1>, vector<1x1xi32>
      %shift_left3A_443 = arith.constant 28 : i32
      %shift_left3A_444 = vector.broadcast %shift_left3A_443 : i32 to vector<1x1xi32>
      %shift_left3A_445 = arith.shli %select_n3A_442, %shift_left3A_444 : vector<1x1xi32>
      %or3A_446 = arith.ori %or3A, %shift_left3A_445 : vector<1x1xi32>
      %le3A_447 = arith.cmpi sle, %sub3A, %broadcast_in_dim3A_404 : vector<1x1xi32>
      %le3A_448 = arith.cmpi sle, %sub3A, %add3A_427 : vector<1x1xi32>
      %le3A_449 = arith.cmpi sle, %sub3A, %add3A_428 : vector<1x1xi32>
      %select_n3A_450 = arith.select %le3A_449, %add3A_427, %add3A_428 : vector<1x1xi1>, vector<1x1xi32>
      %select_n3A_451 = arith.select %le3A_448, %broadcast_in_dim3A_404, %select_n3A_450 : vector<1x1xi1>, vector<1x1xi32>
      %jit3A_452 = arith.constant 0 : i32
      %broadcast_in_dim3A_453 = vector.broadcast %jit3A_452 : i32 to vector<1x1xi32>
      %select_n3A_454 = arith.select %le3A_447, %broadcast_in_dim3A_453, %select_n3A_451 : vector<1x1xi1>, vector<1x1xi32>
      %sub3A_455 = arith.subi %sub3A, %select_n3A_454 : vector<1x1xi32>
      %or3A_456 = arith.constant 805306368 : i32
      %or3A_457 = vector.broadcast %or3A_456 : i32 to vector<1x1xi32>
      %or3A_458 = arith.ori %or3A_383, %or3A_457 : vector<1x1xi32>
      %and3A_459 = vector.broadcast %or3A_458 : vector<1x1xi32> to vector<64x128xi32>
      %and3A_460 = arith.andi %xor3A_307, %and3A_459 : vector<64x128xi32>
      %eq3A_461 = vector.broadcast %or3A_446 : vector<1x1xi32> to vector<64x128xi32>
      %eq3A_462 = arith.cmpi eq, %and3A_460, %eq3A_461 : vector<64x128xi32>
      %shift_right_logical3A_463 = arith.constant 26 : i32
      %shift_right_logical3A_464 = vector.broadcast %shift_right_logical3A_463 : i32 to vector<64x128xi32>
      %shift_right_logical3A_465 = arith.shrui %xor3A_307, %shift_right_logical3A_464 : vector<64x128xi32>
      %and3A_466 = arith.constant 3 : i32
      %and3A_467 = vector.broadcast %and3A_466 : i32 to vector<64x128xi32>
      %and3A_468 = arith.andi %shift_right_logical3A_465, %and3A_467 : vector<64x128xi32>
      %eq3A_469 = arith.constant 3 : i32
      %eq3A_470 = vector.broadcast %eq3A_469 : i32 to vector<64x128xi32>
      %eq3A_471 = arith.cmpi eq, %and3A_468, %eq3A_470 : vector<64x128xi32>
      %and3A_472 = arith.andi %eq3A_462, %eq3A_471 : vector<64x128xi1>
      %convert_element_type3A_473 = arith.extui %and3A_472 : vector<64x128xi1> to vector<64x128xi32>
      %reduce_sum3A_474 = vector.shape_cast %convert_element_type3A_473 : vector<64x128xi32> to vector<1x64x128xi32>
      %reduce_sum3A_475 = arith.constant dense<0> : vector<1xi32>
      %reduce_sum3A_476 = vector.multi_reduction <add>, %reduce_sum3A_474, %reduce_sum3A_475 [1, 2] : vector<1x64x128xi32> to vector<1xi32>
      %reduce_sum3A_477 = vector.shape_cast %reduce_sum3A_476 : vector<1xi32> to vector<1x1x1xi32>
      %reduce_sum3A_478 = vector.extract %reduce_sum3A_477[0, 0, 0] : i32 from vector<1x1x1xi32>
      %broadcast_in_dim3A_479 = vector.broadcast %reduce_sum3A_478 : i32 to vector<1x1xi32>
      %eq3A_480 = arith.constant 2 : i32
      %eq3A_481 = vector.broadcast %eq3A_480 : i32 to vector<64x128xi32>
      %eq3A_482 = arith.cmpi eq, %and3A_468, %eq3A_481 : vector<64x128xi32>
      %and3A_483 = arith.andi %eq3A_462, %eq3A_482 : vector<64x128xi1>
      %convert_element_type3A_484 = arith.extui %and3A_483 : vector<64x128xi1> to vector<64x128xi32>
      %reduce_sum3A_485 = vector.shape_cast %convert_element_type3A_484 : vector<64x128xi32> to vector<1x64x128xi32>
      %reduce_sum3A_486 = arith.constant dense<0> : vector<1xi32>
      %reduce_sum3A_487 = vector.multi_reduction <add>, %reduce_sum3A_485, %reduce_sum3A_486 [1, 2] : vector<1x64x128xi32> to vector<1xi32>
      %reduce_sum3A_488 = vector.shape_cast %reduce_sum3A_487 : vector<1xi32> to vector<1x1x1xi32>
      %reduce_sum3A_489 = vector.extract %reduce_sum3A_488[0, 0, 0] : i32 from vector<1x1x1xi32>
      %broadcast_in_dim3A_490 = vector.broadcast %reduce_sum3A_489 : i32 to vector<1x1xi32>
      %eq3A_491 = arith.constant 1 : i32
      %eq3A_492 = vector.broadcast %eq3A_491 : i32 to vector<64x128xi32>
      %eq3A_493 = arith.cmpi eq, %and3A_468, %eq3A_492 : vector<64x128xi32>
      %and3A_494 = arith.andi %eq3A_462, %eq3A_493 : vector<64x128xi1>
      %convert_element_type3A_495 = arith.extui %and3A_494 : vector<64x128xi1> to vector<64x128xi32>
      %reduce_sum3A_496 = vector.shape_cast %convert_element_type3A_495 : vector<64x128xi32> to vector<1x64x128xi32>
      %reduce_sum3A_497 = arith.constant dense<0> : vector<1xi32>
      %reduce_sum3A_498 = vector.multi_reduction <add>, %reduce_sum3A_496, %reduce_sum3A_497 [1, 2] : vector<1x64x128xi32> to vector<1xi32>
      %reduce_sum3A_499 = vector.shape_cast %reduce_sum3A_498 : vector<1xi32> to vector<1x1x1xi32>
      %reduce_sum3A_500 = vector.extract %reduce_sum3A_499[0, 0, 0] : i32 from vector<1x1x1xi32>
      %broadcast_in_dim3A_501 = vector.broadcast %reduce_sum3A_500 : i32 to vector<1x1xi32>
      %add3A_502 = arith.addi %broadcast_in_dim3A_479, %broadcast_in_dim3A_490 : vector<1x1xi32>
      %add3A_503 = arith.addi %add3A_502, %broadcast_in_dim3A_501 : vector<1x1xi32>
      %le3A_504 = arith.cmpi sle, %sub3A_455, %broadcast_in_dim3A_479 : vector<1x1xi32>
      %le3A_505 = arith.cmpi sle, %sub3A_455, %add3A_502 : vector<1x1xi32>
      %le3A_506 = arith.cmpi sle, %sub3A_455, %add3A_503 : vector<1x1xi32>
      %jit3A_507 = arith.constant 1 : i32
      %jit3A_508 = arith.constant 0 : i32
      %broadcast_in_dim3A_509 = vector.broadcast %jit3A_507 : i32 to vector<1x1xi32>
      %broadcast_in_dim3A_510 = vector.broadcast %jit3A_508 : i32 to vector<1x1xi32>
      %select_n3A_511 = arith.select %le3A_506, %broadcast_in_dim3A_509, %broadcast_in_dim3A_510 : vector<1x1xi1>, vector<1x1xi32>
      %jit3A_512 = arith.constant 2 : i32
      %broadcast_in_dim3A_513 = vector.broadcast %jit3A_512 : i32 to vector<1x1xi32>
      %select_n3A_514 = arith.select %le3A_505, %broadcast_in_dim3A_513, %select_n3A_511 : vector<1x1xi1>, vector<1x1xi32>
      %jit3A_515 = arith.constant 3 : i32
      %broadcast_in_dim3A_516 = vector.broadcast %jit3A_515 : i32 to vector<1x1xi32>
      %select_n3A_517 = arith.select %le3A_504, %broadcast_in_dim3A_516, %select_n3A_514 : vector<1x1xi1>, vector<1x1xi32>
      %shift_left3A_518 = arith.constant 26 : i32
      %shift_left3A_519 = vector.broadcast %shift_left3A_518 : i32 to vector<1x1xi32>
      %shift_left3A_520 = arith.shli %select_n3A_517, %shift_left3A_519 : vector<1x1xi32>
      %or3A_521 = arith.ori %or3A_446, %shift_left3A_520 : vector<1x1xi32>
      %le3A_522 = arith.cmpi sle, %sub3A_455, %broadcast_in_dim3A_479 : vector<1x1xi32>
      %le3A_523 = arith.cmpi sle, %sub3A_455, %add3A_502 : vector<1x1xi32>
      %le3A_524 = arith.cmpi sle, %sub3A_455, %add3A_503 : vector<1x1xi32>
      %select_n3A_525 = arith.select %le3A_524, %add3A_502, %add3A_503 : vector<1x1xi1>, vector<1x1xi32>
      %select_n3A_526 = arith.select %le3A_523, %broadcast_in_dim3A_479, %select_n3A_525 : vector<1x1xi1>, vector<1x1xi32>
      %jit3A_527 = arith.constant 0 : i32
      %broadcast_in_dim3A_528 = vector.broadcast %jit3A_527 : i32 to vector<1x1xi32>
      %select_n3A_529 = arith.select %le3A_522, %broadcast_in_dim3A_528, %select_n3A_526 : vector<1x1xi1>, vector<1x1xi32>
      %sub3A_530 = arith.subi %sub3A_455, %select_n3A_529 : vector<1x1xi32>
      %or3A_531 = arith.constant 201326592 : i32
      %or3A_532 = vector.broadcast %or3A_531 : i32 to vector<1x1xi32>
      %or3A_533 = arith.ori %or3A_458, %or3A_532 : vector<1x1xi32>
      %and3A_534 = vector.broadcast %or3A_533 : vector<1x1xi32> to vector<64x128xi32>
      %and3A_535 = arith.andi %xor3A_307, %and3A_534 : vector<64x128xi32>
      %eq3A_536 = vector.broadcast %or3A_521 : vector<1x1xi32> to vector<64x128xi32>
      %eq3A_537 = arith.cmpi eq, %and3A_535, %eq3A_536 : vector<64x128xi32>
      %shift_right_logical3A_538 = arith.constant 24 : i32
      %shift_right_logical3A_539 = vector.broadcast %shift_right_logical3A_538 : i32 to vector<64x128xi32>
      %shift_right_logical3A_540 = arith.shrui %xor3A_307, %shift_right_logical3A_539 : vector<64x128xi32>
      %and3A_541 = arith.constant 3 : i32
      %and3A_542 = vector.broadcast %and3A_541 : i32 to vector<64x128xi32>
      %and3A_543 = arith.andi %shift_right_logical3A_540, %and3A_542 : vector<64x128xi32>
      %eq3A_544 = arith.constant 3 : i32
      %eq3A_545 = vector.broadcast %eq3A_544 : i32 to vector<64x128xi32>
      %eq3A_546 = arith.cmpi eq, %and3A_543, %eq3A_545 : vector<64x128xi32>
      %and3A_547 = arith.andi %eq3A_537, %eq3A_546 : vector<64x128xi1>
      %convert_element_type3A_548 = arith.extui %and3A_547 : vector<64x128xi1> to vector<64x128xi32>
      %reduce_sum3A_549 = vector.shape_cast %convert_element_type3A_548 : vector<64x128xi32> to vector<1x64x128xi32>
      %reduce_sum3A_550 = arith.constant dense<0> : vector<1xi32>
      %reduce_sum3A_551 = vector.multi_reduction <add>, %reduce_sum3A_549, %reduce_sum3A_550 [1, 2] : vector<1x64x128xi32> to vector<1xi32>
      %reduce_sum3A_552 = vector.shape_cast %reduce_sum3A_551 : vector<1xi32> to vector<1x1x1xi32>
      %reduce_sum3A_553 = vector.extract %reduce_sum3A_552[0, 0, 0] : i32 from vector<1x1x1xi32>
      %broadcast_in_dim3A_554 = vector.broadcast %reduce_sum3A_553 : i32 to vector<1x1xi32>
      %eq3A_555 = arith.constant 2 : i32
      %eq3A_556 = vector.broadcast %eq3A_555 : i32 to vector<64x128xi32>
      %eq3A_557 = arith.cmpi eq, %and3A_543, %eq3A_556 : vector<64x128xi32>
      %and3A_558 = arith.andi %eq3A_537, %eq3A_557 : vector<64x128xi1>
      %convert_element_type3A_559 = arith.extui %and3A_558 : vector<64x128xi1> to vector<64x128xi32>
      %reduce_sum3A_560 = vector.shape_cast %convert_element_type3A_559 : vector<64x128xi32> to vector<1x64x128xi32>
      %reduce_sum3A_561 = arith.constant dense<0> : vector<1xi32>
      %reduce_sum3A_562 = vector.multi_reduction <add>, %reduce_sum3A_560, %reduce_sum3A_561 [1, 2] : vector<1x64x128xi32> to vector<1xi32>
      %reduce_sum3A_563 = vector.shape_cast %reduce_sum3A_562 : vector<1xi32> to vector<1x1x1xi32>
      %reduce_sum3A_564 = vector.extract %reduce_sum3A_563[0, 0, 0] : i32 from vector<1x1x1xi32>
      %broadcast_in_dim3A_565 = vector.broadcast %reduce_sum3A_564 : i32 to vector<1x1xi32>
      %eq3A_566 = arith.constant 1 : i32
      %eq3A_567 = vector.broadcast %eq3A_566 : i32 to vector<64x128xi32>
      %eq3A_568 = arith.cmpi eq, %and3A_543, %eq3A_567 : vector<64x128xi32>
      %and3A_569 = arith.andi %eq3A_537, %eq3A_568 : vector<64x128xi1>
      %convert_element_type3A_570 = arith.extui %and3A_569 : vector<64x128xi1> to vector<64x128xi32>
      %reduce_sum3A_571 = vector.shape_cast %convert_element_type3A_570 : vector<64x128xi32> to vector<1x64x128xi32>
      %reduce_sum3A_572 = arith.constant dense<0> : vector<1xi32>
      %reduce_sum3A_573 = vector.multi_reduction <add>, %reduce_sum3A_571, %reduce_sum3A_572 [1, 2] : vector<1x64x128xi32> to vector<1xi32>
      %reduce_sum3A_574 = vector.shape_cast %reduce_sum3A_573 : vector<1xi32> to vector<1x1x1xi32>
      %reduce_sum3A_575 = vector.extract %reduce_sum3A_574[0, 0, 0] : i32 from vector<1x1x1xi32>
      %broadcast_in_dim3A_576 = vector.broadcast %reduce_sum3A_575 : i32 to vector<1x1xi32>
      %add3A_577 = arith.addi %broadcast_in_dim3A_554, %broadcast_in_dim3A_565 : vector<1x1xi32>
      %add3A_578 = arith.addi %add3A_577, %broadcast_in_dim3A_576 : vector<1x1xi32>
      %le3A_579 = arith.cmpi sle, %sub3A_530, %broadcast_in_dim3A_554 : vector<1x1xi32>
      %le3A_580 = arith.cmpi sle, %sub3A_530, %add3A_577 : vector<1x1xi32>
      %le3A_581 = arith.cmpi sle, %sub3A_530, %add3A_578 : vector<1x1xi32>
      %jit3A_582 = arith.constant 1 : i32
      %jit3A_583 = arith.constant 0 : i32
      %broadcast_in_dim3A_584 = vector.broadcast %jit3A_582 : i32 to vector<1x1xi32>
      %broadcast_in_dim3A_585 = vector.broadcast %jit3A_583 : i32 to vector<1x1xi32>
      %select_n3A_586 = arith.select %le3A_581, %broadcast_in_dim3A_584, %broadcast_in_dim3A_585 : vector<1x1xi1>, vector<1x1xi32>
      %jit3A_587 = arith.constant 2 : i32
      %broadcast_in_dim3A_588 = vector.broadcast %jit3A_587 : i32 to vector<1x1xi32>
      %select_n3A_589 = arith.select %le3A_580, %broadcast_in_dim3A_588, %select_n3A_586 : vector<1x1xi1>, vector<1x1xi32>
      %jit3A_590 = arith.constant 3 : i32
      %broadcast_in_dim3A_591 = vector.broadcast %jit3A_590 : i32 to vector<1x1xi32>
      %select_n3A_592 = arith.select %le3A_579, %broadcast_in_dim3A_591, %select_n3A_589 : vector<1x1xi1>, vector<1x1xi32>
      %shift_left3A_593 = arith.constant 24 : i32
      %shift_left3A_594 = vector.broadcast %shift_left3A_593 : i32 to vector<1x1xi32>
      %shift_left3A_595 = arith.shli %select_n3A_592, %shift_left3A_594 : vector<1x1xi32>
      %or3A_596 = arith.ori %or3A_521, %shift_left3A_595 : vector<1x1xi32>
      %le3A_597 = arith.cmpi sle, %sub3A_530, %broadcast_in_dim3A_554 : vector<1x1xi32>
      %le3A_598 = arith.cmpi sle, %sub3A_530, %add3A_577 : vector<1x1xi32>
      %le3A_599 = arith.cmpi sle, %sub3A_530, %add3A_578 : vector<1x1xi32>
      %select_n3A_600 = arith.select %le3A_599, %add3A_577, %add3A_578 : vector<1x1xi1>, vector<1x1xi32>
      %select_n3A_601 = arith.select %le3A_598, %broadcast_in_dim3A_554, %select_n3A_600 : vector<1x1xi1>, vector<1x1xi32>
      %jit3A_602 = arith.constant 0 : i32
      %broadcast_in_dim3A_603 = vector.broadcast %jit3A_602 : i32 to vector<1x1xi32>
      %select_n3A_604 = arith.select %le3A_597, %broadcast_in_dim3A_603, %select_n3A_601 : vector<1x1xi1>, vector<1x1xi32>
      %sub3A_605 = arith.subi %sub3A_530, %select_n3A_604 : vector<1x1xi32>
      %or3A_606 = arith.constant 50331648 : i32
      %or3A_607 = vector.broadcast %or3A_606 : i32 to vector<1x1xi32>
      %or3A_608 = arith.ori %or3A_533, %or3A_607 : vector<1x1xi32>
      %and3A_609 = vector.broadcast %or3A_608 : vector<1x1xi32> to vector<64x128xi32>
      %and3A_610 = arith.andi %xor3A_307, %and3A_609 : vector<64x128xi32>
      %eq3A_611 = vector.broadcast %or3A_596 : vector<1x1xi32> to vector<64x128xi32>
      %eq3A_612 = arith.cmpi eq, %and3A_610, %eq3A_611 : vector<64x128xi32>
      %shift_right_logical3A_613 = arith.constant 22 : i32
      %shift_right_logical3A_614 = vector.broadcast %shift_right_logical3A_613 : i32 to vector<64x128xi32>
      %shift_right_logical3A_615 = arith.shrui %xor3A_307, %shift_right_logical3A_614 : vector<64x128xi32>
      %and3A_616 = arith.constant 3 : i32
      %and3A_617 = vector.broadcast %and3A_616 : i32 to vector<64x128xi32>
      %and3A_618 = arith.andi %shift_right_logical3A_615, %and3A_617 : vector<64x128xi32>
      %eq3A_619 = arith.constant 3 : i32
      %eq3A_620 = vector.broadcast %eq3A_619 : i32 to vector<64x128xi32>
      %eq3A_621 = arith.cmpi eq, %and3A_618, %eq3A_620 : vector<64x128xi32>
      %and3A_622 = arith.andi %eq3A_612, %eq3A_621 : vector<64x128xi1>
      %convert_element_type3A_623 = arith.extui %and3A_622 : vector<64x128xi1> to vector<64x128xi32>
      %reduce_sum3A_624 = vector.shape_cast %convert_element_type3A_623 : vector<64x128xi32> to vector<1x64x128xi32>
      %reduce_sum3A_625 = arith.constant dense<0> : vector<1xi32>
      %reduce_sum3A_626 = vector.multi_reduction <add>, %reduce_sum3A_624, %reduce_sum3A_625 [1, 2] : vector<1x64x128xi32> to vector<1xi32>
      %reduce_sum3A_627 = vector.shape_cast %reduce_sum3A_626 : vector<1xi32> to vector<1x1x1xi32>
      %reduce_sum3A_628 = vector.extract %reduce_sum3A_627[0, 0, 0] : i32 from vector<1x1x1xi32>
      %broadcast_in_dim3A_629 = vector.broadcast %reduce_sum3A_628 : i32 to vector<1x1xi32>
      %eq3A_630 = arith.constant 2 : i32
      %eq3A_631 = vector.broadcast %eq3A_630 : i32 to vector<64x128xi32>
      %eq3A_632 = arith.cmpi eq, %and3A_618, %eq3A_631 : vector<64x128xi32>
      %and3A_633 = arith.andi %eq3A_612, %eq3A_632 : vector<64x128xi1>
      %convert_element_type3A_634 = arith.extui %and3A_633 : vector<64x128xi1> to vector<64x128xi32>
      %reduce_sum3A_635 = vector.shape_cast %convert_element_type3A_634 : vector<64x128xi32> to vector<1x64x128xi32>
      %reduce_sum3A_636 = arith.constant dense<0> : vector<1xi32>
      %reduce_sum3A_637 = vector.multi_reduction <add>, %reduce_sum3A_635, %reduce_sum3A_636 [1, 2] : vector<1x64x128xi32> to vector<1xi32>
      %reduce_sum3A_638 = vector.shape_cast %reduce_sum3A_637 : vector<1xi32> to vector<1x1x1xi32>
      %reduce_sum3A_639 = vector.extract %reduce_sum3A_638[0, 0, 0] : i32 from vector<1x1x1xi32>
      %broadcast_in_dim3A_640 = vector.broadcast %reduce_sum3A_639 : i32 to vector<1x1xi32>
      %eq3A_641 = arith.constant 1 : i32
      %eq3A_642 = vector.broadcast %eq3A_641 : i32 to vector<64x128xi32>
      %eq3A_643 = arith.cmpi eq, %and3A_618, %eq3A_642 : vector<64x128xi32>
      %and3A_644 = arith.andi %eq3A_612, %eq3A_643 : vector<64x128xi1>
      %convert_element_type3A_645 = arith.extui %and3A_644 : vector<64x128xi1> to vector<64x128xi32>
      %reduce_sum3A_646 = vector.shape_cast %convert_element_type3A_645 : vector<64x128xi32> to vector<1x64x128xi32>
      %reduce_sum3A_647 = arith.constant dense<0> : vector<1xi32>
      %reduce_sum3A_648 = vector.multi_reduction <add>, %reduce_sum3A_646, %reduce_sum3A_647 [1, 2] : vector<1x64x128xi32> to vector<1xi32>
      %reduce_sum3A_649 = vector.shape_cast %reduce_sum3A_648 : vector<1xi32> to vector<1x1x1xi32>
      %reduce_sum3A_650 = vector.extract %reduce_sum3A_649[0, 0, 0] : i32 from vector<1x1x1xi32>
      %broadcast_in_dim3A_651 = vector.broadcast %reduce_sum3A_650 : i32 to vector<1x1xi32>
      %add3A_652 = arith.addi %broadcast_in_dim3A_629, %broadcast_in_dim3A_640 : vector<1x1xi32>
      %add3A_653 = arith.addi %add3A_652, %broadcast_in_dim3A_651 : vector<1x1xi32>
      %le3A_654 = arith.cmpi sle, %sub3A_605, %broadcast_in_dim3A_629 : vector<1x1xi32>
      %le3A_655 = arith.cmpi sle, %sub3A_605, %add3A_652 : vector<1x1xi32>
      %le3A_656 = arith.cmpi sle, %sub3A_605, %add3A_653 : vector<1x1xi32>
      %jit3A_657 = arith.constant 1 : i32
      %jit3A_658 = arith.constant 0 : i32
      %broadcast_in_dim3A_659 = vector.broadcast %jit3A_657 : i32 to vector<1x1xi32>
      %broadcast_in_dim3A_660 = vector.broadcast %jit3A_658 : i32 to vector<1x1xi32>
      %select_n3A_661 = arith.select %le3A_656, %broadcast_in_dim3A_659, %broadcast_in_dim3A_660 : vector<1x1xi1>, vector<1x1xi32>
      %jit3A_662 = arith.constant 2 : i32
      %broadcast_in_dim3A_663 = vector.broadcast %jit3A_662 : i32 to vector<1x1xi32>
      %select_n3A_664 = arith.select %le3A_655, %broadcast_in_dim3A_663, %select_n3A_661 : vector<1x1xi1>, vector<1x1xi32>
      %jit3A_665 = arith.constant 3 : i32
      %broadcast_in_dim3A_666 = vector.broadcast %jit3A_665 : i32 to vector<1x1xi32>
      %select_n3A_667 = arith.select %le3A_654, %broadcast_in_dim3A_666, %select_n3A_664 : vector<1x1xi1>, vector<1x1xi32>
      %shift_left3A_668 = arith.constant 22 : i32
      %shift_left3A_669 = vector.broadcast %shift_left3A_668 : i32 to vector<1x1xi32>
      %shift_left3A_670 = arith.shli %select_n3A_667, %shift_left3A_669 : vector<1x1xi32>
      %or3A_671 = arith.ori %or3A_596, %shift_left3A_670 : vector<1x1xi32>
      %le3A_672 = arith.cmpi sle, %sub3A_605, %broadcast_in_dim3A_629 : vector<1x1xi32>
      %le3A_673 = arith.cmpi sle, %sub3A_605, %add3A_652 : vector<1x1xi32>
      %le3A_674 = arith.cmpi sle, %sub3A_605, %add3A_653 : vector<1x1xi32>
      %select_n3A_675 = arith.select %le3A_674, %add3A_652, %add3A_653 : vector<1x1xi1>, vector<1x1xi32>
      %select_n3A_676 = arith.select %le3A_673, %broadcast_in_dim3A_629, %select_n3A_675 : vector<1x1xi1>, vector<1x1xi32>
      %jit3A_677 = arith.constant 0 : i32
      %broadcast_in_dim3A_678 = vector.broadcast %jit3A_677 : i32 to vector<1x1xi32>
      %select_n3A_679 = arith.select %le3A_672, %broadcast_in_dim3A_678, %select_n3A_676 : vector<1x1xi1>, vector<1x1xi32>
      %sub3A_680 = arith.subi %sub3A_605, %select_n3A_679 : vector<1x1xi32>
      %or3A_681 = arith.constant 12582912 : i32
      %or3A_682 = vector.broadcast %or3A_681 : i32 to vector<1x1xi32>
      %or3A_683 = arith.ori %or3A_608, %or3A_682 : vector<1x1xi32>
      %and3A_684 = vector.broadcast %or3A_683 : vector<1x1xi32> to vector<64x128xi32>
      %and3A_685 = arith.andi %xor3A_307, %and3A_684 : vector<64x128xi32>
      %eq3A_686 = vector.broadcast %or3A_671 : vector<1x1xi32> to vector<64x128xi32>
      %eq3A_687 = arith.cmpi eq, %and3A_685, %eq3A_686 : vector<64x128xi32>
      %shift_right_logical3A_688 = arith.constant 20 : i32
      %shift_right_logical3A_689 = vector.broadcast %shift_right_logical3A_688 : i32 to vector<64x128xi32>
      %shift_right_logical3A_690 = arith.shrui %xor3A_307, %shift_right_logical3A_689 : vector<64x128xi32>
      %and3A_691 = arith.constant 3 : i32
      %and3A_692 = vector.broadcast %and3A_691 : i32 to vector<64x128xi32>
      %and3A_693 = arith.andi %shift_right_logical3A_690, %and3A_692 : vector<64x128xi32>
      %eq3A_694 = arith.constant 3 : i32
      %eq3A_695 = vector.broadcast %eq3A_694 : i32 to vector<64x128xi32>
      %eq3A_696 = arith.cmpi eq, %and3A_693, %eq3A_695 : vector<64x128xi32>
      %and3A_697 = arith.andi %eq3A_687, %eq3A_696 : vector<64x128xi1>
      %convert_element_type3A_698 = arith.extui %and3A_697 : vector<64x128xi1> to vector<64x128xi32>
      %reduce_sum3A_699 = vector.shape_cast %convert_element_type3A_698 : vector<64x128xi32> to vector<1x64x128xi32>
      %reduce_sum3A_700 = arith.constant dense<0> : vector<1xi32>
      %reduce_sum3A_701 = vector.multi_reduction <add>, %reduce_sum3A_699, %reduce_sum3A_700 [1, 2] : vector<1x64x128xi32> to vector<1xi32>
      %reduce_sum3A_702 = vector.shape_cast %reduce_sum3A_701 : vector<1xi32> to vector<1x1x1xi32>
      %reduce_sum3A_703 = vector.extract %reduce_sum3A_702[0, 0, 0] : i32 from vector<1x1x1xi32>
      %broadcast_in_dim3A_704 = vector.broadcast %reduce_sum3A_703 : i32 to vector<1x1xi32>
      %eq3A_705 = arith.constant 2 : i32
      %eq3A_706 = vector.broadcast %eq3A_705 : i32 to vector<64x128xi32>
      %eq3A_707 = arith.cmpi eq, %and3A_693, %eq3A_706 : vector<64x128xi32>
      %and3A_708 = arith.andi %eq3A_687, %eq3A_707 : vector<64x128xi1>
      %convert_element_type3A_709 = arith.extui %and3A_708 : vector<64x128xi1> to vector<64x128xi32>
      %reduce_sum3A_710 = vector.shape_cast %convert_element_type3A_709 : vector<64x128xi32> to vector<1x64x128xi32>
      %reduce_sum3A_711 = arith.constant dense<0> : vector<1xi32>
      %reduce_sum3A_712 = vector.multi_reduction <add>, %reduce_sum3A_710, %reduce_sum3A_711 [1, 2] : vector<1x64x128xi32> to vector<1xi32>
      %reduce_sum3A_713 = vector.shape_cast %reduce_sum3A_712 : vector<1xi32> to vector<1x1x1xi32>
      %reduce_sum3A_714 = vector.extract %reduce_sum3A_713[0, 0, 0] : i32 from vector<1x1x1xi32>
      %broadcast_in_dim3A_715 = vector.broadcast %reduce_sum3A_714 : i32 to vector<1x1xi32>
      %eq3A_716 = arith.constant 1 : i32
      %eq3A_717 = vector.broadcast %eq3A_716 : i32 to vector<64x128xi32>
      %eq3A_718 = arith.cmpi eq, %and3A_693, %eq3A_717 : vector<64x128xi32>
      %and3A_719 = arith.andi %eq3A_687, %eq3A_718 : vector<64x128xi1>
      %convert_element_type3A_720 = arith.extui %and3A_719 : vector<64x128xi1> to vector<64x128xi32>
      %reduce_sum3A_721 = vector.shape_cast %convert_element_type3A_720 : vector<64x128xi32> to vector<1x64x128xi32>
      %reduce_sum3A_722 = arith.constant dense<0> : vector<1xi32>
      %reduce_sum3A_723 = vector.multi_reduction <add>, %reduce_sum3A_721, %reduce_sum3A_722 [1, 2] : vector<1x64x128xi32> to vector<1xi32>
      %reduce_sum3A_724 = vector.shape_cast %reduce_sum3A_723 : vector<1xi32> to vector<1x1x1xi32>
      %reduce_sum3A_725 = vector.extract %reduce_sum3A_724[0, 0, 0] : i32 from vector<1x1x1xi32>
      %broadcast_in_dim3A_726 = vector.broadcast %reduce_sum3A_725 : i32 to vector<1x1xi32>
      %add3A_727 = arith.addi %broadcast_in_dim3A_704, %broadcast_in_dim3A_715 : vector<1x1xi32>
      %add3A_728 = arith.addi %add3A_727, %broadcast_in_dim3A_726 : vector<1x1xi32>
      %le3A_729 = arith.cmpi sle, %sub3A_680, %broadcast_in_dim3A_704 : vector<1x1xi32>
      %le3A_730 = arith.cmpi sle, %sub3A_680, %add3A_727 : vector<1x1xi32>
      %le3A_731 = arith.cmpi sle, %sub3A_680, %add3A_728 : vector<1x1xi32>
      %jit3A_732 = arith.constant 1 : i32
      %jit3A_733 = arith.constant 0 : i32
      %broadcast_in_dim3A_734 = vector.broadcast %jit3A_732 : i32 to vector<1x1xi32>
      %broadcast_in_dim3A_735 = vector.broadcast %jit3A_733 : i32 to vector<1x1xi32>
      %select_n3A_736 = arith.select %le3A_731, %broadcast_in_dim3A_734, %broadcast_in_dim3A_735 : vector<1x1xi1>, vector<1x1xi32>
      %jit3A_737 = arith.constant 2 : i32
      %broadcast_in_dim3A_738 = vector.broadcast %jit3A_737 : i32 to vector<1x1xi32>
      %select_n3A_739 = arith.select %le3A_730, %broadcast_in_dim3A_738, %select_n3A_736 : vector<1x1xi1>, vector<1x1xi32>
      %jit3A_740 = arith.constant 3 : i32
      %broadcast_in_dim3A_741 = vector.broadcast %jit3A_740 : i32 to vector<1x1xi32>
      %select_n3A_742 = arith.select %le3A_729, %broadcast_in_dim3A_741, %select_n3A_739 : vector<1x1xi1>, vector<1x1xi32>
      %shift_left3A_743 = arith.constant 20 : i32
      %shift_left3A_744 = vector.broadcast %shift_left3A_743 : i32 to vector<1x1xi32>
      %shift_left3A_745 = arith.shli %select_n3A_742, %shift_left3A_744 : vector<1x1xi32>
      %or3A_746 = arith.ori %or3A_671, %shift_left3A_745 : vector<1x1xi32>
      %le3A_747 = arith.cmpi sle, %sub3A_680, %broadcast_in_dim3A_704 : vector<1x1xi32>
      %le3A_748 = arith.cmpi sle, %sub3A_680, %add3A_727 : vector<1x1xi32>
      %le3A_749 = arith.cmpi sle, %sub3A_680, %add3A_728 : vector<1x1xi32>
      %select_n3A_750 = arith.select %le3A_749, %add3A_727, %add3A_728 : vector<1x1xi1>, vector<1x1xi32>
      %select_n3A_751 = arith.select %le3A_748, %broadcast_in_dim3A_704, %select_n3A_750 : vector<1x1xi1>, vector<1x1xi32>
      %jit3A_752 = arith.constant 0 : i32
      %broadcast_in_dim3A_753 = vector.broadcast %jit3A_752 : i32 to vector<1x1xi32>
      %select_n3A_754 = arith.select %le3A_747, %broadcast_in_dim3A_753, %select_n3A_751 : vector<1x1xi1>, vector<1x1xi32>
      %sub3A_755 = arith.subi %sub3A_680, %select_n3A_754 : vector<1x1xi32>
      %or3A_756 = arith.constant 3145728 : i32
      %or3A_757 = vector.broadcast %or3A_756 : i32 to vector<1x1xi32>
      %or3A_758 = arith.ori %or3A_683, %or3A_757 : vector<1x1xi32>
      %and3A_759 = vector.broadcast %or3A_758 : vector<1x1xi32> to vector<64x128xi32>
      %and3A_760 = arith.andi %xor3A_307, %and3A_759 : vector<64x128xi32>
      %eq3A_761 = vector.broadcast %or3A_746 : vector<1x1xi32> to vector<64x128xi32>
      %eq3A_762 = arith.cmpi eq, %and3A_760, %eq3A_761 : vector<64x128xi32>
      %shift_right_logical3A_763 = arith.constant 18 : i32
      %shift_right_logical3A_764 = vector.broadcast %shift_right_logical3A_763 : i32 to vector<64x128xi32>
      %shift_right_logical3A_765 = arith.shrui %xor3A_307, %shift_right_logical3A_764 : vector<64x128xi32>
      %and3A_766 = arith.constant 3 : i32
      %and3A_767 = vector.broadcast %and3A_766 : i32 to vector<64x128xi32>
      %and3A_768 = arith.andi %shift_right_logical3A_765, %and3A_767 : vector<64x128xi32>
      %eq3A_769 = arith.constant 3 : i32
      %eq3A_770 = vector.broadcast %eq3A_769 : i32 to vector<64x128xi32>
      %eq3A_771 = arith.cmpi eq, %and3A_768, %eq3A_770 : vector<64x128xi32>
      %and3A_772 = arith.andi %eq3A_762, %eq3A_771 : vector<64x128xi1>
      %convert_element_type3A_773 = arith.extui %and3A_772 : vector<64x128xi1> to vector<64x128xi32>
      %reduce_sum3A_774 = vector.shape_cast %convert_element_type3A_773 : vector<64x128xi32> to vector<1x64x128xi32>
      %reduce_sum3A_775 = arith.constant dense<0> : vector<1xi32>
      %reduce_sum3A_776 = vector.multi_reduction <add>, %reduce_sum3A_774, %reduce_sum3A_775 [1, 2] : vector<1x64x128xi32> to vector<1xi32>
      %reduce_sum3A_777 = vector.shape_cast %reduce_sum3A_776 : vector<1xi32> to vector<1x1x1xi32>
      %reduce_sum3A_778 = vector.extract %reduce_sum3A_777[0, 0, 0] : i32 from vector<1x1x1xi32>
      %broadcast_in_dim3A_779 = vector.broadcast %reduce_sum3A_778 : i32 to vector<1x1xi32>
      %eq3A_780 = arith.constant 2 : i32
      %eq3A_781 = vector.broadcast %eq3A_780 : i32 to vector<64x128xi32>
      %eq3A_782 = arith.cmpi eq, %and3A_768, %eq3A_781 : vector<64x128xi32>
      %and3A_783 = arith.andi %eq3A_762, %eq3A_782 : vector<64x128xi1>
      %convert_element_type3A_784 = arith.extui %and3A_783 : vector<64x128xi1> to vector<64x128xi32>
      %reduce_sum3A_785 = vector.shape_cast %convert_element_type3A_784 : vector<64x128xi32> to vector<1x64x128xi32>
      %reduce_sum3A_786 = arith.constant dense<0> : vector<1xi32>
      %reduce_sum3A_787 = vector.multi_reduction <add>, %reduce_sum3A_785, %reduce_sum3A_786 [1, 2] : vector<1x64x128xi32> to vector<1xi32>
      %reduce_sum3A_788 = vector.shape_cast %reduce_sum3A_787 : vector<1xi32> to vector<1x1x1xi32>
      %reduce_sum3A_789 = vector.extract %reduce_sum3A_788[0, 0, 0] : i32 from vector<1x1x1xi32>
      %broadcast_in_dim3A_790 = vector.broadcast %reduce_sum3A_789 : i32 to vector<1x1xi32>
      %eq3A_791 = arith.constant 1 : i32
      %eq3A_792 = vector.broadcast %eq3A_791 : i32 to vector<64x128xi32>
      %eq3A_793 = arith.cmpi eq, %and3A_768, %eq3A_792 : vector<64x128xi32>
      %and3A_794 = arith.andi %eq3A_762, %eq3A_793 : vector<64x128xi1>
      %convert_element_type3A_795 = arith.extui %and3A_794 : vector<64x128xi1> to vector<64x128xi32>
      %reduce_sum3A_796 = vector.shape_cast %convert_element_type3A_795 : vector<64x128xi32> to vector<1x64x128xi32>
      %reduce_sum3A_797 = arith.constant dense<0> : vector<1xi32>
      %reduce_sum3A_798 = vector.multi_reduction <add>, %reduce_sum3A_796, %reduce_sum3A_797 [1, 2] : vector<1x64x128xi32> to vector<1xi32>
      %reduce_sum3A_799 = vector.shape_cast %reduce_sum3A_798 : vector<1xi32> to vector<1x1x1xi32>
      %reduce_sum3A_800 = vector.extract %reduce_sum3A_799[0, 0, 0] : i32 from vector<1x1x1xi32>
      %broadcast_in_dim3A_801 = vector.broadcast %reduce_sum3A_800 : i32 to vector<1x1xi32>
      %add3A_802 = arith.addi %broadcast_in_dim3A_779, %broadcast_in_dim3A_790 : vector<1x1xi32>
      %add3A_803 = arith.addi %add3A_802, %broadcast_in_dim3A_801 : vector<1x1xi32>
      %le3A_804 = arith.cmpi sle, %sub3A_755, %broadcast_in_dim3A_779 : vector<1x1xi32>
      %le3A_805 = arith.cmpi sle, %sub3A_755, %add3A_802 : vector<1x1xi32>
      %le3A_806 = arith.cmpi sle, %sub3A_755, %add3A_803 : vector<1x1xi32>
      %jit3A_807 = arith.constant 1 : i32
      %jit3A_808 = arith.constant 0 : i32
      %broadcast_in_dim3A_809 = vector.broadcast %jit3A_807 : i32 to vector<1x1xi32>
      %broadcast_in_dim3A_810 = vector.broadcast %jit3A_808 : i32 to vector<1x1xi32>
      %select_n3A_811 = arith.select %le3A_806, %broadcast_in_dim3A_809, %broadcast_in_dim3A_810 : vector<1x1xi1>, vector<1x1xi32>
      %jit3A_812 = arith.constant 2 : i32
      %broadcast_in_dim3A_813 = vector.broadcast %jit3A_812 : i32 to vector<1x1xi32>
      %select_n3A_814 = arith.select %le3A_805, %broadcast_in_dim3A_813, %select_n3A_811 : vector<1x1xi1>, vector<1x1xi32>
      %jit3A_815 = arith.constant 3 : i32
      %broadcast_in_dim3A_816 = vector.broadcast %jit3A_815 : i32 to vector<1x1xi32>
      %select_n3A_817 = arith.select %le3A_804, %broadcast_in_dim3A_816, %select_n3A_814 : vector<1x1xi1>, vector<1x1xi32>
      %shift_left3A_818 = arith.constant 18 : i32
      %shift_left3A_819 = vector.broadcast %shift_left3A_818 : i32 to vector<1x1xi32>
      %shift_left3A_820 = arith.shli %select_n3A_817, %shift_left3A_819 : vector<1x1xi32>
      %or3A_821 = arith.ori %or3A_746, %shift_left3A_820 : vector<1x1xi32>
      %le3A_822 = arith.cmpi sle, %sub3A_755, %broadcast_in_dim3A_779 : vector<1x1xi32>
      %le3A_823 = arith.cmpi sle, %sub3A_755, %add3A_802 : vector<1x1xi32>
      %le3A_824 = arith.cmpi sle, %sub3A_755, %add3A_803 : vector<1x1xi32>
      %select_n3A_825 = arith.select %le3A_824, %add3A_802, %add3A_803 : vector<1x1xi1>, vector<1x1xi32>
      %select_n3A_826 = arith.select %le3A_823, %broadcast_in_dim3A_779, %select_n3A_825 : vector<1x1xi1>, vector<1x1xi32>
      %jit3A_827 = arith.constant 0 : i32
      %broadcast_in_dim3A_828 = vector.broadcast %jit3A_827 : i32 to vector<1x1xi32>
      %select_n3A_829 = arith.select %le3A_822, %broadcast_in_dim3A_828, %select_n3A_826 : vector<1x1xi1>, vector<1x1xi32>
      %sub3A_830 = arith.subi %sub3A_755, %select_n3A_829 : vector<1x1xi32>
      %or3A_831 = arith.constant 786432 : i32
      %or3A_832 = vector.broadcast %or3A_831 : i32 to vector<1x1xi32>
      %or3A_833 = arith.ori %or3A_758, %or3A_832 : vector<1x1xi32>
      %and3A_834 = vector.broadcast %or3A_833 : vector<1x1xi32> to vector<64x128xi32>
      %and3A_835 = arith.andi %xor3A_307, %and3A_834 : vector<64x128xi32>
      %eq3A_836 = vector.broadcast %or3A_821 : vector<1x1xi32> to vector<64x128xi32>
      %eq3A_837 = arith.cmpi eq, %and3A_835, %eq3A_836 : vector<64x128xi32>
      %shift_right_logical3A_838 = arith.constant 16 : i32
      %shift_right_logical3A_839 = vector.broadcast %shift_right_logical3A_838 : i32 to vector<64x128xi32>
      %shift_right_logical3A_840 = arith.shrui %xor3A_307, %shift_right_logical3A_839 : vector<64x128xi32>
      %and3A_841 = arith.constant 3 : i32
      %and3A_842 = vector.broadcast %and3A_841 : i32 to vector<64x128xi32>
      %and3A_843 = arith.andi %shift_right_logical3A_840, %and3A_842 : vector<64x128xi32>
      %eq3A_844 = arith.constant 3 : i32
      %eq3A_845 = vector.broadcast %eq3A_844 : i32 to vector<64x128xi32>
      %eq3A_846 = arith.cmpi eq, %and3A_843, %eq3A_845 : vector<64x128xi32>
      %and3A_847 = arith.andi %eq3A_837, %eq3A_846 : vector<64x128xi1>
      %convert_element_type3A_848 = arith.extui %and3A_847 : vector<64x128xi1> to vector<64x128xi32>
      %reduce_sum3A_849 = vector.shape_cast %convert_element_type3A_848 : vector<64x128xi32> to vector<1x64x128xi32>
      %reduce_sum3A_850 = arith.constant dense<0> : vector<1xi32>
      %reduce_sum3A_851 = vector.multi_reduction <add>, %reduce_sum3A_849, %reduce_sum3A_850 [1, 2] : vector<1x64x128xi32> to vector<1xi32>
      %reduce_sum3A_852 = vector.shape_cast %reduce_sum3A_851 : vector<1xi32> to vector<1x1x1xi32>
      %reduce_sum3A_853 = vector.extract %reduce_sum3A_852[0, 0, 0] : i32 from vector<1x1x1xi32>
      %broadcast_in_dim3A_854 = vector.broadcast %reduce_sum3A_853 : i32 to vector<1x1xi32>
      %eq3A_855 = arith.constant 2 : i32
      %eq3A_856 = vector.broadcast %eq3A_855 : i32 to vector<64x128xi32>
      %eq3A_857 = arith.cmpi eq, %and3A_843, %eq3A_856 : vector<64x128xi32>
      %and3A_858 = arith.andi %eq3A_837, %eq3A_857 : vector<64x128xi1>
      %convert_element_type3A_859 = arith.extui %and3A_858 : vector<64x128xi1> to vector<64x128xi32>
      %reduce_sum3A_860 = vector.shape_cast %convert_element_type3A_859 : vector<64x128xi32> to vector<1x64x128xi32>
      %reduce_sum3A_861 = arith.constant dense<0> : vector<1xi32>
      %reduce_sum3A_862 = vector.multi_reduction <add>, %reduce_sum3A_860, %reduce_sum3A_861 [1, 2] : vector<1x64x128xi32> to vector<1xi32>
      %reduce_sum3A_863 = vector.shape_cast %reduce_sum3A_862 : vector<1xi32> to vector<1x1x1xi32>
      %reduce_sum3A_864 = vector.extract %reduce_sum3A_863[0, 0, 0] : i32 from vector<1x1x1xi32>
      %broadcast_in_dim3A_865 = vector.broadcast %reduce_sum3A_864 : i32 to vector<1x1xi32>
      %eq3A_866 = arith.constant 1 : i32
      %eq3A_867 = vector.broadcast %eq3A_866 : i32 to vector<64x128xi32>
      %eq3A_868 = arith.cmpi eq, %and3A_843, %eq3A_867 : vector<64x128xi32>
      %and3A_869 = arith.andi %eq3A_837, %eq3A_868 : vector<64x128xi1>
      %convert_element_type3A_870 = arith.extui %and3A_869 : vector<64x128xi1> to vector<64x128xi32>
      %reduce_sum3A_871 = vector.shape_cast %convert_element_type3A_870 : vector<64x128xi32> to vector<1x64x128xi32>
      %reduce_sum3A_872 = arith.constant dense<0> : vector<1xi32>
      %reduce_sum3A_873 = vector.multi_reduction <add>, %reduce_sum3A_871, %reduce_sum3A_872 [1, 2] : vector<1x64x128xi32> to vector<1xi32>
      %reduce_sum3A_874 = vector.shape_cast %reduce_sum3A_873 : vector<1xi32> to vector<1x1x1xi32>
      %reduce_sum3A_875 = vector.extract %reduce_sum3A_874[0, 0, 0] : i32 from vector<1x1x1xi32>
      %broadcast_in_dim3A_876 = vector.broadcast %reduce_sum3A_875 : i32 to vector<1x1xi32>
      %add3A_877 = arith.addi %broadcast_in_dim3A_854, %broadcast_in_dim3A_865 : vector<1x1xi32>
      %add3A_878 = arith.addi %add3A_877, %broadcast_in_dim3A_876 : vector<1x1xi32>
      %le3A_879 = arith.cmpi sle, %sub3A_830, %broadcast_in_dim3A_854 : vector<1x1xi32>
      %le3A_880 = arith.cmpi sle, %sub3A_830, %add3A_877 : vector<1x1xi32>
      %le3A_881 = arith.cmpi sle, %sub3A_830, %add3A_878 : vector<1x1xi32>
      %jit3A_882 = arith.constant 1 : i32
      %jit3A_883 = arith.constant 0 : i32
      %broadcast_in_dim3A_884 = vector.broadcast %jit3A_882 : i32 to vector<1x1xi32>
      %broadcast_in_dim3A_885 = vector.broadcast %jit3A_883 : i32 to vector<1x1xi32>
      %select_n3A_886 = arith.select %le3A_881, %broadcast_in_dim3A_884, %broadcast_in_dim3A_885 : vector<1x1xi1>, vector<1x1xi32>
      %jit3A_887 = arith.constant 2 : i32
      %broadcast_in_dim3A_888 = vector.broadcast %jit3A_887 : i32 to vector<1x1xi32>
      %select_n3A_889 = arith.select %le3A_880, %broadcast_in_dim3A_888, %select_n3A_886 : vector<1x1xi1>, vector<1x1xi32>
      %jit3A_890 = arith.constant 3 : i32
      %broadcast_in_dim3A_891 = vector.broadcast %jit3A_890 : i32 to vector<1x1xi32>
      %select_n3A_892 = arith.select %le3A_879, %broadcast_in_dim3A_891, %select_n3A_889 : vector<1x1xi1>, vector<1x1xi32>
      %shift_left3A_893 = arith.constant 16 : i32
      %shift_left3A_894 = vector.broadcast %shift_left3A_893 : i32 to vector<1x1xi32>
      %shift_left3A_895 = arith.shli %select_n3A_892, %shift_left3A_894 : vector<1x1xi32>
      %or3A_896 = arith.ori %or3A_821, %shift_left3A_895 : vector<1x1xi32>
      %le3A_897 = arith.cmpi sle, %sub3A_830, %broadcast_in_dim3A_854 : vector<1x1xi32>
      %le3A_898 = arith.cmpi sle, %sub3A_830, %add3A_877 : vector<1x1xi32>
      %le3A_899 = arith.cmpi sle, %sub3A_830, %add3A_878 : vector<1x1xi32>
      %select_n3A_900 = arith.select %le3A_899, %add3A_877, %add3A_878 : vector<1x1xi1>, vector<1x1xi32>
      %select_n3A_901 = arith.select %le3A_898, %broadcast_in_dim3A_854, %select_n3A_900 : vector<1x1xi1>, vector<1x1xi32>
      %jit3A_902 = arith.constant 0 : i32
      %broadcast_in_dim3A_903 = vector.broadcast %jit3A_902 : i32 to vector<1x1xi32>
      %select_n3A_904 = arith.select %le3A_897, %broadcast_in_dim3A_903, %select_n3A_901 : vector<1x1xi1>, vector<1x1xi32>
      %sub3A_905 = arith.subi %sub3A_830, %select_n3A_904 : vector<1x1xi32>
      %or3A_906 = arith.constant 196608 : i32
      %or3A_907 = vector.broadcast %or3A_906 : i32 to vector<1x1xi32>
      %or3A_908 = arith.ori %or3A_833, %or3A_907 : vector<1x1xi32>
      %and3A_909 = vector.broadcast %or3A_908 : vector<1x1xi32> to vector<64x128xi32>
      %and3A_910 = arith.andi %xor3A_307, %and3A_909 : vector<64x128xi32>
      %eq3A_911 = vector.broadcast %or3A_896 : vector<1x1xi32> to vector<64x128xi32>
      %eq3A_912 = arith.cmpi eq, %and3A_910, %eq3A_911 : vector<64x128xi32>
      %shift_right_logical3A_913 = arith.constant 14 : i32
      %shift_right_logical3A_914 = vector.broadcast %shift_right_logical3A_913 : i32 to vector<64x128xi32>
      %shift_right_logical3A_915 = arith.shrui %xor3A_307, %shift_right_logical3A_914 : vector<64x128xi32>
      %and3A_916 = arith.constant 3 : i32
      %and3A_917 = vector.broadcast %and3A_916 : i32 to vector<64x128xi32>
      %and3A_918 = arith.andi %shift_right_logical3A_915, %and3A_917 : vector<64x128xi32>
      %eq3A_919 = arith.constant 3 : i32
      %eq3A_920 = vector.broadcast %eq3A_919 : i32 to vector<64x128xi32>
      %eq3A_921 = arith.cmpi eq, %and3A_918, %eq3A_920 : vector<64x128xi32>
      %and3A_922 = arith.andi %eq3A_912, %eq3A_921 : vector<64x128xi1>
      %convert_element_type3A_923 = arith.extui %and3A_922 : vector<64x128xi1> to vector<64x128xi32>
      %reduce_sum3A_924 = vector.shape_cast %convert_element_type3A_923 : vector<64x128xi32> to vector<1x64x128xi32>
      %reduce_sum3A_925 = arith.constant dense<0> : vector<1xi32>
      %reduce_sum3A_926 = vector.multi_reduction <add>, %reduce_sum3A_924, %reduce_sum3A_925 [1, 2] : vector<1x64x128xi32> to vector<1xi32>
      %reduce_sum3A_927 = vector.shape_cast %reduce_sum3A_926 : vector<1xi32> to vector<1x1x1xi32>
      %reduce_sum3A_928 = vector.extract %reduce_sum3A_927[0, 0, 0] : i32 from vector<1x1x1xi32>
      %broadcast_in_dim3A_929 = vector.broadcast %reduce_sum3A_928 : i32 to vector<1x1xi32>
      %eq3A_930 = arith.constant 2 : i32
      %eq3A_931 = vector.broadcast %eq3A_930 : i32 to vector<64x128xi32>
      %eq3A_932 = arith.cmpi eq, %and3A_918, %eq3A_931 : vector<64x128xi32>
      %and3A_933 = arith.andi %eq3A_912, %eq3A_932 : vector<64x128xi1>
      %convert_element_type3A_934 = arith.extui %and3A_933 : vector<64x128xi1> to vector<64x128xi32>
      %reduce_sum3A_935 = vector.shape_cast %convert_element_type3A_934 : vector<64x128xi32> to vector<1x64x128xi32>
      %reduce_sum3A_936 = arith.constant dense<0> : vector<1xi32>
      %reduce_sum3A_937 = vector.multi_reduction <add>, %reduce_sum3A_935, %reduce_sum3A_936 [1, 2] : vector<1x64x128xi32> to vector<1xi32>
      %reduce_sum3A_938 = vector.shape_cast %reduce_sum3A_937 : vector<1xi32> to vector<1x1x1xi32>
      %reduce_sum3A_939 = vector.extract %reduce_sum3A_938[0, 0, 0] : i32 from vector<1x1x1xi32>
      %broadcast_in_dim3A_940 = vector.broadcast %reduce_sum3A_939 : i32 to vector<1x1xi32>
      %eq3A_941 = arith.constant 1 : i32
      %eq3A_942 = vector.broadcast %eq3A_941 : i32 to vector<64x128xi32>
      %eq3A_943 = arith.cmpi eq, %and3A_918, %eq3A_942 : vector<64x128xi32>
      %and3A_944 = arith.andi %eq3A_912, %eq3A_943 : vector<64x128xi1>
      %convert_element_type3A_945 = arith.extui %and3A_944 : vector<64x128xi1> to vector<64x128xi32>
      %reduce_sum3A_946 = vector.shape_cast %convert_element_type3A_945 : vector<64x128xi32> to vector<1x64x128xi32>
      %reduce_sum3A_947 = arith.constant dense<0> : vector<1xi32>
      %reduce_sum3A_948 = vector.multi_reduction <add>, %reduce_sum3A_946, %reduce_sum3A_947 [1, 2] : vector<1x64x128xi32> to vector<1xi32>
      %reduce_sum3A_949 = vector.shape_cast %reduce_sum3A_948 : vector<1xi32> to vector<1x1x1xi32>
      %reduce_sum3A_950 = vector.extract %reduce_sum3A_949[0, 0, 0] : i32 from vector<1x1x1xi32>
      %broadcast_in_dim3A_951 = vector.broadcast %reduce_sum3A_950 : i32 to vector<1x1xi32>
      %add3A_952 = arith.addi %broadcast_in_dim3A_929, %broadcast_in_dim3A_940 : vector<1x1xi32>
      %add3A_953 = arith.addi %add3A_952, %broadcast_in_dim3A_951 : vector<1x1xi32>
      %le3A_954 = arith.cmpi sle, %sub3A_905, %broadcast_in_dim3A_929 : vector<1x1xi32>
      %le3A_955 = arith.cmpi sle, %sub3A_905, %add3A_952 : vector<1x1xi32>
      %le3A_956 = arith.cmpi sle, %sub3A_905, %add3A_953 : vector<1x1xi32>
      %jit3A_957 = arith.constant 1 : i32
      %jit3A_958 = arith.constant 0 : i32
      %broadcast_in_dim3A_959 = vector.broadcast %jit3A_957 : i32 to vector<1x1xi32>
      %broadcast_in_dim3A_960 = vector.broadcast %jit3A_958 : i32 to vector<1x1xi32>
      %select_n3A_961 = arith.select %le3A_956, %broadcast_in_dim3A_959, %broadcast_in_dim3A_960 : vector<1x1xi1>, vector<1x1xi32>
      %jit3A_962 = arith.constant 2 : i32
      %broadcast_in_dim3A_963 = vector.broadcast %jit3A_962 : i32 to vector<1x1xi32>
      %select_n3A_964 = arith.select %le3A_955, %broadcast_in_dim3A_963, %select_n3A_961 : vector<1x1xi1>, vector<1x1xi32>
      %jit3A_965 = arith.constant 3 : i32
      %broadcast_in_dim3A_966 = vector.broadcast %jit3A_965 : i32 to vector<1x1xi32>
      %select_n3A_967 = arith.select %le3A_954, %broadcast_in_dim3A_966, %select_n3A_964 : vector<1x1xi1>, vector<1x1xi32>
      %shift_left3A_968 = arith.constant 14 : i32
      %shift_left3A_969 = vector.broadcast %shift_left3A_968 : i32 to vector<1x1xi32>
      %shift_left3A_970 = arith.shli %select_n3A_967, %shift_left3A_969 : vector<1x1xi32>
      %or3A_971 = arith.ori %or3A_896, %shift_left3A_970 : vector<1x1xi32>
      %le3A_972 = arith.cmpi sle, %sub3A_905, %broadcast_in_dim3A_929 : vector<1x1xi32>
      %le3A_973 = arith.cmpi sle, %sub3A_905, %add3A_952 : vector<1x1xi32>
      %le3A_974 = arith.cmpi sle, %sub3A_905, %add3A_953 : vector<1x1xi32>
      %select_n3A_975 = arith.select %le3A_974, %add3A_952, %add3A_953 : vector<1x1xi1>, vector<1x1xi32>
      %select_n3A_976 = arith.select %le3A_973, %broadcast_in_dim3A_929, %select_n3A_975 : vector<1x1xi1>, vector<1x1xi32>
      %jit3A_977 = arith.constant 0 : i32
      %broadcast_in_dim3A_978 = vector.broadcast %jit3A_977 : i32 to vector<1x1xi32>
      %select_n3A_979 = arith.select %le3A_972, %broadcast_in_dim3A_978, %select_n3A_976 : vector<1x1xi1>, vector<1x1xi32>
      %sub3A_980 = arith.subi %sub3A_905, %select_n3A_979 : vector<1x1xi32>
      %or3A_981 = arith.constant 49152 : i32
      %or3A_982 = vector.broadcast %or3A_981 : i32 to vector<1x1xi32>
      %or3A_983 = arith.ori %or3A_908, %or3A_982 : vector<1x1xi32>
      %and3A_984 = vector.broadcast %or3A_983 : vector<1x1xi32> to vector<64x128xi32>
      %and3A_985 = arith.andi %xor3A_307, %and3A_984 : vector<64x128xi32>
      %eq3A_986 = vector.broadcast %or3A_971 : vector<1x1xi32> to vector<64x128xi32>
      %eq3A_987 = arith.cmpi eq, %and3A_985, %eq3A_986 : vector<64x128xi32>
      %shift_right_logical3A_988 = arith.constant 12 : i32
      %shift_right_logical3A_989 = vector.broadcast %shift_right_logical3A_988 : i32 to vector<64x128xi32>
      %shift_right_logical3A_990 = arith.shrui %xor3A_307, %shift_right_logical3A_989 : vector<64x128xi32>
      %and3A_991 = arith.constant 3 : i32
      %and3A_992 = vector.broadcast %and3A_991 : i32 to vector<64x128xi32>
      %and3A_993 = arith.andi %shift_right_logical3A_990, %and3A_992 : vector<64x128xi32>
      %eq3A_994 = arith.constant 3 : i32
      %eq3A_995 = vector.broadcast %eq3A_994 : i32 to vector<64x128xi32>
      %eq3A_996 = arith.cmpi eq, %and3A_993, %eq3A_995 : vector<64x128xi32>
      %and3A_997 = arith.andi %eq3A_987, %eq3A_996 : vector<64x128xi1>
      %convert_element_type3A_998 = arith.extui %and3A_997 : vector<64x128xi1> to vector<64x128xi32>
      %reduce_sum3A_999 = vector.shape_cast %convert_element_type3A_998 : vector<64x128xi32> to vector<1x64x128xi32>
      %reduce_sum3A_1000 = arith.constant dense<0> : vector<1xi32>
      %reduce_sum3A_1001 = vector.multi_reduction <add>, %reduce_sum3A_999, %reduce_sum3A_1000 [1, 2] : vector<1x64x128xi32> to vector<1xi32>
      %reduce_sum3A_1002 = vector.shape_cast %reduce_sum3A_1001 : vector<1xi32> to vector<1x1x1xi32>
      %reduce_sum3A_1003 = vector.extract %reduce_sum3A_1002[0, 0, 0] : i32 from vector<1x1x1xi32>
      %broadcast_in_dim3A_1004 = vector.broadcast %reduce_sum3A_1003 : i32 to vector<1x1xi32>
      %eq3A_1005 = arith.constant 2 : i32
      %eq3A_1006 = vector.broadcast %eq3A_1005 : i32 to vector<64x128xi32>
      %eq3A_1007 = arith.cmpi eq, %and3A_993, %eq3A_1006 : vector<64x128xi32>
      %and3A_1008 = arith.andi %eq3A_987, %eq3A_1007 : vector<64x128xi1>
      %convert_element_type3A_1009 = arith.extui %and3A_1008 : vector<64x128xi1> to vector<64x128xi32>
      %reduce_sum3A_1010 = vector.shape_cast %convert_element_type3A_1009 : vector<64x128xi32> to vector<1x64x128xi32>
      %reduce_sum3A_1011 = arith.constant dense<0> : vector<1xi32>
      %reduce_sum3A_1012 = vector.multi_reduction <add>, %reduce_sum3A_1010, %reduce_sum3A_1011 [1, 2] : vector<1x64x128xi32> to vector<1xi32>
      %reduce_sum3A_1013 = vector.shape_cast %reduce_sum3A_1012 : vector<1xi32> to vector<1x1x1xi32>
      %reduce_sum3A_1014 = vector.extract %reduce_sum3A_1013[0, 0, 0] : i32 from vector<1x1x1xi32>
      %broadcast_in_dim3A_1015 = vector.broadcast %reduce_sum3A_1014 : i32 to vector<1x1xi32>
      %eq3A_1016 = arith.constant 1 : i32
      %eq3A_1017 = vector.broadcast %eq3A_1016 : i32 to vector<64x128xi32>
      %eq3A_1018 = arith.cmpi eq, %and3A_993, %eq3A_1017 : vector<64x128xi32>
      %and3A_1019 = arith.andi %eq3A_987, %eq3A_1018 : vector<64x128xi1>
      %convert_element_type3A_1020 = arith.extui %and3A_1019 : vector<64x128xi1> to vector<64x128xi32>
      %reduce_sum3A_1021 = vector.shape_cast %convert_element_type3A_1020 : vector<64x128xi32> to vector<1x64x128xi32>
      %reduce_sum3A_1022 = arith.constant dense<0> : vector<1xi32>
      %reduce_sum3A_1023 = vector.multi_reduction <add>, %reduce_sum3A_1021, %reduce_sum3A_1022 [1, 2] : vector<1x64x128xi32> to vector<1xi32>
      %reduce_sum3A_1024 = vector.shape_cast %reduce_sum3A_1023 : vector<1xi32> to vector<1x1x1xi32>
      %reduce_sum3A_1025 = vector.extract %reduce_sum3A_1024[0, 0, 0] : i32 from vector<1x1x1xi32>
      %broadcast_in_dim3A_1026 = vector.broadcast %reduce_sum3A_1025 : i32 to vector<1x1xi32>
      %add3A_1027 = arith.addi %broadcast_in_dim3A_1004, %broadcast_in_dim3A_1015 : vector<1x1xi32>
      %add3A_1028 = arith.addi %add3A_1027, %broadcast_in_dim3A_1026 : vector<1x1xi32>
      %le3A_1029 = arith.cmpi sle, %sub3A_980, %broadcast_in_dim3A_1004 : vector<1x1xi32>
      %le3A_1030 = arith.cmpi sle, %sub3A_980, %add3A_1027 : vector<1x1xi32>
      %le3A_1031 = arith.cmpi sle, %sub3A_980, %add3A_1028 : vector<1x1xi32>
      %jit3A_1032 = arith.constant 1 : i32
      %jit3A_1033 = arith.constant 0 : i32
      %broadcast_in_dim3A_1034 = vector.broadcast %jit3A_1032 : i32 to vector<1x1xi32>
      %broadcast_in_dim3A_1035 = vector.broadcast %jit3A_1033 : i32 to vector<1x1xi32>
      %select_n3A_1036 = arith.select %le3A_1031, %broadcast_in_dim3A_1034, %broadcast_in_dim3A_1035 : vector<1x1xi1>, vector<1x1xi32>
      %jit3A_1037 = arith.constant 2 : i32
      %broadcast_in_dim3A_1038 = vector.broadcast %jit3A_1037 : i32 to vector<1x1xi32>
      %select_n3A_1039 = arith.select %le3A_1030, %broadcast_in_dim3A_1038, %select_n3A_1036 : vector<1x1xi1>, vector<1x1xi32>
      %jit3A_1040 = arith.constant 3 : i32
      %broadcast_in_dim3A_1041 = vector.broadcast %jit3A_1040 : i32 to vector<1x1xi32>
      %select_n3A_1042 = arith.select %le3A_1029, %broadcast_in_dim3A_1041, %select_n3A_1039 : vector<1x1xi1>, vector<1x1xi32>
      %shift_left3A_1043 = arith.constant 12 : i32
      %shift_left3A_1044 = vector.broadcast %shift_left3A_1043 : i32 to vector<1x1xi32>
      %shift_left3A_1045 = arith.shli %select_n3A_1042, %shift_left3A_1044 : vector<1x1xi32>
      %or3A_1046 = arith.ori %or3A_971, %shift_left3A_1045 : vector<1x1xi32>
      %le3A_1047 = arith.cmpi sle, %sub3A_980, %broadcast_in_dim3A_1004 : vector<1x1xi32>
      %le3A_1048 = arith.cmpi sle, %sub3A_980, %add3A_1027 : vector<1x1xi32>
      %le3A_1049 = arith.cmpi sle, %sub3A_980, %add3A_1028 : vector<1x1xi32>
      %select_n3A_1050 = arith.select %le3A_1049, %add3A_1027, %add3A_1028 : vector<1x1xi1>, vector<1x1xi32>
      %select_n3A_1051 = arith.select %le3A_1048, %broadcast_in_dim3A_1004, %select_n3A_1050 : vector<1x1xi1>, vector<1x1xi32>
      %jit3A_1052 = arith.constant 0 : i32
      %broadcast_in_dim3A_1053 = vector.broadcast %jit3A_1052 : i32 to vector<1x1xi32>
      %select_n3A_1054 = arith.select %le3A_1047, %broadcast_in_dim3A_1053, %select_n3A_1051 : vector<1x1xi1>, vector<1x1xi32>
      %sub3A_1055 = arith.subi %sub3A_980, %select_n3A_1054 : vector<1x1xi32>
      %or3A_1056 = arith.constant 12288 : i32
      %or3A_1057 = vector.broadcast %or3A_1056 : i32 to vector<1x1xi32>
      %or3A_1058 = arith.ori %or3A_983, %or3A_1057 : vector<1x1xi32>
      %and3A_1059 = vector.broadcast %or3A_1058 : vector<1x1xi32> to vector<64x128xi32>
      %and3A_1060 = arith.andi %xor3A_307, %and3A_1059 : vector<64x128xi32>
      %eq3A_1061 = vector.broadcast %or3A_1046 : vector<1x1xi32> to vector<64x128xi32>
      %eq3A_1062 = arith.cmpi eq, %and3A_1060, %eq3A_1061 : vector<64x128xi32>
      %shift_right_logical3A_1063 = arith.constant 10 : i32
      %shift_right_logical3A_1064 = vector.broadcast %shift_right_logical3A_1063 : i32 to vector<64x128xi32>
      %shift_right_logical3A_1065 = arith.shrui %xor3A_307, %shift_right_logical3A_1064 : vector<64x128xi32>
      %and3A_1066 = arith.constant 3 : i32
      %and3A_1067 = vector.broadcast %and3A_1066 : i32 to vector<64x128xi32>
      %and3A_1068 = arith.andi %shift_right_logical3A_1065, %and3A_1067 : vector<64x128xi32>
      %eq3A_1069 = arith.constant 3 : i32
      %eq3A_1070 = vector.broadcast %eq3A_1069 : i32 to vector<64x128xi32>
      %eq3A_1071 = arith.cmpi eq, %and3A_1068, %eq3A_1070 : vector<64x128xi32>
      %and3A_1072 = arith.andi %eq3A_1062, %eq3A_1071 : vector<64x128xi1>
      %convert_element_type3A_1073 = arith.extui %and3A_1072 : vector<64x128xi1> to vector<64x128xi32>
      %reduce_sum3A_1074 = vector.shape_cast %convert_element_type3A_1073 : vector<64x128xi32> to vector<1x64x128xi32>
      %reduce_sum3A_1075 = arith.constant dense<0> : vector<1xi32>
      %reduce_sum3A_1076 = vector.multi_reduction <add>, %reduce_sum3A_1074, %reduce_sum3A_1075 [1, 2] : vector<1x64x128xi32> to vector<1xi32>
      %reduce_sum3A_1077 = vector.shape_cast %reduce_sum3A_1076 : vector<1xi32> to vector<1x1x1xi32>
      %reduce_sum3A_1078 = vector.extract %reduce_sum3A_1077[0, 0, 0] : i32 from vector<1x1x1xi32>
      %broadcast_in_dim3A_1079 = vector.broadcast %reduce_sum3A_1078 : i32 to vector<1x1xi32>
      %eq3A_1080 = arith.constant 2 : i32
      %eq3A_1081 = vector.broadcast %eq3A_1080 : i32 to vector<64x128xi32>
      %eq3A_1082 = arith.cmpi eq, %and3A_1068, %eq3A_1081 : vector<64x128xi32>
      %and3A_1083 = arith.andi %eq3A_1062, %eq3A_1082 : vector<64x128xi1>
      %convert_element_type3A_1084 = arith.extui %and3A_1083 : vector<64x128xi1> to vector<64x128xi32>
      %reduce_sum3A_1085 = vector.shape_cast %convert_element_type3A_1084 : vector<64x128xi32> to vector<1x64x128xi32>
      %reduce_sum3A_1086 = arith.constant dense<0> : vector<1xi32>
      %reduce_sum3A_1087 = vector.multi_reduction <add>, %reduce_sum3A_1085, %reduce_sum3A_1086 [1, 2] : vector<1x64x128xi32> to vector<1xi32>
      %reduce_sum3A_1088 = vector.shape_cast %reduce_sum3A_1087 : vector<1xi32> to vector<1x1x1xi32>
      %reduce_sum3A_1089 = vector.extract %reduce_sum3A_1088[0, 0, 0] : i32 from vector<1x1x1xi32>
      %broadcast_in_dim3A_1090 = vector.broadcast %reduce_sum3A_1089 : i32 to vector<1x1xi32>
      %eq3A_1091 = arith.constant 1 : i32
      %eq3A_1092 = vector.broadcast %eq3A_1091 : i32 to vector<64x128xi32>
      %eq3A_1093 = arith.cmpi eq, %and3A_1068, %eq3A_1092 : vector<64x128xi32>
      %and3A_1094 = arith.andi %eq3A_1062, %eq3A_1093 : vector<64x128xi1>
      %convert_element_type3A_1095 = arith.extui %and3A_1094 : vector<64x128xi1> to vector<64x128xi32>
      %reduce_sum3A_1096 = vector.shape_cast %convert_element_type3A_1095 : vector<64x128xi32> to vector<1x64x128xi32>
      %reduce_sum3A_1097 = arith.constant dense<0> : vector<1xi32>
      %reduce_sum3A_1098 = vector.multi_reduction <add>, %reduce_sum3A_1096, %reduce_sum3A_1097 [1, 2] : vector<1x64x128xi32> to vector<1xi32>
      %reduce_sum3A_1099 = vector.shape_cast %reduce_sum3A_1098 : vector<1xi32> to vector<1x1x1xi32>
      %reduce_sum3A_1100 = vector.extract %reduce_sum3A_1099[0, 0, 0] : i32 from vector<1x1x1xi32>
      %broadcast_in_dim3A_1101 = vector.broadcast %reduce_sum3A_1100 : i32 to vector<1x1xi32>
      %add3A_1102 = arith.addi %broadcast_in_dim3A_1079, %broadcast_in_dim3A_1090 : vector<1x1xi32>
      %add3A_1103 = arith.addi %add3A_1102, %broadcast_in_dim3A_1101 : vector<1x1xi32>
      %le3A_1104 = arith.cmpi sle, %sub3A_1055, %broadcast_in_dim3A_1079 : vector<1x1xi32>
      %le3A_1105 = arith.cmpi sle, %sub3A_1055, %add3A_1102 : vector<1x1xi32>
      %le3A_1106 = arith.cmpi sle, %sub3A_1055, %add3A_1103 : vector<1x1xi32>
      %jit3A_1107 = arith.constant 1 : i32
      %jit3A_1108 = arith.constant 0 : i32
      %broadcast_in_dim3A_1109 = vector.broadcast %jit3A_1107 : i32 to vector<1x1xi32>
      %broadcast_in_dim3A_1110 = vector.broadcast %jit3A_1108 : i32 to vector<1x1xi32>
      %select_n3A_1111 = arith.select %le3A_1106, %broadcast_in_dim3A_1109, %broadcast_in_dim3A_1110 : vector<1x1xi1>, vector<1x1xi32>
      %jit3A_1112 = arith.constant 2 : i32
      %broadcast_in_dim3A_1113 = vector.broadcast %jit3A_1112 : i32 to vector<1x1xi32>
      %select_n3A_1114 = arith.select %le3A_1105, %broadcast_in_dim3A_1113, %select_n3A_1111 : vector<1x1xi1>, vector<1x1xi32>
      %jit3A_1115 = arith.constant 3 : i32
      %broadcast_in_dim3A_1116 = vector.broadcast %jit3A_1115 : i32 to vector<1x1xi32>
      %select_n3A_1117 = arith.select %le3A_1104, %broadcast_in_dim3A_1116, %select_n3A_1114 : vector<1x1xi1>, vector<1x1xi32>
      %shift_left3A_1118 = arith.constant 10 : i32
      %shift_left3A_1119 = vector.broadcast %shift_left3A_1118 : i32 to vector<1x1xi32>
      %shift_left3A_1120 = arith.shli %select_n3A_1117, %shift_left3A_1119 : vector<1x1xi32>
      %or3A_1121 = arith.ori %or3A_1046, %shift_left3A_1120 : vector<1x1xi32>
      %le3A_1122 = arith.cmpi sle, %sub3A_1055, %broadcast_in_dim3A_1079 : vector<1x1xi32>
      %le3A_1123 = arith.cmpi sle, %sub3A_1055, %add3A_1102 : vector<1x1xi32>
      %le3A_1124 = arith.cmpi sle, %sub3A_1055, %add3A_1103 : vector<1x1xi32>
      %select_n3A_1125 = arith.select %le3A_1124, %add3A_1102, %add3A_1103 : vector<1x1xi1>, vector<1x1xi32>
      %select_n3A_1126 = arith.select %le3A_1123, %broadcast_in_dim3A_1079, %select_n3A_1125 : vector<1x1xi1>, vector<1x1xi32>
      %jit3A_1127 = arith.constant 0 : i32
      %broadcast_in_dim3A_1128 = vector.broadcast %jit3A_1127 : i32 to vector<1x1xi32>
      %select_n3A_1129 = arith.select %le3A_1122, %broadcast_in_dim3A_1128, %select_n3A_1126 : vector<1x1xi1>, vector<1x1xi32>
      %sub3A_1130 = arith.subi %sub3A_1055, %select_n3A_1129 : vector<1x1xi32>
      %or3A_1131 = arith.constant 3072 : i32
      %or3A_1132 = vector.broadcast %or3A_1131 : i32 to vector<1x1xi32>
      %or3A_1133 = arith.ori %or3A_1058, %or3A_1132 : vector<1x1xi32>
      %and3A_1134 = vector.broadcast %or3A_1133 : vector<1x1xi32> to vector<64x128xi32>
      %and3A_1135 = arith.andi %xor3A_307, %and3A_1134 : vector<64x128xi32>
      %eq3A_1136 = vector.broadcast %or3A_1121 : vector<1x1xi32> to vector<64x128xi32>
      %eq3A_1137 = arith.cmpi eq, %and3A_1135, %eq3A_1136 : vector<64x128xi32>
      %shift_right_logical3A_1138 = arith.constant 8 : i32
      %shift_right_logical3A_1139 = vector.broadcast %shift_right_logical3A_1138 : i32 to vector<64x128xi32>
      %shift_right_logical3A_1140 = arith.shrui %xor3A_307, %shift_right_logical3A_1139 : vector<64x128xi32>
      %and3A_1141 = arith.constant 3 : i32
      %and3A_1142 = vector.broadcast %and3A_1141 : i32 to vector<64x128xi32>
      %and3A_1143 = arith.andi %shift_right_logical3A_1140, %and3A_1142 : vector<64x128xi32>
      %eq3A_1144 = arith.constant 3 : i32
      %eq3A_1145 = vector.broadcast %eq3A_1144 : i32 to vector<64x128xi32>
      %eq3A_1146 = arith.cmpi eq, %and3A_1143, %eq3A_1145 : vector<64x128xi32>
      %and3A_1147 = arith.andi %eq3A_1137, %eq3A_1146 : vector<64x128xi1>
      %convert_element_type3A_1148 = arith.extui %and3A_1147 : vector<64x128xi1> to vector<64x128xi32>
      %reduce_sum3A_1149 = vector.shape_cast %convert_element_type3A_1148 : vector<64x128xi32> to vector<1x64x128xi32>
      %reduce_sum3A_1150 = arith.constant dense<0> : vector<1xi32>
      %reduce_sum3A_1151 = vector.multi_reduction <add>, %reduce_sum3A_1149, %reduce_sum3A_1150 [1, 2] : vector<1x64x128xi32> to vector<1xi32>
      %reduce_sum3A_1152 = vector.shape_cast %reduce_sum3A_1151 : vector<1xi32> to vector<1x1x1xi32>
      %reduce_sum3A_1153 = vector.extract %reduce_sum3A_1152[0, 0, 0] : i32 from vector<1x1x1xi32>
      %broadcast_in_dim3A_1154 = vector.broadcast %reduce_sum3A_1153 : i32 to vector<1x1xi32>
      %eq3A_1155 = arith.constant 2 : i32
      %eq3A_1156 = vector.broadcast %eq3A_1155 : i32 to vector<64x128xi32>
      %eq3A_1157 = arith.cmpi eq, %and3A_1143, %eq3A_1156 : vector<64x128xi32>
      %and3A_1158 = arith.andi %eq3A_1137, %eq3A_1157 : vector<64x128xi1>
      %convert_element_type3A_1159 = arith.extui %and3A_1158 : vector<64x128xi1> to vector<64x128xi32>
      %reduce_sum3A_1160 = vector.shape_cast %convert_element_type3A_1159 : vector<64x128xi32> to vector<1x64x128xi32>
      %reduce_sum3A_1161 = arith.constant dense<0> : vector<1xi32>
      %reduce_sum3A_1162 = vector.multi_reduction <add>, %reduce_sum3A_1160, %reduce_sum3A_1161 [1, 2] : vector<1x64x128xi32> to vector<1xi32>
      %reduce_sum3A_1163 = vector.shape_cast %reduce_sum3A_1162 : vector<1xi32> to vector<1x1x1xi32>
      %reduce_sum3A_1164 = vector.extract %reduce_sum3A_1163[0, 0, 0] : i32 from vector<1x1x1xi32>
      %broadcast_in_dim3A_1165 = vector.broadcast %reduce_sum3A_1164 : i32 to vector<1x1xi32>
      %eq3A_1166 = arith.constant 1 : i32
      %eq3A_1167 = vector.broadcast %eq3A_1166 : i32 to vector<64x128xi32>
      %eq3A_1168 = arith.cmpi eq, %and3A_1143, %eq3A_1167 : vector<64x128xi32>
      %and3A_1169 = arith.andi %eq3A_1137, %eq3A_1168 : vector<64x128xi1>
      %convert_element_type3A_1170 = arith.extui %and3A_1169 : vector<64x128xi1> to vector<64x128xi32>
      %reduce_sum3A_1171 = vector.shape_cast %convert_element_type3A_1170 : vector<64x128xi32> to vector<1x64x128xi32>
      %reduce_sum3A_1172 = arith.constant dense<0> : vector<1xi32>
      %reduce_sum3A_1173 = vector.multi_reduction <add>, %reduce_sum3A_1171, %reduce_sum3A_1172 [1, 2] : vector<1x64x128xi32> to vector<1xi32>
      %reduce_sum3A_1174 = vector.shape_cast %reduce_sum3A_1173 : vector<1xi32> to vector<1x1x1xi32>
      %reduce_sum3A_1175 = vector.extract %reduce_sum3A_1174[0, 0, 0] : i32 from vector<1x1x1xi32>
      %broadcast_in_dim3A_1176 = vector.broadcast %reduce_sum3A_1175 : i32 to vector<1x1xi32>
      %add3A_1177 = arith.addi %broadcast_in_dim3A_1154, %broadcast_in_dim3A_1165 : vector<1x1xi32>
      %add3A_1178 = arith.addi %add3A_1177, %broadcast_in_dim3A_1176 : vector<1x1xi32>
      %le3A_1179 = arith.cmpi sle, %sub3A_1130, %broadcast_in_dim3A_1154 : vector<1x1xi32>
      %le3A_1180 = arith.cmpi sle, %sub3A_1130, %add3A_1177 : vector<1x1xi32>
      %le3A_1181 = arith.cmpi sle, %sub3A_1130, %add3A_1178 : vector<1x1xi32>
      %jit3A_1182 = arith.constant 1 : i32
      %jit3A_1183 = arith.constant 0 : i32
      %broadcast_in_dim3A_1184 = vector.broadcast %jit3A_1182 : i32 to vector<1x1xi32>
      %broadcast_in_dim3A_1185 = vector.broadcast %jit3A_1183 : i32 to vector<1x1xi32>
      %select_n3A_1186 = arith.select %le3A_1181, %broadcast_in_dim3A_1184, %broadcast_in_dim3A_1185 : vector<1x1xi1>, vector<1x1xi32>
      %jit3A_1187 = arith.constant 2 : i32
      %broadcast_in_dim3A_1188 = vector.broadcast %jit3A_1187 : i32 to vector<1x1xi32>
      %select_n3A_1189 = arith.select %le3A_1180, %broadcast_in_dim3A_1188, %select_n3A_1186 : vector<1x1xi1>, vector<1x1xi32>
      %jit3A_1190 = arith.constant 3 : i32
      %broadcast_in_dim3A_1191 = vector.broadcast %jit3A_1190 : i32 to vector<1x1xi32>
      %select_n3A_1192 = arith.select %le3A_1179, %broadcast_in_dim3A_1191, %select_n3A_1189 : vector<1x1xi1>, vector<1x1xi32>
      %shift_left3A_1193 = arith.constant 8 : i32
      %shift_left3A_1194 = vector.broadcast %shift_left3A_1193 : i32 to vector<1x1xi32>
      %shift_left3A_1195 = arith.shli %select_n3A_1192, %shift_left3A_1194 : vector<1x1xi32>
      %or3A_1196 = arith.ori %or3A_1121, %shift_left3A_1195 : vector<1x1xi32>
      %le3A_1197 = arith.cmpi sle, %sub3A_1130, %broadcast_in_dim3A_1154 : vector<1x1xi32>
      %le3A_1198 = arith.cmpi sle, %sub3A_1130, %add3A_1177 : vector<1x1xi32>
      %le3A_1199 = arith.cmpi sle, %sub3A_1130, %add3A_1178 : vector<1x1xi32>
      %select_n3A_1200 = arith.select %le3A_1199, %add3A_1177, %add3A_1178 : vector<1x1xi1>, vector<1x1xi32>
      %select_n3A_1201 = arith.select %le3A_1198, %broadcast_in_dim3A_1154, %select_n3A_1200 : vector<1x1xi1>, vector<1x1xi32>
      %jit3A_1202 = arith.constant 0 : i32
      %broadcast_in_dim3A_1203 = vector.broadcast %jit3A_1202 : i32 to vector<1x1xi32>
      %select_n3A_1204 = arith.select %le3A_1197, %broadcast_in_dim3A_1203, %select_n3A_1201 : vector<1x1xi1>, vector<1x1xi32>
      %sub3A_1205 = arith.subi %sub3A_1130, %select_n3A_1204 : vector<1x1xi32>
      %or3A_1206 = arith.constant 768 : i32
      %or3A_1207 = vector.broadcast %or3A_1206 : i32 to vector<1x1xi32>
      %or3A_1208 = arith.ori %or3A_1133, %or3A_1207 : vector<1x1xi32>
      %and3A_1209 = vector.broadcast %or3A_1208 : vector<1x1xi32> to vector<64x128xi32>
      %and3A_1210 = arith.andi %xor3A_307, %and3A_1209 : vector<64x128xi32>
      %eq3A_1211 = vector.broadcast %or3A_1196 : vector<1x1xi32> to vector<64x128xi32>
      %eq3A_1212 = arith.cmpi eq, %and3A_1210, %eq3A_1211 : vector<64x128xi32>
      %shift_right_logical3A_1213 = arith.constant 6 : i32
      %shift_right_logical3A_1214 = vector.broadcast %shift_right_logical3A_1213 : i32 to vector<64x128xi32>
      %shift_right_logical3A_1215 = arith.shrui %xor3A_307, %shift_right_logical3A_1214 : vector<64x128xi32>
      %and3A_1216 = arith.constant 3 : i32
      %and3A_1217 = vector.broadcast %and3A_1216 : i32 to vector<64x128xi32>
      %and3A_1218 = arith.andi %shift_right_logical3A_1215, %and3A_1217 : vector<64x128xi32>
      %eq3A_1219 = arith.constant 3 : i32
      %eq3A_1220 = vector.broadcast %eq3A_1219 : i32 to vector<64x128xi32>
      %eq3A_1221 = arith.cmpi eq, %and3A_1218, %eq3A_1220 : vector<64x128xi32>
      %and3A_1222 = arith.andi %eq3A_1212, %eq3A_1221 : vector<64x128xi1>
      %convert_element_type3A_1223 = arith.extui %and3A_1222 : vector<64x128xi1> to vector<64x128xi32>
      %reduce_sum3A_1224 = vector.shape_cast %convert_element_type3A_1223 : vector<64x128xi32> to vector<1x64x128xi32>
      %reduce_sum3A_1225 = arith.constant dense<0> : vector<1xi32>
      %reduce_sum3A_1226 = vector.multi_reduction <add>, %reduce_sum3A_1224, %reduce_sum3A_1225 [1, 2] : vector<1x64x128xi32> to vector<1xi32>
      %reduce_sum3A_1227 = vector.shape_cast %reduce_sum3A_1226 : vector<1xi32> to vector<1x1x1xi32>
      %reduce_sum3A_1228 = vector.extract %reduce_sum3A_1227[0, 0, 0] : i32 from vector<1x1x1xi32>
      %broadcast_in_dim3A_1229 = vector.broadcast %reduce_sum3A_1228 : i32 to vector<1x1xi32>
      %eq3A_1230 = arith.constant 2 : i32
      %eq3A_1231 = vector.broadcast %eq3A_1230 : i32 to vector<64x128xi32>
      %eq3A_1232 = arith.cmpi eq, %and3A_1218, %eq3A_1231 : vector<64x128xi32>
      %and3A_1233 = arith.andi %eq3A_1212, %eq3A_1232 : vector<64x128xi1>
      %convert_element_type3A_1234 = arith.extui %and3A_1233 : vector<64x128xi1> to vector<64x128xi32>
      %reduce_sum3A_1235 = vector.shape_cast %convert_element_type3A_1234 : vector<64x128xi32> to vector<1x64x128xi32>
      %reduce_sum3A_1236 = arith.constant dense<0> : vector<1xi32>
      %reduce_sum3A_1237 = vector.multi_reduction <add>, %reduce_sum3A_1235, %reduce_sum3A_1236 [1, 2] : vector<1x64x128xi32> to vector<1xi32>
      %reduce_sum3A_1238 = vector.shape_cast %reduce_sum3A_1237 : vector<1xi32> to vector<1x1x1xi32>
      %reduce_sum3A_1239 = vector.extract %reduce_sum3A_1238[0, 0, 0] : i32 from vector<1x1x1xi32>
      %broadcast_in_dim3A_1240 = vector.broadcast %reduce_sum3A_1239 : i32 to vector<1x1xi32>
      %eq3A_1241 = arith.constant 1 : i32
      %eq3A_1242 = vector.broadcast %eq3A_1241 : i32 to vector<64x128xi32>
      %eq3A_1243 = arith.cmpi eq, %and3A_1218, %eq3A_1242 : vector<64x128xi32>
      %and3A_1244 = arith.andi %eq3A_1212, %eq3A_1243 : vector<64x128xi1>
      %convert_element_type3A_1245 = arith.extui %and3A_1244 : vector<64x128xi1> to vector<64x128xi32>
      %reduce_sum3A_1246 = vector.shape_cast %convert_element_type3A_1245 : vector<64x128xi32> to vector<1x64x128xi32>
      %reduce_sum3A_1247 = arith.constant dense<0> : vector<1xi32>
      %reduce_sum3A_1248 = vector.multi_reduction <add>, %reduce_sum3A_1246, %reduce_sum3A_1247 [1, 2] : vector<1x64x128xi32> to vector<1xi32>
      %reduce_sum3A_1249 = vector.shape_cast %reduce_sum3A_1248 : vector<1xi32> to vector<1x1x1xi32>
      %reduce_sum3A_1250 = vector.extract %reduce_sum3A_1249[0, 0, 0] : i32 from vector<1x1x1xi32>
      %broadcast_in_dim3A_1251 = vector.broadcast %reduce_sum3A_1250 : i32 to vector<1x1xi32>
      %add3A_1252 = arith.addi %broadcast_in_dim3A_1229, %broadcast_in_dim3A_1240 : vector<1x1xi32>
      %add3A_1253 = arith.addi %add3A_1252, %broadcast_in_dim3A_1251 : vector<1x1xi32>
      %le3A_1254 = arith.cmpi sle, %sub3A_1205, %broadcast_in_dim3A_1229 : vector<1x1xi32>
      %le3A_1255 = arith.cmpi sle, %sub3A_1205, %add3A_1252 : vector<1x1xi32>
      %le3A_1256 = arith.cmpi sle, %sub3A_1205, %add3A_1253 : vector<1x1xi32>
      %jit3A_1257 = arith.constant 1 : i32
      %jit3A_1258 = arith.constant 0 : i32
      %broadcast_in_dim3A_1259 = vector.broadcast %jit3A_1257 : i32 to vector<1x1xi32>
      %broadcast_in_dim3A_1260 = vector.broadcast %jit3A_1258 : i32 to vector<1x1xi32>
      %select_n3A_1261 = arith.select %le3A_1256, %broadcast_in_dim3A_1259, %broadcast_in_dim3A_1260 : vector<1x1xi1>, vector<1x1xi32>
      %jit3A_1262 = arith.constant 2 : i32
      %broadcast_in_dim3A_1263 = vector.broadcast %jit3A_1262 : i32 to vector<1x1xi32>
      %select_n3A_1264 = arith.select %le3A_1255, %broadcast_in_dim3A_1263, %select_n3A_1261 : vector<1x1xi1>, vector<1x1xi32>
      %jit3A_1265 = arith.constant 3 : i32
      %broadcast_in_dim3A_1266 = vector.broadcast %jit3A_1265 : i32 to vector<1x1xi32>
      %select_n3A_1267 = arith.select %le3A_1254, %broadcast_in_dim3A_1266, %select_n3A_1264 : vector<1x1xi1>, vector<1x1xi32>
      %shift_left3A_1268 = arith.constant 6 : i32
      %shift_left3A_1269 = vector.broadcast %shift_left3A_1268 : i32 to vector<1x1xi32>
      %shift_left3A_1270 = arith.shli %select_n3A_1267, %shift_left3A_1269 : vector<1x1xi32>
      %or3A_1271 = arith.ori %or3A_1196, %shift_left3A_1270 : vector<1x1xi32>
      %le3A_1272 = arith.cmpi sle, %sub3A_1205, %broadcast_in_dim3A_1229 : vector<1x1xi32>
      %le3A_1273 = arith.cmpi sle, %sub3A_1205, %add3A_1252 : vector<1x1xi32>
      %le3A_1274 = arith.cmpi sle, %sub3A_1205, %add3A_1253 : vector<1x1xi32>
      %select_n3A_1275 = arith.select %le3A_1274, %add3A_1252, %add3A_1253 : vector<1x1xi1>, vector<1x1xi32>
      %select_n3A_1276 = arith.select %le3A_1273, %broadcast_in_dim3A_1229, %select_n3A_1275 : vector<1x1xi1>, vector<1x1xi32>
      %jit3A_1277 = arith.constant 0 : i32
      %broadcast_in_dim3A_1278 = vector.broadcast %jit3A_1277 : i32 to vector<1x1xi32>
      %select_n3A_1279 = arith.select %le3A_1272, %broadcast_in_dim3A_1278, %select_n3A_1276 : vector<1x1xi1>, vector<1x1xi32>
      %sub3A_1280 = arith.subi %sub3A_1205, %select_n3A_1279 : vector<1x1xi32>
      %or3A_1281 = arith.constant 192 : i32
      %or3A_1282 = vector.broadcast %or3A_1281 : i32 to vector<1x1xi32>
      %or3A_1283 = arith.ori %or3A_1208, %or3A_1282 : vector<1x1xi32>
      %and3A_1284 = vector.broadcast %or3A_1283 : vector<1x1xi32> to vector<64x128xi32>
      %and3A_1285 = arith.andi %xor3A_307, %and3A_1284 : vector<64x128xi32>
      %eq3A_1286 = vector.broadcast %or3A_1271 : vector<1x1xi32> to vector<64x128xi32>
      %eq3A_1287 = arith.cmpi eq, %and3A_1285, %eq3A_1286 : vector<64x128xi32>
      %shift_right_logical3A_1288 = arith.constant 4 : i32
      %shift_right_logical3A_1289 = vector.broadcast %shift_right_logical3A_1288 : i32 to vector<64x128xi32>
      %shift_right_logical3A_1290 = arith.shrui %xor3A_307, %shift_right_logical3A_1289 : vector<64x128xi32>
      %and3A_1291 = arith.constant 3 : i32
      %and3A_1292 = vector.broadcast %and3A_1291 : i32 to vector<64x128xi32>
      %and3A_1293 = arith.andi %shift_right_logical3A_1290, %and3A_1292 : vector<64x128xi32>
      %eq3A_1294 = arith.constant 3 : i32
      %eq3A_1295 = vector.broadcast %eq3A_1294 : i32 to vector<64x128xi32>
      %eq3A_1296 = arith.cmpi eq, %and3A_1293, %eq3A_1295 : vector<64x128xi32>
      %and3A_1297 = arith.andi %eq3A_1287, %eq3A_1296 : vector<64x128xi1>
      %convert_element_type3A_1298 = arith.extui %and3A_1297 : vector<64x128xi1> to vector<64x128xi32>
      %reduce_sum3A_1299 = vector.shape_cast %convert_element_type3A_1298 : vector<64x128xi32> to vector<1x64x128xi32>
      %reduce_sum3A_1300 = arith.constant dense<0> : vector<1xi32>
      %reduce_sum3A_1301 = vector.multi_reduction <add>, %reduce_sum3A_1299, %reduce_sum3A_1300 [1, 2] : vector<1x64x128xi32> to vector<1xi32>
      %reduce_sum3A_1302 = vector.shape_cast %reduce_sum3A_1301 : vector<1xi32> to vector<1x1x1xi32>
      %reduce_sum3A_1303 = vector.extract %reduce_sum3A_1302[0, 0, 0] : i32 from vector<1x1x1xi32>
      %broadcast_in_dim3A_1304 = vector.broadcast %reduce_sum3A_1303 : i32 to vector<1x1xi32>
      %eq3A_1305 = arith.constant 2 : i32
      %eq3A_1306 = vector.broadcast %eq3A_1305 : i32 to vector<64x128xi32>
      %eq3A_1307 = arith.cmpi eq, %and3A_1293, %eq3A_1306 : vector<64x128xi32>
      %and3A_1308 = arith.andi %eq3A_1287, %eq3A_1307 : vector<64x128xi1>
      %convert_element_type3A_1309 = arith.extui %and3A_1308 : vector<64x128xi1> to vector<64x128xi32>
      %reduce_sum3A_1310 = vector.shape_cast %convert_element_type3A_1309 : vector<64x128xi32> to vector<1x64x128xi32>
      %reduce_sum3A_1311 = arith.constant dense<0> : vector<1xi32>
      %reduce_sum3A_1312 = vector.multi_reduction <add>, %reduce_sum3A_1310, %reduce_sum3A_1311 [1, 2] : vector<1x64x128xi32> to vector<1xi32>
      %reduce_sum3A_1313 = vector.shape_cast %reduce_sum3A_1312 : vector<1xi32> to vector<1x1x1xi32>
      %reduce_sum3A_1314 = vector.extract %reduce_sum3A_1313[0, 0, 0] : i32 from vector<1x1x1xi32>
      %broadcast_in_dim3A_1315 = vector.broadcast %reduce_sum3A_1314 : i32 to vector<1x1xi32>
      %eq3A_1316 = arith.constant 1 : i32
      %eq3A_1317 = vector.broadcast %eq3A_1316 : i32 to vector<64x128xi32>
      %eq3A_1318 = arith.cmpi eq, %and3A_1293, %eq3A_1317 : vector<64x128xi32>
      %and3A_1319 = arith.andi %eq3A_1287, %eq3A_1318 : vector<64x128xi1>
      %convert_element_type3A_1320 = arith.extui %and3A_1319 : vector<64x128xi1> to vector<64x128xi32>
      %reduce_sum3A_1321 = vector.shape_cast %convert_element_type3A_1320 : vector<64x128xi32> to vector<1x64x128xi32>
      %reduce_sum3A_1322 = arith.constant dense<0> : vector<1xi32>
      %reduce_sum3A_1323 = vector.multi_reduction <add>, %reduce_sum3A_1321, %reduce_sum3A_1322 [1, 2] : vector<1x64x128xi32> to vector<1xi32>
      %reduce_sum3A_1324 = vector.shape_cast %reduce_sum3A_1323 : vector<1xi32> to vector<1x1x1xi32>
      %reduce_sum3A_1325 = vector.extract %reduce_sum3A_1324[0, 0, 0] : i32 from vector<1x1x1xi32>
      %broadcast_in_dim3A_1326 = vector.broadcast %reduce_sum3A_1325 : i32 to vector<1x1xi32>
      %add3A_1327 = arith.addi %broadcast_in_dim3A_1304, %broadcast_in_dim3A_1315 : vector<1x1xi32>
      %add3A_1328 = arith.addi %add3A_1327, %broadcast_in_dim3A_1326 : vector<1x1xi32>
      %le3A_1329 = arith.cmpi sle, %sub3A_1280, %broadcast_in_dim3A_1304 : vector<1x1xi32>
      %le3A_1330 = arith.cmpi sle, %sub3A_1280, %add3A_1327 : vector<1x1xi32>
      %le3A_1331 = arith.cmpi sle, %sub3A_1280, %add3A_1328 : vector<1x1xi32>
      %jit3A_1332 = arith.constant 1 : i32
      %jit3A_1333 = arith.constant 0 : i32
      %broadcast_in_dim3A_1334 = vector.broadcast %jit3A_1332 : i32 to vector<1x1xi32>
      %broadcast_in_dim3A_1335 = vector.broadcast %jit3A_1333 : i32 to vector<1x1xi32>
      %select_n3A_1336 = arith.select %le3A_1331, %broadcast_in_dim3A_1334, %broadcast_in_dim3A_1335 : vector<1x1xi1>, vector<1x1xi32>
      %jit3A_1337 = arith.constant 2 : i32
      %broadcast_in_dim3A_1338 = vector.broadcast %jit3A_1337 : i32 to vector<1x1xi32>
      %select_n3A_1339 = arith.select %le3A_1330, %broadcast_in_dim3A_1338, %select_n3A_1336 : vector<1x1xi1>, vector<1x1xi32>
      %jit3A_1340 = arith.constant 3 : i32
      %broadcast_in_dim3A_1341 = vector.broadcast %jit3A_1340 : i32 to vector<1x1xi32>
      %select_n3A_1342 = arith.select %le3A_1329, %broadcast_in_dim3A_1341, %select_n3A_1339 : vector<1x1xi1>, vector<1x1xi32>
      %shift_left3A_1343 = arith.constant 4 : i32
      %shift_left3A_1344 = vector.broadcast %shift_left3A_1343 : i32 to vector<1x1xi32>
      %shift_left3A_1345 = arith.shli %select_n3A_1342, %shift_left3A_1344 : vector<1x1xi32>
      %or3A_1346 = arith.ori %or3A_1271, %shift_left3A_1345 : vector<1x1xi32>
      %le3A_1347 = arith.cmpi sle, %sub3A_1280, %broadcast_in_dim3A_1304 : vector<1x1xi32>
      %le3A_1348 = arith.cmpi sle, %sub3A_1280, %add3A_1327 : vector<1x1xi32>
      %le3A_1349 = arith.cmpi sle, %sub3A_1280, %add3A_1328 : vector<1x1xi32>
      %select_n3A_1350 = arith.select %le3A_1349, %add3A_1327, %add3A_1328 : vector<1x1xi1>, vector<1x1xi32>
      %select_n3A_1351 = arith.select %le3A_1348, %broadcast_in_dim3A_1304, %select_n3A_1350 : vector<1x1xi1>, vector<1x1xi32>
      %jit3A_1352 = arith.constant 0 : i32
      %broadcast_in_dim3A_1353 = vector.broadcast %jit3A_1352 : i32 to vector<1x1xi32>
      %select_n3A_1354 = arith.select %le3A_1347, %broadcast_in_dim3A_1353, %select_n3A_1351 : vector<1x1xi1>, vector<1x1xi32>
      %sub3A_1355 = arith.subi %sub3A_1280, %select_n3A_1354 : vector<1x1xi32>
      %or3A_1356 = arith.constant 48 : i32
      %or3A_1357 = vector.broadcast %or3A_1356 : i32 to vector<1x1xi32>
      %or3A_1358 = arith.ori %or3A_1283, %or3A_1357 : vector<1x1xi32>
      %and3A_1359 = vector.broadcast %or3A_1358 : vector<1x1xi32> to vector<64x128xi32>
      %and3A_1360 = arith.andi %xor3A_307, %and3A_1359 : vector<64x128xi32>
      %eq3A_1361 = vector.broadcast %or3A_1346 : vector<1x1xi32> to vector<64x128xi32>
      %eq3A_1362 = arith.cmpi eq, %and3A_1360, %eq3A_1361 : vector<64x128xi32>
      %shift_right_logical3A_1363 = arith.constant 2 : i32
      %shift_right_logical3A_1364 = vector.broadcast %shift_right_logical3A_1363 : i32 to vector<64x128xi32>
      %shift_right_logical3A_1365 = arith.shrui %xor3A_307, %shift_right_logical3A_1364 : vector<64x128xi32>
      %and3A_1366 = arith.constant 3 : i32
      %and3A_1367 = vector.broadcast %and3A_1366 : i32 to vector<64x128xi32>
      %and3A_1368 = arith.andi %shift_right_logical3A_1365, %and3A_1367 : vector<64x128xi32>
      %eq3A_1369 = arith.constant 3 : i32
      %eq3A_1370 = vector.broadcast %eq3A_1369 : i32 to vector<64x128xi32>
      %eq3A_1371 = arith.cmpi eq, %and3A_1368, %eq3A_1370 : vector<64x128xi32>
      %and3A_1372 = arith.andi %eq3A_1362, %eq3A_1371 : vector<64x128xi1>
      %convert_element_type3A_1373 = arith.extui %and3A_1372 : vector<64x128xi1> to vector<64x128xi32>
      %reduce_sum3A_1374 = vector.shape_cast %convert_element_type3A_1373 : vector<64x128xi32> to vector<1x64x128xi32>
      %reduce_sum3A_1375 = arith.constant dense<0> : vector<1xi32>
      %reduce_sum3A_1376 = vector.multi_reduction <add>, %reduce_sum3A_1374, %reduce_sum3A_1375 [1, 2] : vector<1x64x128xi32> to vector<1xi32>
      %reduce_sum3A_1377 = vector.shape_cast %reduce_sum3A_1376 : vector<1xi32> to vector<1x1x1xi32>
      %reduce_sum3A_1378 = vector.extract %reduce_sum3A_1377[0, 0, 0] : i32 from vector<1x1x1xi32>
      %broadcast_in_dim3A_1379 = vector.broadcast %reduce_sum3A_1378 : i32 to vector<1x1xi32>
      %eq3A_1380 = arith.constant 2 : i32
      %eq3A_1381 = vector.broadcast %eq3A_1380 : i32 to vector<64x128xi32>
      %eq3A_1382 = arith.cmpi eq, %and3A_1368, %eq3A_1381 : vector<64x128xi32>
      %and3A_1383 = arith.andi %eq3A_1362, %eq3A_1382 : vector<64x128xi1>
      %convert_element_type3A_1384 = arith.extui %and3A_1383 : vector<64x128xi1> to vector<64x128xi32>
      %reduce_sum3A_1385 = vector.shape_cast %convert_element_type3A_1384 : vector<64x128xi32> to vector<1x64x128xi32>
      %reduce_sum3A_1386 = arith.constant dense<0> : vector<1xi32>
      %reduce_sum3A_1387 = vector.multi_reduction <add>, %reduce_sum3A_1385, %reduce_sum3A_1386 [1, 2] : vector<1x64x128xi32> to vector<1xi32>
      %reduce_sum3A_1388 = vector.shape_cast %reduce_sum3A_1387 : vector<1xi32> to vector<1x1x1xi32>
      %reduce_sum3A_1389 = vector.extract %reduce_sum3A_1388[0, 0, 0] : i32 from vector<1x1x1xi32>
      %broadcast_in_dim3A_1390 = vector.broadcast %reduce_sum3A_1389 : i32 to vector<1x1xi32>
      %eq3A_1391 = arith.constant 1 : i32
      %eq3A_1392 = vector.broadcast %eq3A_1391 : i32 to vector<64x128xi32>
      %eq3A_1393 = arith.cmpi eq, %and3A_1368, %eq3A_1392 : vector<64x128xi32>
      %and3A_1394 = arith.andi %eq3A_1362, %eq3A_1393 : vector<64x128xi1>
      %convert_element_type3A_1395 = arith.extui %and3A_1394 : vector<64x128xi1> to vector<64x128xi32>
      %reduce_sum3A_1396 = vector.shape_cast %convert_element_type3A_1395 : vector<64x128xi32> to vector<1x64x128xi32>
      %reduce_sum3A_1397 = arith.constant dense<0> : vector<1xi32>
      %reduce_sum3A_1398 = vector.multi_reduction <add>, %reduce_sum3A_1396, %reduce_sum3A_1397 [1, 2] : vector<1x64x128xi32> to vector<1xi32>
      %reduce_sum3A_1399 = vector.shape_cast %reduce_sum3A_1398 : vector<1xi32> to vector<1x1x1xi32>
      %reduce_sum3A_1400 = vector.extract %reduce_sum3A_1399[0, 0, 0] : i32 from vector<1x1x1xi32>
      %broadcast_in_dim3A_1401 = vector.broadcast %reduce_sum3A_1400 : i32 to vector<1x1xi32>
      %add3A_1402 = arith.addi %broadcast_in_dim3A_1379, %broadcast_in_dim3A_1390 : vector<1x1xi32>
      %add3A_1403 = arith.addi %add3A_1402, %broadcast_in_dim3A_1401 : vector<1x1xi32>
      %le3A_1404 = arith.cmpi sle, %sub3A_1355, %broadcast_in_dim3A_1379 : vector<1x1xi32>
      %le3A_1405 = arith.cmpi sle, %sub3A_1355, %add3A_1402 : vector<1x1xi32>
      %le3A_1406 = arith.cmpi sle, %sub3A_1355, %add3A_1403 : vector<1x1xi32>
      %jit3A_1407 = arith.constant 1 : i32
      %jit3A_1408 = arith.constant 0 : i32
      %broadcast_in_dim3A_1409 = vector.broadcast %jit3A_1407 : i32 to vector<1x1xi32>
      %broadcast_in_dim3A_1410 = vector.broadcast %jit3A_1408 : i32 to vector<1x1xi32>
      %select_n3A_1411 = arith.select %le3A_1406, %broadcast_in_dim3A_1409, %broadcast_in_dim3A_1410 : vector<1x1xi1>, vector<1x1xi32>
      %jit3A_1412 = arith.constant 2 : i32
      %broadcast_in_dim3A_1413 = vector.broadcast %jit3A_1412 : i32 to vector<1x1xi32>
      %select_n3A_1414 = arith.select %le3A_1405, %broadcast_in_dim3A_1413, %select_n3A_1411 : vector<1x1xi1>, vector<1x1xi32>
      %jit3A_1415 = arith.constant 3 : i32
      %broadcast_in_dim3A_1416 = vector.broadcast %jit3A_1415 : i32 to vector<1x1xi32>
      %select_n3A_1417 = arith.select %le3A_1404, %broadcast_in_dim3A_1416, %select_n3A_1414 : vector<1x1xi1>, vector<1x1xi32>
      %shift_left3A_1418 = arith.constant 2 : i32
      %shift_left3A_1419 = vector.broadcast %shift_left3A_1418 : i32 to vector<1x1xi32>
      %shift_left3A_1420 = arith.shli %select_n3A_1417, %shift_left3A_1419 : vector<1x1xi32>
      %or3A_1421 = arith.ori %or3A_1346, %shift_left3A_1420 : vector<1x1xi32>
      %le3A_1422 = arith.cmpi sle, %sub3A_1355, %broadcast_in_dim3A_1379 : vector<1x1xi32>
      %le3A_1423 = arith.cmpi sle, %sub3A_1355, %add3A_1402 : vector<1x1xi32>
      %le3A_1424 = arith.cmpi sle, %sub3A_1355, %add3A_1403 : vector<1x1xi32>
      %select_n3A_1425 = arith.select %le3A_1424, %add3A_1402, %add3A_1403 : vector<1x1xi1>, vector<1x1xi32>
      %select_n3A_1426 = arith.select %le3A_1423, %broadcast_in_dim3A_1379, %select_n3A_1425 : vector<1x1xi1>, vector<1x1xi32>
      %jit3A_1427 = arith.constant 0 : i32
      %broadcast_in_dim3A_1428 = vector.broadcast %jit3A_1427 : i32 to vector<1x1xi32>
      %select_n3A_1429 = arith.select %le3A_1422, %broadcast_in_dim3A_1428, %select_n3A_1426 : vector<1x1xi1>, vector<1x1xi32>
      %sub3A_1430 = arith.subi %sub3A_1355, %select_n3A_1429 : vector<1x1xi32>
      %or3A_1431 = arith.constant 12 : i32
      %or3A_1432 = vector.broadcast %or3A_1431 : i32 to vector<1x1xi32>
      %or3A_1433 = arith.ori %or3A_1358, %or3A_1432 : vector<1x1xi32>
      %and3A_1434 = vector.broadcast %or3A_1433 : vector<1x1xi32> to vector<64x128xi32>
      %and3A_1435 = arith.andi %xor3A_307, %and3A_1434 : vector<64x128xi32>
      %eq3A_1436 = vector.broadcast %or3A_1421 : vector<1x1xi32> to vector<64x128xi32>
      %eq3A_1437 = arith.cmpi eq, %and3A_1435, %eq3A_1436 : vector<64x128xi32>
      %shift_right_logical3A_1438 = arith.constant 0 : i32
      %shift_right_logical3A_1439 = vector.broadcast %shift_right_logical3A_1438 : i32 to vector<64x128xi32>
      %shift_right_logical3A_1440 = arith.shrui %xor3A_307, %shift_right_logical3A_1439 : vector<64x128xi32>
      %and3A_1441 = arith.constant 3 : i32
      %and3A_1442 = vector.broadcast %and3A_1441 : i32 to vector<64x128xi32>
      %and3A_1443 = arith.andi %shift_right_logical3A_1440, %and3A_1442 : vector<64x128xi32>
      %eq3A_1444 = arith.constant 3 : i32
      %eq3A_1445 = vector.broadcast %eq3A_1444 : i32 to vector<64x128xi32>
      %eq3A_1446 = arith.cmpi eq, %and3A_1443, %eq3A_1445 : vector<64x128xi32>
      %and3A_1447 = arith.andi %eq3A_1437, %eq3A_1446 : vector<64x128xi1>
      %convert_element_type3A_1448 = arith.extui %and3A_1447 : vector<64x128xi1> to vector<64x128xi32>
      %reduce_sum3A_1449 = vector.shape_cast %convert_element_type3A_1448 : vector<64x128xi32> to vector<1x64x128xi32>
      %reduce_sum3A_1450 = arith.constant dense<0> : vector<1xi32>
      %reduce_sum3A_1451 = vector.multi_reduction <add>, %reduce_sum3A_1449, %reduce_sum3A_1450 [1, 2] : vector<1x64x128xi32> to vector<1xi32>
      %reduce_sum3A_1452 = vector.shape_cast %reduce_sum3A_1451 : vector<1xi32> to vector<1x1x1xi32>
      %reduce_sum3A_1453 = vector.extract %reduce_sum3A_1452[0, 0, 0] : i32 from vector<1x1x1xi32>
      %broadcast_in_dim3A_1454 = vector.broadcast %reduce_sum3A_1453 : i32 to vector<1x1xi32>
      %eq3A_1455 = arith.constant 2 : i32
      %eq3A_1456 = vector.broadcast %eq3A_1455 : i32 to vector<64x128xi32>
      %eq3A_1457 = arith.cmpi eq, %and3A_1443, %eq3A_1456 : vector<64x128xi32>
      %and3A_1458 = arith.andi %eq3A_1437, %eq3A_1457 : vector<64x128xi1>
      %convert_element_type3A_1459 = arith.extui %and3A_1458 : vector<64x128xi1> to vector<64x128xi32>
      %reduce_sum3A_1460 = vector.shape_cast %convert_element_type3A_1459 : vector<64x128xi32> to vector<1x64x128xi32>
      %reduce_sum3A_1461 = arith.constant dense<0> : vector<1xi32>
      %reduce_sum3A_1462 = vector.multi_reduction <add>, %reduce_sum3A_1460, %reduce_sum3A_1461 [1, 2] : vector<1x64x128xi32> to vector<1xi32>
      %reduce_sum3A_1463 = vector.shape_cast %reduce_sum3A_1462 : vector<1xi32> to vector<1x1x1xi32>
      %reduce_sum3A_1464 = vector.extract %reduce_sum3A_1463[0, 0, 0] : i32 from vector<1x1x1xi32>
      %broadcast_in_dim3A_1465 = vector.broadcast %reduce_sum3A_1464 : i32 to vector<1x1xi32>
      %eq3A_1466 = arith.constant 1 : i32
      %eq3A_1467 = vector.broadcast %eq3A_1466 : i32 to vector<64x128xi32>
      %eq3A_1468 = arith.cmpi eq, %and3A_1443, %eq3A_1467 : vector<64x128xi32>
      %and3A_1469 = arith.andi %eq3A_1437, %eq3A_1468 : vector<64x128xi1>
      %convert_element_type3A_1470 = arith.extui %and3A_1469 : vector<64x128xi1> to vector<64x128xi32>
      %reduce_sum3A_1471 = vector.shape_cast %convert_element_type3A_1470 : vector<64x128xi32> to vector<1x64x128xi32>
      %reduce_sum3A_1472 = arith.constant dense<0> : vector<1xi32>
      %reduce_sum3A_1473 = vector.multi_reduction <add>, %reduce_sum3A_1471, %reduce_sum3A_1472 [1, 2] : vector<1x64x128xi32> to vector<1xi32>
      %reduce_sum3A_1474 = vector.shape_cast %reduce_sum3A_1473 : vector<1xi32> to vector<1x1x1xi32>
      %reduce_sum3A_1475 = vector.extract %reduce_sum3A_1474[0, 0, 0] : i32 from vector<1x1x1xi32>
      %broadcast_in_dim3A_1476 = vector.broadcast %reduce_sum3A_1475 : i32 to vector<1x1xi32>
      %add3A_1477 = arith.addi %broadcast_in_dim3A_1454, %broadcast_in_dim3A_1465 : vector<1x1xi32>
      %add3A_1478 = arith.addi %add3A_1477, %broadcast_in_dim3A_1476 : vector<1x1xi32>
      %le3A_1479 = arith.cmpi sle, %sub3A_1430, %broadcast_in_dim3A_1454 : vector<1x1xi32>
      %le3A_1480 = arith.cmpi sle, %sub3A_1430, %add3A_1477 : vector<1x1xi32>
      %le3A_1481 = arith.cmpi sle, %sub3A_1430, %add3A_1478 : vector<1x1xi32>
      %jit3A_1482 = arith.constant 1 : i32
      %jit3A_1483 = arith.constant 0 : i32
      %broadcast_in_dim3A_1484 = vector.broadcast %jit3A_1482 : i32 to vector<1x1xi32>
      %broadcast_in_dim3A_1485 = vector.broadcast %jit3A_1483 : i32 to vector<1x1xi32>
      %select_n3A_1486 = arith.select %le3A_1481, %broadcast_in_dim3A_1484, %broadcast_in_dim3A_1485 : vector<1x1xi1>, vector<1x1xi32>
      %jit3A_1487 = arith.constant 2 : i32
      %broadcast_in_dim3A_1488 = vector.broadcast %jit3A_1487 : i32 to vector<1x1xi32>
      %select_n3A_1489 = arith.select %le3A_1480, %broadcast_in_dim3A_1488, %select_n3A_1486 : vector<1x1xi1>, vector<1x1xi32>
      %jit3A_1490 = arith.constant 3 : i32
      %broadcast_in_dim3A_1491 = vector.broadcast %jit3A_1490 : i32 to vector<1x1xi32>
      %select_n3A_1492 = arith.select %le3A_1479, %broadcast_in_dim3A_1491, %select_n3A_1489 : vector<1x1xi1>, vector<1x1xi32>
      %shift_left3A_1493 = arith.constant 0 : i32
      %shift_left3A_1494 = vector.broadcast %shift_left3A_1493 : i32 to vector<1x1xi32>
      %shift_left3A_1495 = arith.shli %select_n3A_1492, %shift_left3A_1494 : vector<1x1xi32>
      %or3A_1496 = arith.ori %or3A_1421, %shift_left3A_1495 : vector<1x1xi32>
      %xor3A_1497 = arith.constant -2147483648 : i32
      %xor3A_1498 = vector.broadcast %xor3A_1497 : i32 to vector<1x1xi32>
      %xor3A_1499 = arith.xori %or3A_1496, %xor3A_1498 : vector<1x1xi32>
      %gt3A = vector.broadcast %xor3A_1499 : vector<1x1xi32> to vector<64x128xi32>
      %gt3A_1500 = arith.cmpi sgt, %select_n3A_304, %gt3A : vector<64x128xi32>
      %eq3A_1501 = vector.broadcast %xor3A_1499 : vector<1x1xi32> to vector<64x128xi32>
      %eq3A_1502 = arith.cmpi eq, %select_n3A_304, %eq3A_1501 : vector<64x128xi32>
      %convert_element_type3A_1503 = arith.extui %gt3A_1500 : vector<64x128xi1> to vector<64x128xi32>
      %reduce_sum3A_1504 = vector.shape_cast %convert_element_type3A_1503 : vector<64x128xi32> to vector<1x64x128xi32>
      %reduce_sum3A_1505 = arith.constant dense<0> : vector<1xi32>
      %reduce_sum3A_1506 = vector.multi_reduction <add>, %reduce_sum3A_1504, %reduce_sum3A_1505 [1, 2] : vector<1x64x128xi32> to vector<1xi32>
      %reduce_sum3A_1507 = vector.shape_cast %reduce_sum3A_1506 : vector<1xi32> to vector<1x1x1xi32>
      %reduce_sum3A_1508 = vector.extract %reduce_sum3A_1507[0, 0, 0] : i32 from vector<1x1x1xi32>
      %broadcast_in_dim3A_1509 = vector.broadcast %reduce_sum3A_1508 : i32 to vector<1x1xi32>
      %sub3A_1510 = arith.constant 4096 : i32
      %sub3A_1511 = vector.broadcast %sub3A_1510 : i32 to vector<1x1xi32>
      %sub3A_1512 = arith.subi %sub3A_1511, %broadcast_in_dim3A_1509 : vector<1x1xi32>
      %iota3A_1513 = tpu.iota {dimensions = array<i32: 0>} : vector<128x128xi32>
      %iota3A_1514 = tpu.iota {dimensions = array<i32: 1>} : vector<128x128xi32>
      %le3A_1515 = arith.cmpi sle, %iota3A_1513, %iota3A_1514 : vector<128x128xi32>
      %convert_element_type3A_1516 = arith.extui %le3A_1515 : vector<128x128xi1> to vector<128x128xi32>
      %convert_element_type3A_1517 = arith.sitofp %convert_element_type3A_1516 : vector<128x128xi32> to vector<128x128xf32>
      %iota3A_1518 = tpu.iota {dimensions = array<i32: 1>} : vector<64x64xi32>
      %iota3A_1519 = tpu.iota {dimensions = array<i32: 0>} : vector<64x64xi32>
      %lt3A = arith.cmpi slt, %iota3A_1518, %iota3A_1519 : vector<64x64xi32>
      %convert_element_type3A_1520 = arith.extui %lt3A : vector<64x64xi1> to vector<64x64xi32>
      %convert_element_type3A_1521 = arith.sitofp %convert_element_type3A_1520 : vector<64x64xi32> to vector<64x64xf32>
      %convert_element_type3A_1522 = arith.extui %eq3A_1502 : vector<64x128xi1> to vector<64x128xi32>
      %convert_element_type3A_1523 = arith.sitofp %convert_element_type3A_1522 : vector<64x128xi32> to vector<64x128xf32>
      %dot_general3A = arith.constant dense<0.000000e+00> : vector<64x128xf32>
      %dot_general3A_1524 = tpu.matmul %convert_element_type3A_1523, %convert_element_type3A_1517, %dot_general3A {dimension_numbers = #tpu.dot_dimension_numbers<[1], [0], [0], [1], [0, 0, 1, 1], [], []>, transpose_lhs_hint = false} : vector<64x128xf32>, vector<128x128xf32>, vector<64x128xf32> -> vector<64x128xf32>
      %reduce_sum3A_1525 = arith.constant dense<0.000000e+00> : vector<64xf32>
      %reduce_sum3A_1526 = vector.multi_reduction <add>, %convert_element_type3A_1523, %reduce_sum3A_1525 [1] : vector<64x128xf32> to vector<64xf32>
      %broadcast_in_dim3A_1527 = vector.shape_cast %reduce_sum3A_1526 : vector<64xf32> to vector<64x1xf32>
      %dot_general3A_1528 = arith.constant dense<0.000000e+00> : vector<64x1xf32>
      %dot_general3A_1529 = tpu.matmul %convert_element_type3A_1521, %broadcast_in_dim3A_1527, %dot_general3A_1528 {dimension_numbers = #tpu.dot_dimension_numbers<[1], [0], [0], [1], [0, 0, 1, 1], [], []>, transpose_lhs_hint = false} : vector<64x64xf32>, vector<64x1xf32>, vector<64x1xf32> -> vector<64x1xf32>
      %add3A_1530 = vector.broadcast %dot_general3A_1529 : vector<64x1xf32> to vector<64x128xf32>
      %add3A_1531 = arith.addf %dot_general3A_1524, %add3A_1530 : vector<64x128xf32>
      %sub3A_1532 = arith.subf %add3A_1531, %convert_element_type3A_1523 : vector<64x128xf32>
      %convert_element_type3A_1533 = arith.fptosi %sub3A_1532 : vector<64x128xf32> to vector<64x128xi32>
      %convert_element_type3A_1534 = arith.extui %gt3A_1500 : vector<64x128xi1> to vector<64x128xi32>
      %convert_element_type3A_1535 = arith.sitofp %convert_element_type3A_1534 : vector<64x128xi32> to vector<64x128xf32>
      %dot_general3A_1536 = arith.constant dense<0.000000e+00> : vector<64x128xf32>
      %dot_general3A_1537 = tpu.matmul %convert_element_type3A_1535, %convert_element_type3A_1517, %dot_general3A_1536 {dimension_numbers = #tpu.dot_dimension_numbers<[1], [0], [0], [1], [0, 0, 1, 1], [], []>, transpose_lhs_hint = false} : vector<64x128xf32>, vector<128x128xf32>, vector<64x128xf32> -> vector<64x128xf32>
      %reduce_sum3A_1538 = arith.constant dense<0.000000e+00> : vector<64xf32>
      %reduce_sum3A_1539 = vector.multi_reduction <add>, %convert_element_type3A_1535, %reduce_sum3A_1538 [1] : vector<64x128xf32> to vector<64xf32>
      %broadcast_in_dim3A_1540 = vector.shape_cast %reduce_sum3A_1539 : vector<64xf32> to vector<64x1xf32>
      %dot_general3A_1541 = arith.constant dense<0.000000e+00> : vector<64x1xf32>
      %dot_general3A_1542 = tpu.matmul %convert_element_type3A_1521, %broadcast_in_dim3A_1540, %dot_general3A_1541 {dimension_numbers = #tpu.dot_dimension_numbers<[1], [0], [0], [1], [0, 0, 1, 1], [], []>, transpose_lhs_hint = false} : vector<64x64xf32>, vector<64x1xf32>, vector<64x1xf32> -> vector<64x1xf32>
      %add3A_1543 = vector.broadcast %dot_general3A_1542 : vector<64x1xf32> to vector<64x128xf32>
      %add3A_1544 = arith.addf %dot_general3A_1537, %add3A_1543 : vector<64x128xf32>
      %sub3A_1545 = arith.subf %add3A_1544, %convert_element_type3A_1535 : vector<64x128xf32>
      %convert_element_type3A_1546 = arith.fptosi %sub3A_1545 : vector<64x128xf32> to vector<64x128xi32>
      %lt3A_1547 = vector.broadcast %sub3A_1512 : vector<1x1xi32> to vector<64x128xi32>
      %lt3A_1548 = arith.cmpi slt, %convert_element_type3A_1533, %lt3A_1547 : vector<64x128xi32>
      %and3A_1549 = arith.andi %eq3A_1502, %lt3A_1548 : vector<64x128xi1>
      %or3A_1550 = arith.ori %gt3A_1500, %and3A_1549 : vector<64x128xi1>
      %min3A = vector.broadcast %sub3A_1512 : vector<1x1xi32> to vector<64x128xi32>
      %min3A_1551 = arith.minsi %convert_element_type3A_1533, %min3A : vector<64x128xi32>
      %add3A_1552 = arith.addi %convert_element_type3A_1546, %min3A_1551 : vector<64x128xi32>
      %mul3A_1553 = arith.constant 2 : i32
      %mul3A_1554 = vector.broadcast %mul3A_1553 : i32 to vector<64x128xi32>
      %mul3A_1555 = arith.muli %mul3A_1554, %add3A_1552 : vector<64x128xi32>
      %convert_element_type3A_1556 = arith.extui %or3A_1550 : vector<64x128xi1> to vector<64x128xi32>
      %add3A_1557 = arith.addi %mul3A_1555, %convert_element_type3A_1556 : vector<64x128xi32>
      %swap3A_1558 = arith.constant 0 : index
      %swap3A_1559 = arith.constant 0 : index
      %swap3A_1560 = vector.load %arg4[%swap3A_1558, %swap3A_1559] : memref<64x128xi32, #tpu.memory_space<vmem>>, vector<64x128xi32>
      tpu.vector_store %arg4[%swap3A_1558, %swap3A_1559], %add3A_1557 {strides = array<i32>} : memref<64x128xi32, #tpu.memory_space<vmem>>, vector<64x128xi32>,
    } else {
    }
    return
  }
  func.func @transform_0(%arg0: i32) -> (i32, i32) {
    %c0_i32 = arith.constant 0 : i32
    %c0_i32_0 = arith.constant 0 : i32
    return %arg0, %c0_i32 : i32, i32
  }
  func.func @transform_1(%arg0: i32) -> (i32, i32) {
    %c0_i32 = arith.constant 0 : i32
    %c0_i32_0 = arith.constant 0 : i32
    %c0_i32_1 = arith.constant 0 : i32
    return %c0_i32, %c0_i32_0 : i32, i32
  }
  func.func @transform_2(%arg0: i32) -> i32 {
    %c0_i32 = arith.constant 0 : i32
    %c0_i32_0 = arith.constant 0 : i32
    return %c0_i32 : i32
  }
  func.func @transform_3(%arg0: i32) -> (i32, i32) {
    %c0_i32 = arith.constant 0 : i32
    %c0_i32_0 = arith.constant 0 : i32
    %c0_i32_1 = arith.constant 0 : i32
    return %c0_i32, %c0_i32_0 : i32, i32
  }
}

</mosaic_0001>

<sc_bundles>
// kernel: kernel.4.cloned.1.call-start
scs
__scs_entry_jumppad:
0x0: {  	(pc) =	sbr.rel $0x88, $3  }
0x1: {  	(tag) =	ssettag $0x0;
	lr =	simm.s32 $0x1  }
0x2: {  	[smem:$0x3F9E] =	sst lr;
	_ =	strace $0xD0000000  }
0x3: {  	_ = 	snop  }
0x4: {  	_ = 	snop  }
0x5: {  	_ = 	snop  }
0x6: {  	_ = 	snop  }
0x7: {  	_ = 	snop  }
__scs_overlays_trampoline_lowered:
0x8: {  	[smem:$0x3FAD] =	sst s0  }
0x9: {  	[smem:$0x3FAE] =	sst s1  }
0xa: {  	[smem:$0x3FAF] =	sst s2  }
0xb: {  	[smem:$0x3FB0] =	sst s3  }
0xc: {  	[smem:$0x3FB1] =	sst s4  }
0xd: {  	[smem:$0x3FB2] =	sst s5  }
0xe: {  	[smem:$0x3FB3] =	sst s6  }
0xf: {  	[smem:$0x3FB4] =	sst s7  }
0x10: {  	[smem:$0x3FB5] =	sst s8  }
0x11: {  	[smem:$0x3FB6] =	sst s9;
	s0 =	simm.s32 @!p0 $0x0  }
0x12: {  	s1 =	sld [smem:$0x3F9C];
	s0 =	simm.s32 @p0 $0x1  }
0x13: {  	[smem:$0x3FB7] =	sst s0;
	s0 =	simm.s32 @!p1 $0x0  }
0x14: {  	s2 =	sld [smem:$0x3F9B];
	s0 =	simm.s32 @p1 $0x1  }
0x15: {  	[smem:$0x3FB8] =	sst s0;
	s0 =	simm.s32 @!p2 $0x0  }
0x16: {  	s3 =	sld [smem:$0x3FDB];
	s0 =	simm.s32 @p2 $0x1  }
0x17: {  	s4 =	simm.s32 $0x1BF5;
	[smem:$0x3FBA] =	sst s0  }
0x18: {  	s0 =	sld [smem:$0x3F9D];
	_ =	swait.ge [sflag:s4], $0x0  }
0x19: {  	s7 =	sld [smem:$0x3F9E]  }
0x1a: {  	s8 =	sadd.s32 $0xFFFFE003, lr  }
0x1b: {  	s9 =	sadd.s32 $0xFFFFFEF7, lr;
	s5 =	simm.s32 $0xFFFFFFFF;
	p2 =	slt.u32 s8, $0xFFFFF086  }
0x1c: {  	p1 =	slt.u32 s9, $0xF7A;
	s5 =	simm.s32 @!p2 $0x0  }
0x1d: {  	s5 =	simm.s32 @p1 $0x1;
	p0 =	seq.s32 s7, s2  }
0x1e: {  	s7 =	smul.u32 @!p0 $0xF7A, s2;
	p2 =	seq.s32 @!p0 s5, $0x0  }
0x1f: {  	s9 =	smul.u32 $0xF7A, s1;
	s8 =	simm.s32 @!p0 $0x1BF5;
	p2 =	por !p2, p0  }
0x20: {  	[sflag:s8] =	ssyncset.s32 @!p0 $0xFFFFF086;
	s6 =	sadd.s32 @!p0 s3, s7;
	s7 =	simm.s32 @!p0 $0x108  }
0x21: {  	s3 =	sadd.s32 s3, s9;
	s6 =	sadd.s32 @!p0 $0x88, s6;
	s7 =	simm.s32 @p2 $0x1082  }
0x22: {  	[simem:s7], [sflag:s8] =	dma.local @!p0 [hbm:s6], $0xF7A  }
0x23: {  	s9 =	sor.u32 $0xD0000000, s2;
	s6 =	simm.s32 $0x108;
	_ =	swait.ge @!p0 [sflag:s8], $0x0  }
0x24: {  	s3 =	sadd.s32 $0x88, s3;
	s6 =	simm.s32 @!p1 $0x1082;
	[sflag:s4] =	ssyncset.s32 $0xFFFFF086  }
0x25: {  	[simem:s6], [sflag:s4] =	dma.local [hbm:s3], $0xF7A  }
0x26: {  	[smem:$0x3F9E] =	sst s1;
	(tag) =	ssettag s2;
	_ =	strace s9  }
0x27: {  	s1 =	sld [smem:$0x3FAE]  }
0x28: {  	s2 =	sld [smem:$0x3FAF]  }
0x29: {  	s4 =	sld [smem:$0x3FB1]  }
0x2a: {  	p0 =	seq.s32 s5, $0x0;
	s5 =	sld [smem:$0x3FB2]  }
0x2b: {  	s6 =	sld [smem:$0x3FB3]  }
0x2c: {  	s7 =	sld [smem:$0x3FB4]  }
0x2d: {  	s3 =	simm.s32 $0x108;
	s8 =	sld [smem:$0x3FB5]  }
0x2e: {  	s3 =	simm.s32 @!p0 $0x1082;
	s9 =	sld [smem:$0x3FB6]  }
0x2f: {  	lr =	sadd.s32 s0, s3;
	s0 =	sld [smem:$0x3FAD]  }
0x30: {  	s3 =	sld [smem:$0x3FB0]  }
0x31: {  	[smem:$0x3FB9] =	sst s10  }
0x32: {  	s10 =	sld [smem:$0x3FB7];
	_ =	sdelay $0x3  }
0x33: {  	p0 =	seq.s32 s10, $0x1;
	s10 =	sld [smem:$0x3FB9];
	_ =	sdelay $0x3  }
0x34: {  	[smem:$0x3FB9] =	sst s10  }
0x35: {  	s10 =	sld [smem:$0x3FB8];
	_ =	sdelay $0x3  }
0x36: {  	p1 =	seq.s32 s10, $0x1;
	s10 =	sld [smem:$0x3FB9];
	_ =	sdelay $0x3  }
0x37: {  	[smem:$0x3FB9] =	sst s10  }
0x38: {  	s10 =	sld [smem:$0x3FBA]  }
0x39: {  	_ = 	snop;
	(pc) =	sbr.ind lr, $3  }
0x3a: {  	_ = 	snop  }
0x3b: {  	_ = 	snop  }
0x3c: {  	p2 =	seq.s32 s10, $0x1;
	s10 =	sld [smem:$0x3FB9]  }
0x3d: {  	_ =	shalt  }
0x3e: {  	_ =	shalt  }
0x3f: {  	_ =	shalt  }
0x40: {  	_ =	shalt  }
0x41: {  	_ =	shalt  }
0x42: {  	_ =	shalt  }
0x43: {  	_ =	shalt  }
0x44: {  	_ =	shalt  }
0x45: {  	_ =	shalt  }
0x46: {  	_ =	shalt  }
0x47: {  	_ =	shalt  }
0x48: {  	_ =	shalt  }
0x49: {  	_ =	shalt  }
0x4a: {  	_ =	shalt  }
0x4b: {  	_ =	shalt  }
0x4c: {  	_ =	shalt  }
0x4d: {  	_ =	shalt  }
0x4e: {  	_ =	shalt  }
0x4f: {  	_ =	shalt  }
0x50: {  	_ =	shalt  }
0x51: {  	_ =	shalt  }
0x52: {  	_ =	shalt  }
0x53: {  	_ =	shalt  }
0x54: {  	_ =	shalt  }
0x55: {  	_ =	shalt  }
0x56: {  	_ =	shalt  }
0x57: {  	_ =	shalt  }
0x58: {  	_ =	shalt  }
0x59: {  	_ =	shalt  }
0x5a: {  	_ =	shalt  }
0x5b: {  	_ =	shalt  }
0x5c: {  	_ =	shalt  }
0x5d: {  	_ =	shalt  }
0x5e: {  	_ =	shalt  }
0x5f: {  	_ =	shalt  }
0x60: {  	_ =	shalt  }
0x61: {  	_ =	shalt  }
0x62: {  	_ =	shalt  }
0x63: {  	_ =	shalt  }
0x64: {  	_ =	shalt  }
0x65: {  	_ =	shalt  }
0x66: {  	_ =	shalt  }
0x67: {  	_ =	shalt  }
0x68: {  	_ =	shalt  }
0x69: {  	_ =	shalt  }
0x6a: {  	_ =	shalt  }
0x6b: {  	_ =	shalt  }
0x6c: {  	_ =	shalt  }
0x6d: {  	_ =	shalt  }
0x6e: {  	_ =	shalt  }
0x6f: {  	_ =	shalt  }
0x70: {  	_ =	shalt  }
0x71: {  	_ =	shalt  }
0x72: {  	_ =	shalt  }
0x73: {  	_ =	shalt  }
0x74: {  	_ =	shalt  }
0x75: {  	_ =	shalt  }
0x76: {  	_ =	shalt  }
0x77: {  	_ =	shalt  }
0x78: {  	_ =	shalt  }
0x79: {  	_ =	shalt  }
0x7a: {  	_ =	shalt  }
0x7b: {  	_ =	shalt  }
0x7c: {  	_ =	shalt  }
0x7d: {  	_ =	shalt  }
0x7e: {  	_ =	shalt  }
0x7f: {  	_ =	shalt  }
0x80: {  	_ =	shalt  }
0x81: {  	_ =	shalt  }
0x82: {  	_ =	shalt  }
0x83: {  	_ =	shalt  }
0x84: {  	_ =	shalt  }
0x85: {  	_ =	shalt  }
0x86: {  	_ =	shalt  }
0x87: {  	_ =	shalt  }
.Lfunc_end0:
.L_simem_size_0:
called_computation_lowered:
.L_overlay_start_0:
0x88: {  	s2 =	sld [smem:$0x3FD9]  }
0x89: {  	s3 =	sld [smem:$0x3FFE];
	_ =	sdelay $0x1  }
0x8a: {  	s1 =	srdreg.scid  }
0x8b: {  	s0 =	sand.u32 $0x1, s1  }
0x8c: {  	s17 =	sshll.u32 s0, $0xA;
	s2 =	sadd.s32 s3, s2  }
0x8d: {  	s2 =	sadd.s32 s2, s17  }
0x8e: {  	[smem:$0x3FC5] =	sst s2  }
0x8f: {  	_ = 	snop  }
0x90: {  	s2 =	sld [smem:$0x3FC9]  }
0x91: {  	s18 =	sld [smem:$0x3FD0];
	(tm) =	ssettm $0x1  }
0x92: {  	s4 =	sld [smem:$0x3FFB];
	_ =	sdelay $0x3  }
0x93: {  	_ =	strace s4  }
0x94: {  	s4 =	sld [smem:$0x3FFC];
	_ =	sdelay $0x3  }
0x95: {  	_ =	strace s4  }
0x96: {  	s4 =	sld [smem:$0x3FFD];
	_ =	sdelay $0x3  }
0x97: {  	_ =	strace s4  }
0x98: {  	_ =	strace $0x8FFFFFFF  }
0x99: {  	s19 =	sld [smem:$0x3FDB];
	_ =	sdelay $0x1  }
0x9a: {  	s5 =	simm.s32 $_scs_section_size  }
0x9b: {  	s6 =	simm.s32 $_size__tile_overlayer_lowered;
	s7 =	simm.s32 $_tile_overlayer_lowered  }
0x9c: {  	s22 =	simm.s32 $0x1BFF;
	s21 =	sshll.u32 s7, $0x1;
	s4 =	sadd.s32 s5, s19  }
0x9d: {  	s8 =	simm.s32 $0x0;
	s20 =	sshll.u32 s6, $0x1;
	s6 =	sadd.s32 s21, s4  }
0x9e: {  	[timem:s8], [sflag:s22] =	dma.local [hbm:s6], s20  }
0x9f: {  	_ =	swait.ge [sflag:s22], s20  }
0xa0: {  	s5 =	ssub.s32 $0x0, s20;
	[sflag:s22] =	ssyncset.done $0x0  }
0xa1: {  	[sflag:s22] =	ssyncadd.s32 s5;
	_ =	sdelay $0x1  }
0xa2: {  	s23 =	simm.s32 $0x1B8B  }
0xa3: {  	_ =	swait.ge [sflag:s23], $0x1  }
0xa4: {  	[sflag:s23] =	ssyncset.done $0x0  }
0xa5: {  	s25 =	simm.s32 $0x1B8E;
	s24 =	sld [smem:$0x3FFE];
	[sflag:s23] =	ssyncadd.s32 $0xFFFFFFFF  }
0xa6: {  	s26 =	simm.s32 $execute0_lowered;
	[smem:$0x3FD2] =	sst s25  }
0xa7: {  	s6 =	sshll.u32 s26, $0x1;
	_ =	strace $0x80000046;
	[dreg:$0x1] =	wrdreg $0xFFFFFFFF  }
0xa8: {  	s28 =	simm.s32 $_size_execute0_lowered;
	s4 =	sadd.s32 s4, s6;
	[dreg:$0x0] =	wrdreg $0x0  }
0xa9: {  	s6 =	sshll.u32 s28, $0x1;
	[dreg:$0x2] =	wrdreg s4  }
0xaa: {  	[dreg:$0x3] =	wrdreg s6  }
0xab: {  	[dreg:$0x4] =	wrdreg $0xC0  }
0xac: {  	_ =	task [dreg:s8], $0x5FFFF  }
0xad: {  	[dreg:$0x1] =	wrdreg $0xFFFFFFFF  }
0xae: {  	[dreg:$0x0] =	wrdreg $0x60  }
0xaf: {  	[dreg:$0x2] =	wrdreg s2  }
0xb0: {  	[dreg:$0x3] =	wrdreg s24  }
0xb1: {  	[dreg:$0x4] =	wrdreg s18  }
0xb2: {  	[dreg:$0x5] =	wrdreg $0x9  }
0xb3: {  	_ =	task.clear_ibuf [dreg:s8], $0x6FFFF;
	_ =	strace $0x90000046  }
0xb4: {  	s29 =	simm.s32 $0x9;
	_ =	strace $0x80000048  }
0xb5: {  	_ =	swait.ge [sflag:s29], $0x1  }
0xb6: {  	[sflag:s29] =	ssyncadd.s32 $0xFFFFFFFF  }
0xb7: {  	_ =	strace $0x90000048  }
0xb8: {  	_ =	sfence  }
0xb9: {  	s30 =	sld [smem:$0x0];
	_ =	sdelay $0x2  }
0xba: {  	s31 =	sshll.u32 s1, $0xD;
	s1 =	sshrl.u32 s1, $0x2  }
0xbb: {  	s3 =	sand.u32 $0x4000, s31;
	s1 =	sadd.s32 s1, s30  }
0xbc: {  	s0 =	sor.u32 s3, s0;
	s1 =	sshll.u32 s1, $0x11  }
0xbd: {  	s0 =	sor.u32 s1, s0  }
0xbe: {  	s0 =	sadd.s32 $0x8F2B, s0  }
0xbf: {  	[sflag:s0] =	ssyncadd.remote.s32 $0x1  }
0xc0: {  	_ =	sfence.sel $0xFFFF  }
0xc1: {  	[dreg:$0x0] =	wrdreg $0xFFFFFFFF;
	(pc) =	sbr.abs _section_cstart, $3  }
0xc2: {  	[dreg:$0x1] =	wrdreg $0xFFFFFFFF  }
0xc3: {  	_ =	task.clear_ibuf [dreg:s8], $0x2FFFF;
	_ =	strace $0x9FFFFFFF  }
0xc4: {  	(tm) =	ssettm $0x7FFFFFFF  }
0xc5: {  	_ =	shalt  }
tec
execute0_lowered:
.L_overlay_start_1:
0x0: {  	(tag) =	ssettag $0x1  }
0x1: {  	s1 =	rddreg [dreg:$0x0]  }
0x2: {  	s0 =	rddreg [dreg:$0x1]  }
0x3: {  	s10 =	rddreg [dreg:$0x2];
	s3 =	simm.s32 $0x0;
	s2 =	srdreg.scid  }
0x4: {  	s5 =	stileid.u32;
	s19 =	simm.s32 $0x3;
	s20 =	simm.s32 $0x1  }
0x5: {  	s21 =	simm.s32 $0x2000;
	s29 =	simm.s32 $0x5080;
	s24 =	simm.s32 $0x8080  }
0x6: {  	s30 =	simm.s32 $0xE080;
	s28 =	simm.s32 $0x11080;
	s31 =	simm.s32 $0x14080  }
0x7: {  	[smem:$0x7FF] =	sst s3;
	s2 =	sand.u32 $0x1, s2;
	s5 =	sshll.u32 s5, $0x1  }
0x8: {  	s0 =	sadd.s32 $0xA00, s0;
	s7 =	sadd.s32 $0x100, s1;
	s17 =	sadd.s32 $0x60000, s10  }
0x9: {  	_ =	strace $0x80000047;
	s4 =	ssub.s32 $0x2, s2;
	s11 =	sor.u32 s2, s5  }
0xa: {  	[dreg:$0x4] =	wrdreg s0;
	s22 =	sshrl.u32 s4, $0x1;
	s8 =	smul.u32 $0x18000, s11  }
0xb: {  	s23 =	sshll.u32 s11, $0x7;
	s5 =	sshll.u32 s11, $0x8;
	s9 =	smul.u32 $0x3000, s11  }
0xc: {  	p0 =	sne.s32 s11, $0x0;
	s0 =	ssub.s32 s4, s22;
	s2 =	sadd.s32 $0x80, s23  }
0xd: {  	s22 =	simm.s32 $0x2080;
	v0 =	vmov s23;
	s23 =	simm.s32 $0x17080;
	s6 =	sshll.u32 s2, $0x1  }
0xe: {  	s12 =	sshrl.u32 s8, $0x3;
	s8 =	sadd.s32 $0x200, s1;
	s9 =	sadd.s32 s10, s9  }
.Ltmp0:
0xf: {  	s18 =	smax.u32 s0, $0x1;
	s25 =	sadd.s32 $0x600, s9;
	(pc) =	sbr.rel .LBB2_1-.Ltmp0, $4  }
0x10: {  	s0 =	simm.s32 $0xB080;
	s26 =	sadd.s32 $0xC00, s9;
	[dreg:$0x5] =	wrdreg s25  }
0x11: {  	v1 =	vlaneseq.u32;
	v2 =	vmov s2;
	s2 =	simm.s32 $0x2;
	s16 =	sadd.s32 s10, s12;
	[dreg:$0x6] =	wrdreg s26  }
0x12: {  	vm0 =	vmmov $0xffff;
	v4 =	vshrl.u32 v1, $0x3;
	s12 =	sadd.s32 $0x1200, s16;
	s13 =	sadd.s32 $0x1800, s16;
	s14 =	sadd.s32 $0x1E00, s16  }
0x13: {  	v3 =	vand.u32 $0x7, v1;
	v5 =	vor.u32 $0x8, v1;
	v4 =	vmul.u32 $0x8, v4;
	s15 =	sadd.s32 $0x2400, s16;
	s16 =	sadd.s32 $0x2A00, s16;
	s25 =	simm.s32 $0x0  }
.LBB2_4:
0x14: {  	v6 =	vld [tilespmem:$0x2000];
	_ =	sdelay $0x4  }
0x15: {  	v7 =	vshrl.u32 v6, $0x3  }
0x16: {  	v7 =	vmul.u32 $0x30, v7  }
0x17: {  	v6 =	vand.u32 $0x7, v6  }
0x18: {  	v6 =	vor.u32 v6, v7  }
0x19: {  	v7 =	vperm.xlane v6, v3;
	_ =	sdelay $0x1  }
0x1a: {  	v7 =	vadd.s32 v4, v7;
	_ =	sdelay $0x3  }
0x1b: {  	v6 =	vperm.xlane v6, v5  }
0x1c: {  	[tilespmem:s22], [sflag:$0x1] =	stream.indirect_vreg.gather [hbm4b:s1+s3], $0x80, v7, vm0, $0xb8;
	[tilespmem:$0x1A380] =	vst v63  }
0x1d: {  	s4 =	simm.s32 $0x2880;
	v6 =	vadd.s32 v4, v6  }
0x1e: {  	[tilespmem:s4], [sflag:$0x1] =	stream.indirect_vreg.gather [hbm4b:s7+s3], $0x80, v7, vm0, $0xb8;
	[tilespmem:$0x1A380] =	vst v63  }
0x1f: {  	s11 =	simm.s32 $0x3080  }
0x20: {  	[tilespmem:s11], [sflag:$0x1] =	stream.indirect_vreg.gather [hbm4b:s8+s3], $0x80, v7, vm0, $0xb8;
	[tilespmem:$0x1A380] =	vst v63  }
0x21: {  	s26 =	simm.s32 $0x3880  }
0x22: {  	[tilespmem:s26], [sflag:$0x1] =	stream.indirect_vreg.gather [hbm4b:s1+s3], $0x80, v6, vm0, $0xb8;
	[tilespmem:$0x1A380] =	vst v63  }
0x23: {  	s10 =	simm.s32 $0x4080  }
0x24: {  	[tilespmem:s10], [sflag:$0x1] =	stream.indirect_vreg.gather [hbm4b:s7+s3], $0x80, v6, vm0, $0xb8;
	[tilespmem:$0x1A380] =	vst v63  }
0x25: {  	s11 =	simm.s32 $0x4880  }
0x26: {  	[tilespmem:s11], [sflag:$0x1] =	stream.indirect_vreg.gather [hbm4b:s8+s3], $0x80, v6, vm0, $0xb8;
	[tilespmem:$0x1A380] =	vst v63  }
0x27: {  	v6 =	vld [tilespmem:$0x2010];
	_ =	sdelay $0x4  }
0x28: {  	v7 =	vshrl.u32 v6, $0x3  }
0x29: {  	v7 =	vmul.u32 $0x30, v7  }
0x2a: {  	v6 =	vand.u32 $0x7, v6  }
0x2b: {  	v6 =	vor.u32 v6, v7  }
0x2c: {  	v7 =	vperm.xlane v6, v3;
	_ =	sdelay $0x1  }
0x2d: {  	v7 =	vadd.s32 v4, v7;
	_ =	sdelay $0x3  }
0x2e: {  	v6 =	vperm.xlane v6, v5  }
0x2f: {  	[tilespmem:s29], [sflag:$0x1] =	stream.indirect_vreg.gather [hbm4b:s1+s3], $0x80, v7, vm0, $0xb8;
	[tilespmem:$0x1A380] =	vst v63  }
0x30: {  	s26 =	simm.s32 $0x5880;
	v6 =	vadd.s32 v4, v6  }
0x31: {  	[tilespmem:s26], [sflag:$0x1] =	stream.indirect_vreg.gather [hbm4b:s7+s3], $0x80, v7, vm0, $0xb8;
	[tilespmem:$0x1A380] =	vst v63  }
0x32: {  	s10 =	simm.s32 $0x6080  }
0x33: {  	[tilespmem:s10], [sflag:$0x1] =	stream.indirect_vreg.gather [hbm4b:s8+s3], $0x80, v7, vm0, $0xb8;
	[tilespmem:$0x1A380] =	vst v63  }
0x34: {  	s11 =	simm.s32 $0x6880  }
0x35: {  	[tilespmem:s11], [sflag:$0x1] =	stream.indirect_vreg.gather [hbm4b:s1+s3], $0x80, v6, vm0, $0xb8;
	[tilespmem:$0x1A380] =	vst v63  }
0x36: {  	s26 =	simm.s32 $0x7080  }
0x37: {  	[tilespmem:s26], [sflag:$0x1] =	stream.indirect_vreg.gather [hbm4b:s7+s3], $0x80, v6, vm0, $0xb8;
	[tilespmem:$0x1A380] =	vst v63  }
0x38: {  	s10 =	simm.s32 $0x7880  }
0x39: {  	[tilespmem:s10], [sflag:$0x1] =	stream.indirect_vreg.gather [hbm4b:s8+s3], $0x80, v6, vm0, $0xb8;
	[tilespmem:$0x1A380] =	vst v63  }
0x3a: {  	v6 =	vld [tilespmem:$0x2020];
	_ =	sdelay $0x4  }
0x3b: {  	v7 =	vshrl.u32 v6, $0x3  }
0x3c: {  	v7 =	vmul.u32 $0x30, v7  }
0x3d: {  	v6 =	vand.u32 $0x7, v6  }
0x3e: {  	v6 =	vor.u32 v6, v7  }
0x3f: {  	v7 =	vperm.xlane v6, v3;
	_ =	sdelay $0x1  }
0x40: {  	v7 =	vadd.s32 v4, v7;
	_ =	sdelay $0x3  }
0x41: {  	v6 =	vperm.xlane v6, v5  }
0x42: {  	[tilespmem:s24], [sflag:$0x1] =	stream.indirect_vreg.gather [hbm4b:s1+s3], $0x80, v7, vm0, $0xb8;
	[tilespmem:$0x1A380] =	vst v63  }
0x43: {  	s11 =	simm.s32 $0x8880;
	v6 =	vadd.s32 v4, v6  }
0x44: {  	[tilespmem:s11], [sflag:$0x1] =	stream.indirect_vreg.gather [hbm4b:s7+s3], $0x80, v7, vm0, $0xb8;
	[tilespmem:$0x1A380] =	vst v63  }
0x45: {  	s26 =	simm.s32 $0x9080  }
0x46: {  	[tilespmem:s26], [sflag:$0x1] =	stream.indirect_vreg.gather [hbm4b:s8+s3], $0x80, v7, vm0, $0xb8;
	[tilespmem:$0x1A380] =	vst v63  }
0x47: {  	s10 =	simm.s32 $0x9880  }
0x48: {  	[tilespmem:s10], [sflag:$0x1] =	stream.indirect_vreg.gather [hbm4b:s1+s3], $0x80, v6, vm0, $0xb8;
	[tilespmem:$0x1A380] =	vst v63  }
0x49: {  	s11 =	simm.s32 $0xA080  }
0x4a: {  	[tilespmem:s11], [sflag:$0x1] =	stream.indirect_vreg.gather [hbm4b:s7+s3], $0x80, v6, vm0, $0xb8;
	[tilespmem:$0x1A380] =	vst v63  }
0x4b: {  	s26 =	simm.s32 $0xA880  }
0x4c: {  	[tilespmem:s26], [sflag:$0x1] =	stream.indirect_vreg.gather [hbm4b:s8+s3], $0x80, v6, vm0, $0xb8;
	[tilespmem:$0x1A380] =	vst v63  }
0x4d: {  	v6 =	vld [tilespmem:$0x2030];
	_ =	sdelay $0x4  }
0x4e: {  	v7 =	vshrl.u32 v6, $0x3  }
0x4f: {  	v7 =	vmul.u32 $0x30, v7  }
0x50: {  	v6 =	vand.u32 $0x7, v6  }
0x51: {  	v6 =	vor.u32 v6, v7  }
0x52: {  	v7 =	vperm.xlane v6, v3;
	_ =	sdelay $0x1  }
0x53: {  	v7 =	vadd.s32 v4, v7;
	_ =	sdelay $0x3  }
0x54: {  	v6 =	vperm.xlane v6, v5  }
0x55: {  	[tilespmem:s0], [sflag:$0x1] =	stream.indirect_vreg.gather [hbm4b:s1+s3], $0x80, v7, vm0, $0xb8;
	[tilespmem:$0x1A380] =	vst v63  }
0x56: {  	s10 =	simm.s32 $0xB880;
	v6 =	vadd.s32 v4, v6  }
0x57: {  	[tilespmem:s10], [sflag:$0x1] =	stream.indirect_vreg.gather [hbm4b:s7+s3], $0x80, v7, vm0, $0xb8;
	[tilespmem:$0x1A380] =	vst v63  }
0x58: {  	s11 =	simm.s32 $0xC080  }
0x59: {  	[tilespmem:s11], [sflag:$0x1] =	stream.indirect_vreg.gather [hbm4b:s8+s3], $0x80, v7, vm0, $0xb8;
	[tilespmem:$0x1A380] =	vst v63  }
0x5a: {  	s26 =	simm.s32 $0xC880  }
0x5b: {  	[tilespmem:s26], [sflag:$0x1] =	stream.indirect_vreg.gather [hbm4b:s1+s3], $0x80, v6, vm0, $0xb8;
	[tilespmem:$0x1A380] =	vst v63  }
0x5c: {  	s10 =	simm.s32 $0xD080  }
0x5d: {  	[tilespmem:s10], [sflag:$0x1] =	stream.indirect_vreg.gather [hbm4b:s7+s3], $0x80, v6, vm0, $0xb8;
	[tilespmem:$0x1A380] =	vst v63  }
0x5e: {  	s11 =	simm.s32 $0xD880  }
0x5f: {  	[tilespmem:s11], [sflag:$0x1] =	stream.indirect_vreg.gather [hbm4b:s8+s3], $0x80, v6, vm0, $0xb8;
	[tilespmem:$0x1A380] =	vst v63  }
0x60: {  	v6 =	vld [tilespmem:$0x2040];
	_ =	sdelay $0x4  }
0x61: {  	v7 =	vshrl.u32 v6, $0x3  }
0x62: {  	v7 =	vmul.u32 $0x30, v7  }
0x63: {  	v6 =	vand.u32 $0x7, v6  }
0x64: {  	v6 =	vor.u32 v6, v7  }
0x65: {  	v7 =	vperm.xlane v6, v3;
	_ =	sdelay $0x1  }
0x66: {  	v7 =	vadd.s32 v4, v7;
	_ =	sdelay $0x3  }
0x67: {  	v6 =	vperm.xlane v6, v5  }
0x68: {  	[tilespmem:s30], [sflag:$0x1] =	stream.indirect_vreg.gather [hbm4b:s1+s3], $0x80, v7, vm0, $0xb8;
	[tilespmem:$0x1A380] =	vst v63  }
0x69: {  	s26 =	simm.s32 $0xE880;
	v6 =	vadd.s32 v4, v6  }
0x6a: {  	[tilespmem:s26], [sflag:$0x1] =	stream.indirect_vreg.gather [hbm4b:s7+s3], $0x80, v7, vm0, $0xb8;
	[tilespmem:$0x1A380] =	vst v63  }
0x6b: {  	s10 =	simm.s32 $0xF080  }
0x6c: {  	[tilespmem:s10], [sflag:$0x1] =	stream.indirect_vreg.gather [hbm4b:s8+s3], $0x80, v7, vm0, $0xb8;
	[tilespmem:$0x1A380] =	vst v63  }
0x6d: {  	s11 =	simm.s32 $0xF880  }
0x6e: {  	[tilespmem:s11], [sflag:$0x1] =	stream.indirect_vreg.gather [hbm4b:s1+s3], $0x80, v6, vm0, $0xb8;
	[tilespmem:$0x1A380] =	vst v63  }
0x6f: {  	s26 =	simm.s32 $0x10080  }
0x70: {  	[tilespmem:s26], [sflag:$0x1] =	stream.indirect_vreg.gather [hbm4b:s7+s3], $0x80, v6, vm0, $0xb8;
	[tilespmem:$0x1A380] =	vst v63  }
0x71: {  	s10 =	simm.s32 $0x10880  }
0x72: {  	[tilespmem:s10], [sflag:$0x1] =	stream.indirect_vreg.gather [hbm4b:s8+s3], $0x80, v6, vm0, $0xb8;
	[tilespmem:$0x1A380] =	vst v63  }
0x73: {  	v6 =	vld [tilespmem:$0x2050];
	_ =	sdelay $0x4  }
0x74: {  	v7 =	vshrl.u32 v6, $0x3  }
0x75: {  	v7 =	vmul.u32 $0x30, v7  }
0x76: {  	v6 =	vand.u32 $0x7, v6  }
0x77: {  	v6 =	vor.u32 v6, v7  }
0x78: {  	v7 =	vperm.xlane v6, v3;
	_ =	sdelay $0x1  }
0x79: {  	v7 =	vadd.s32 v4, v7;
	_ =	sdelay $0x3  }
0x7a: {  	v6 =	vperm.xlane v6, v5  }
0x7b: {  	[tilespmem:s28], [sflag:$0x1] =	stream.indirect_vreg.gather [hbm4b:s1+s3], $0x80, v7, vm0, $0xb8;
	[tilespmem:$0x1A380] =	vst v63  }
0x7c: {  	s11 =	simm.s32 $0x11880;
	v6 =	vadd.s32 v4, v6  }
0x7d: {  	[tilespmem:s11], [sflag:$0x1] =	stream.indirect_vreg.gather [hbm4b:s7+s3], $0x80, v7, vm0, $0xb8;
	[tilespmem:$0x1A380] =	vst v63  }
0x7e: {  	s26 =	simm.s32 $0x12080  }
0x7f: {  	[tilespmem:s26], [sflag:$0x1] =	stream.indirect_vreg.gather [hbm4b:s8+s3], $0x80, v7, vm0, $0xb8;
	[tilespmem:$0x1A380] =	vst v63  }
0x80: {  	s10 =	simm.s32 $0x12880  }
0x81: {  	[tilespmem:s10], [sflag:$0x1] =	stream.indirect_vreg.gather [hbm4b:s1+s3], $0x80, v6, vm0, $0xb8;
	[tilespmem:$0x1A380] =	vst v63  }
0x82: {  	s11 =	simm.s32 $0x13080  }
0x83: {  	[tilespmem:s11], [sflag:$0x1] =	stream.indirect_vreg.gather [hbm4b:s7+s3], $0x80, v6, vm0, $0xb8;
	[tilespmem:$0x1A380] =	vst v63  }
0x84: {  	s26 =	simm.s32 $0x13880  }
0x85: {  	[tilespmem:s26], [sflag:$0x1] =	stream.indirect_vreg.gather [hbm4b:s8+s3], $0x80, v6, vm0, $0xb8;
	[tilespmem:$0x1A380] =	vst v63  }
0x86: {  	v6 =	vld [tilespmem:$0x2060];
	_ =	sdelay $0x4  }
0x87: {  	v7 =	vshrl.u32 v6, $0x3  }
0x88: {  	v7 =	vmul.u32 $0x30, v7  }
0x89: {  	v6 =	vand.u32 $0x7, v6  }
0x8a: {  	v6 =	vor.u32 v6, v7  }
0x8b: {  	v7 =	vperm.xlane v6, v3;
	_ =	sdelay $0x1  }
0x8c: {  	v7 =	vadd.s32 v4, v7;
	_ =	sdelay $0x3  }
0x8d: {  	v6 =	vperm.xlane v6, v5  }
0x8e: {  	[tilespmem:s31], [sflag:$0x1] =	stream.indirect_vreg.gather [hbm4b:s1+s3], $0x80, v7, vm0, $0xb8;
	[tilespmem:$0x1A380] =	vst v63  }
0x8f: {  	s10 =	simm.s32 $0x14880;
	v6 =	vadd.s32 v4, v6  }
0x90: {  	[tilespmem:s10], [sflag:$0x1] =	stream.indirect_vreg.gather [hbm4b:s7+s3], $0x80, v7, vm0, $0xb8;
	[tilespmem:$0x1A380] =	vst v63  }
0x91: {  	s11 =	simm.s32 $0x15080  }
0x92: {  	[tilespmem:s11], [sflag:$0x1] =	stream.indirect_vreg.gather [hbm4b:s8+s3], $0x80, v7, vm0, $0xb8;
	[tilespmem:$0x1A380] =	vst v63  }
0x93: {  	s26 =	simm.s32 $0x15880  }
0x94: {  	[tilespmem:s26], [sflag:$0x1] =	stream.indirect_vreg.gather [hbm4b:s1+s3], $0x80, v6, vm0, $0xb8;
	[tilespmem:$0x1A380] =	vst v63  }
0x95: {  	s10 =	simm.s32 $0x16080  }
0x96: {  	[tilespmem:s10], [sflag:$0x1] =	stream.indirect_vreg.gather [hbm4b:s7+s3], $0x80, v6, vm0, $0xb8;
	[tilespmem:$0x1A380] =	vst v63  }
0x97: {  	s11 =	simm.s32 $0x16880  }
0x98: {  	[tilespmem:s11], [sflag:$0x1] =	stream.indirect_vreg.gather [hbm4b:s8+s3], $0x80, v6, vm0, $0xb8;
	[tilespmem:$0x1A380] =	vst v63  }
0x99: {  	v6 =	vld [tilespmem:$0x2070];
	_ =	sdelay $0x4  }
0x9a: {  	v7 =	vshrl.u32 v6, $0x3  }
0x9b: {  	v7 =	vmul.u32 $0x30, v7  }
0x9c: {  	v6 =	vand.u32 $0x7, v6  }
0x9d: {  	v6 =	vor.u32 v6, v7  }
0x9e: {  	v7 =	vperm.xlane v6, v3;
	_ =	sdelay $0x1  }
0x9f: {  	v7 =	vadd.s32 v4, v7;
	_ =	sdelay $0x3  }
0xa0: {  	v6 =	vperm.xlane v6, v5  }
0xa1: {  	[tilespmem:s23], [sflag:$0x1] =	stream.indirect_vreg.gather [hbm4b:s1+s3], $0x80, v7, vm0, $0xb8;
	[tilespmem:$0x1A380] =	vst v63  }
0xa2: {  	s26 =	simm.s32 $0x17880;
	v6 =	vadd.s32 v4, v6  }
0xa3: {  	[tilespmem:s26], [sflag:$0x1] =	stream.indirect_vreg.gather [hbm4b:s7+s3], $0x80, v7, vm0, $0xb8;
	[tilespmem:$0x1A380] =	vst v63  }
0xa4: {  	s10 =	simm.s32 $0x18080  }
0xa5: {  	[tilespmem:s10], [sflag:$0x1] =	stream.indirect_vreg.gather [hbm4b:s8+s3], $0x80, v7, vm0, $0xb8;
	[tilespmem:$0x1A380] =	vst v63  }
0xa6: {  	s11 =	simm.s32 $0x18880  }
0xa7: {  	[tilespmem:s11], [sflag:$0x1] =	stream.indirect_vreg.gather [hbm4b:s1+s3], $0x80, v6, vm0, $0xb8;
	[tilespmem:$0x1A380] =	vst v63  }
0xa8: {  	s26 =	simm.s32 $0x19080  }
0xa9: {  	[tilespmem:s26], [sflag:$0x1] =	stream.indirect_vreg.gather [hbm4b:s7+s3], $0x80, v6, vm0, $0xb8;
	[tilespmem:$0x1A380] =	vst v63  }
0xaa: {  	s10 =	simm.s32 $0x19880  }
0xab: {  	[tilespmem:s10], [sflag:$0x1] =	stream.indirect_vreg.gather [hbm4b:s8+s3], $0x80, v6, vm0, $0xb8;
	[tilespmem:$0x1A380] =	vst v63  }
0xac: {  	_ =	swait.ge [sflag:s20], $0x3000  }
0xad: {  	[sflag:s20] =	ssyncset.done $0x0  }
0xae: {  	[sflag:s20] =	ssyncadd.s32 $0xFFFFD000  }
0xaf: {  	[hbm4b:s9+s3] =	stream.linear.scatter [tilespmem:s22], [sflag:$0x2], $0x3000, $0x38;
	[tilespmem:$0x1A380] =	vst v63  }
0xb0: {  	_ =	swait.ge [sflag:s20], $0x3000  }
0xb1: {  	[sflag:s20] =	ssyncset.done $0x0  }
0xb2: {  	s11 =	rddreg [dreg:$0x5];
	[sflag:s20] =	ssyncadd.s32 $0xFFFFD000  }
0xb3: {  	[hbm4b:s11+s3] =	stream.linear.scatter [tilespmem:s29], [sflag:$0x2], $0x3000, $0x38;
	[tilespmem:$0x1A380] =	vst v63  }
0xb4: {  	_ =	swait.ge [sflag:s20], $0x3000  }
0xb5: {  	[sflag:s20] =	ssyncset.done $0x0  }
0xb6: {  	s26 =	rddreg [dreg:$0x6];
	[sflag:s20] =	ssyncadd.s32 $0xFFFFD000  }
0xb7: {  	[hbm4b:s26+s3] =	stream.linear.scatter [tilespmem:s24], [sflag:$0x2], $0x3000, $0x38;
	[tilespmem:$0x1A380] =	vst v63  }
0xb8: {  	_ =	swait.ge [sflag:s20], $0x3000  }
0xb9: {  	[sflag:s20] =	ssyncset.done $0x0  }
0xba: {  	[sflag:s20] =	ssyncadd.s32 $0xFFFFD000  }
0xbb: {  	[hbm4b:s12+s3] =	stream.linear.scatter [tilespmem:s0], [sflag:$0x2], $0x3000, $0x38;
	[tilespmem:$0x1A380] =	vst v63  }
0xbc: {  	_ =	swait.ge [sflag:s20], $0x3000  }
0xbd: {  	[sflag:s20] =	ssyncset.done $0x0  }
0xbe: {  	[sflag:s20] =	ssyncadd.s32 $0xFFFFD000  }
0xbf: {  	[hbm4b:s13+s3] =	stream.linear.scatter [tilespmem:s30], [sflag:$0x2], $0x3000, $0x38;
	[tilespmem:$0x1A380] =	vst v63  }
0xc0: {  	_ =	swait.ge [sflag:s20], $0x3000  }
0xc1: {  	[sflag:s20] =	ssyncset.done $0x0  }
0xc2: {  	[sflag:s20] =	ssyncadd.s32 $0xFFFFD000  }
0xc3: {  	[hbm4b:s14+s3] =	stream.linear.scatter [tilespmem:s28], [sflag:$0x2], $0x3000, $0x38;
	[tilespmem:$0x1A380] =	vst v63  }
0xc4: {  	_ =	swait.ge [sflag:s20], $0x3000  }
0xc5: {  	[sflag:s20] =	ssyncset.done $0x0  }
0xc6: {  	[sflag:s20] =	ssyncadd.s32 $0xFFFFD000  }
0xc7: {  	[hbm4b:s15+s3] =	stream.linear.scatter [tilespmem:s31], [sflag:$0x2], $0x3000, $0x38;
	[tilespmem:$0x1A380] =	vst v63  }
0xc8: {  	_ =	swait.ge [sflag:s20], $0x3000  }
0xc9: {  	[sflag:s20] =	ssyncset.done $0x0  }
0xca: {  	s4 =	simm.s32 @!p0 $0x80;
	[sflag:s20] =	ssyncadd.s32 $0xFFFFD000  }
0xcb: {  	[hbm4b:s16+s3] =	stream.linear.scatter [tilespmem:s23], [sflag:$0x2], $0x3000, $0x38;
	[tilespmem:$0x1A380] =	vst v63  }
0xcc: {  	s10 =	simm.s32 @!p0 $0x400;
	s11 =	simm.s32 @!p0 $0x1A080;
	s26 =	simm.s32 @!p0 $0x3  }
0xcd: {  	[tilespmem:s11], [sflag:$0x3] =	stream.strided.gather @!p0 [hbm4b:s1+s4], $0x300, s10, s4, $0x38;
	[tilespmem:$0x1A380] =	vst v63  }
0xce: {  	_ =	swait.ge @!p0 [sflag:s26], $0x300  }
0xcf: {  	[sflag:s26] =	ssyncset.done @!p0 $0x0  }
0xd0: {  	[sflag:s26] =	ssyncadd.s32 @!p0 $0xFFFFFD00  }
0xd1: {  	[hbm4b:s17+s4] =	stream.strided.scatter @!p0 [tilespmem:s11], [sflag:$0x3], $0x300, s10, s4, $0x38;
	[tilespmem:$0x1A380] =	vst v63  }
0xd2: {  	_ =	swait.ge @!p0 [sflag:s26], $0x300  }
0xd3: {  	[sflag:s26] =	ssyncset.done @!p0 $0x0  }
0xd4: {  	[sflag:s26] =	ssyncadd.s32 @!p0 $0xFFFFFD00  }
0xd5: {  	_ =	swait.ge [sflag:s2], $0x3000  }
0xd6: {  	[sflag:s2] =	ssyncset.done $0x0  }
0xd7: {  	[sflag:s2] =	ssyncadd.s32 $0xFFFFD000  }
0xd8: {  	_ =	swait.ge [sflag:s2], $0x3000  }
0xd9: {  	[sflag:s2] =	ssyncset.done $0x0  }
0xda: {  	[sflag:s2] =	ssyncadd.s32 $0xFFFFD000  }
0xdb: {  	_ =	swait.ge [sflag:s2], $0x3000  }
0xdc: {  	[sflag:s2] =	ssyncset.done $0x0  }
0xdd: {  	[sflag:s2] =	ssyncadd.s32 $0xFFFFD000  }
0xde: {  	_ =	swait.ge [sflag:s2], $0x3000  }
0xdf: {  	[sflag:s2] =	ssyncset.done $0x0  }
0xe0: {  	[sflag:s2] =	ssyncadd.s32 $0xFFFFD000  }
0xe1: {  	_ =	swait.ge [sflag:s2], $0x3000  }
0xe2: {  	[sflag:s2] =	ssyncset.done $0x0  }
0xe3: {  	[sflag:s2] =	ssyncadd.s32 $0xFFFFD000  }
0xe4: {  	_ =	swait.ge [sflag:s2], $0x3000  }
0xe5: {  	[sflag:s2] =	ssyncset.done $0x0  }
0xe6: {  	s25 =	sadd.s32 $0x1, s25;
	[sflag:s2] =	ssyncadd.s32 $0xFFFFD000  }
0xe7: {  	p1 =	sne.s32 s25, s18;
	_ =	swait.ge [sflag:s2], $0x3000  }
.Ltmp1:
0xe8: {  	[sflag:s2] =	ssyncset.done $0x0;
	(pc) =	sbr.rel @!p1 .LBB2_5-.Ltmp1, $4  }
0xe9: {  	[sflag:s2] =	ssyncadd.s32 $0xFFFFD000  }
0xea: {  	_ =	swait.ge [sflag:s2], $0x3000  }
0xeb: {  	[sflag:s2] =	ssyncset.done $0x0  }
0xec: {  	[sflag:s2] =	ssyncadd.s32 $0xFFFFD000  }
.LBB2_1:
0xed: {  	s4 =	rddreg [dreg:$0x4]  }
0xee: {  	[tilespmem:s3], [sflag:$0x3] =	stream.linear.gather [hbm4b:s4+s3], $0x2000, $0x38;
	[tilespmem:$0x1A380] =	vst v63  }
0xef: {  	_ =	swait.ge [sflag:s19], $0x2000  }
0xf0: {  	[sflag:s19] =	ssyncset.done $0x0  }
0xf1: {  	[sflag:s19] =	ssyncadd.s32 $0xFFFFE000  }
0xf2: {  	v6 =	vld [tilespmem:$0xFF0];
	_ =	sdelay $0x4  }
0xf3: {  	(v2sf) =	vpush v6, $0x0;
	_ =	sdelay $0xe  }
0xf4: {  	s4 =	spop (v2sf)  }
0xf5: {  	s10 =	simm.s32 $0x0;
	p1 =	sgt.s32 s4, s5  }
0xf6: {  	s10 =	simm.s32 @!p1 $0x100  }
0xf7: {  	s11 =	sshll.u32 s10, $0x4  }
0xf8: {  	v6 =	vld [tilespmem:s11+$0x7F0];
	_ =	sdelay $0x4  }
0xf9: {  	(v2sf) =	vpush v6, $0x0;
	_ =	sdelay $0xe  }
0xfa: {  	s11 =	spop (v2sf)  }
0xfb: {  	s26 =	sor.u32 $0x80, s10;
	p1 =	sgt.s32 s11, s5  }
0xfc: {  	s26 =	smov.u32 @p1 s10  }
0xfd: {  	s10 =	sshll.u32 s26, $0x4  }
0xfe: {  	v6 =	vld [tilespmem:s10+$0x3F0];
	_ =	sdelay $0x4  }
0xff: {  	(v2sf) =	vpush v6, $0x0;
	_ =	sdelay $0xe  }
0x100: {  	s10 =	spop (v2sf)  }
0x101: {  	s11 =	sor.u32 $0x40, s26;
	p1 =	sgt.s32 s10, s5  }
0x102: {  	s11 =	smov.u32 @p1 s26  }
0x103: {  	s26 =	sshll.u32 s11, $0x4  }
0x104: {  	v6 =	vld [tilespmem:s26+$0x1F0];
	_ =	sdelay $0x4  }
0x105: {  	(v2sf) =	vpush v6, $0x0;
	_ =	sdelay $0xe  }
0x106: {  	s10 =	spop (v2sf)  }
0x107: {  	s26 =	sor.u32 $0x20, s11;
	p1 =	sgt.s32 s10, s5  }
0x108: {  	s26 =	smov.u32 @p1 s11  }
0x109: {  	s11 =	sshll.u32 s26, $0x4  }
0x10a: {  	s10 =	sand.u32 $0x3FFFFFF0, s11  }
0x10b: {  	v6 =	vld [tilespmem:s10+$0xF0];
	_ =	sdelay $0x4  }
0x10c: {  	(v2sf) =	vpush v6, $0x0;
	_ =	sdelay $0xe  }
0x10d: {  	s10 =	spop (v2sf)  }
0x10e: {  	s11 =	sadd.s32 $0x10, s26;
	p1 =	sgt.s32 s10, s5  }
0x10f: {  	s11 =	smov.u32 @p1 s26  }
0x110: {  	s26 =	sshll.u32 s11, $0x4  }
0x111: {  	s10 =	sand.u32 $0x3FFFFFF0, s26  }
0x112: {  	v6 =	vld [tilespmem:s10+$0x70];
	_ =	sdelay $0x4  }
0x113: {  	(v2sf) =	vpush v6, $0x0;
	_ =	sdelay $0xe  }
0x114: {  	s10 =	spop (v2sf)  }
0x115: {  	s26 =	sadd.s32 $0x8, s11;
	p1 =	sgt.s32 s10, s5  }
0x116: {  	s26 =	smov.u32 @p1 s11  }
0x117: {  	s11 =	sshll.u32 s26, $0x4  }
0x118: {  	s10 =	sand.u32 $0x3FFFFFF0, s11  }
0x119: {  	v6 =	vld [tilespmem:s10+$0x30];
	_ =	sdelay $0x4  }
0x11a: {  	(v2sf) =	vpush v6, $0x0;
	_ =	sdelay $0xe  }
0x11b: {  	s10 =	spop (v2sf)  }
0x11c: {  	s11 =	sadd.s32 $0x4, s26;
	p1 =	sgt.s32 s10, s5  }
0x11d: {  	s11 =	smov.u32 @p1 s26  }
0x11e: {  	s26 =	sshll.u32 s11, $0x4  }
0x11f: {  	s10 =	sand.u32 $0x3FFFFFF0, s26  }
0x120: {  	v6 =	vld [tilespmem:s10+$0x10];
	_ =	sdelay $0x4  }
0x121: {  	(v2sf) =	vpush v6, $0x0;
	_ =	sdelay $0xe  }
0x122: {  	s10 =	spop (v2sf)  }
0x123: {  	s26 =	sadd.s32 $0x2, s11;
	p1 =	sgt.s32 s10, s5  }
0x124: {  	s26 =	smov.u32 @p1 s11  }
0x125: {  	s11 =	sshll.u32 s26, $0x4  }
0x126: {  	s10 =	sand.u32 $0x3FFFFFF0, s11  }
0x127: {  	v6 =	vld [tilespmem:s10+$0x0];
	_ =	sdelay $0x4  }
0x128: {  	(v2sf) =	vpush v6, $0x0;
	_ =	sdelay $0xe  }
0x129: {  	s11 =	spop (v2sf)  }
0x12a: {  	s10 =	simm.s32 $0x1;
	p1 =	sle.s32 s11, s5  }
0x12b: {  	s10 =	simm.s32 @!p1 $0x0  }
0x12c: {  	s26 =	sadd.s32 s10, s26  }
0x12d: {  	s11 =	simm.s32 $0x0;
	p1 =	sgt.s32 s4, s6;
	s10 =	sshll.u32 s26, $0x4  }
0x12e: {  	s11 =	simm.s32 @!p1 $0x100;
	s10 =	sand.u32 $0x3FFFFFF0, s10  }
0x12f: {  	v6 =	vld [tilespmem:s10+$0x0];
	s10 =	sshll.u32 s11, $0x4  }
0x130: {  	v7 =	vld [tilespmem:s10+$0x7F0];
	_ =	sdelay $0x3  }
0x131: {  	(v2sf) =	vpush v6, $0x0  }
0x132: {  	(v2sf) =	vpush v7, $0x0;
	_ =	sdelay $0xd  }
0x133: {  	s4 =	spop (v2sf)  }
0x134: {  	s10 =	spop (v2sf)  }
0x135: {  	p1 =	sgt.s32 s10, s6;
	s10 =	sor.u32 $0x80, s11  }
0x136: {  	s10 =	smov.u32 @p1 s11  }
0x137: {  	s11 =	sshll.u32 s10, $0x4  }
0x138: {  	v6 =	vld [tilespmem:s11+$0x3F0];
	_ =	sdelay $0x4  }
0x139: {  	(v2sf) =	vpush v6, $0x0;
	_ =	sdelay $0xe  }
0x13a: {  	s11 =	spop (v2sf)  }
0x13b: {  	p1 =	sgt.s32 s11, s6;
	s11 =	sor.u32 $0x40, s10  }
0x13c: {  	s11 =	smov.u32 @p1 s10  }
0x13d: {  	s10 =	sshll.u32 s11, $0x4  }
0x13e: {  	v6 =	vld [tilespmem:s10+$0x1F0];
	_ =	sdelay $0x4  }
0x13f: {  	(v2sf) =	vpush v6, $0x0;
	_ =	sdelay $0xe  }
0x140: {  	s10 =	spop (v2sf)  }
0x141: {  	p1 =	sgt.s32 s10, s6;
	s10 =	sor.u32 $0x20, s11  }
0x142: {  	s10 =	smov.u32 @p1 s11  }
0x143: {  	s11 =	sshll.u32 s10, $0x4  }
0x144: {  	s11 =	sand.u32 $0x3FFFFFF0, s11  }
0x145: {  	v6 =	vld [tilespmem:s11+$0xF0];
	_ =	sdelay $0x4  }
0x146: {  	(v2sf) =	vpush v6, $0x0;
	_ =	sdelay $0xe  }
0x147: {  	s11 =	spop (v2sf)  }
0x148: {  	p1 =	sgt.s32 s11, s6;
	s11 =	sadd.s32 $0x10, s10  }
0x149: {  	s11 =	smov.u32 @p1 s10  }
0x14a: {  	s10 =	sshll.u32 s11, $0x4  }
0x14b: {  	s10 =	sand.u32 $0x3FFFFFF0, s10  }
0x14c: {  	v6 =	vld [tilespmem:s10+$0x70];
	_ =	sdelay $0x4  }
0x14d: {  	(v2sf) =	vpush v6, $0x0;
	_ =	sdelay $0xe  }
0x14e: {  	s10 =	spop (v2sf)  }
0x14f: {  	p1 =	sgt.s32 s10, s6;
	s10 =	sadd.s32 $0x8, s11  }
0x150: {  	s10 =	smov.u32 @p1 s11  }
0x151: {  	s11 =	sshll.u32 s10, $0x4  }
0x152: {  	s11 =	sand.u32 $0x3FFFFFF0, s11  }
0x153: {  	v6 =	vld [tilespmem:s11+$0x30];
	_ =	sdelay $0x4  }
0x154: {  	(v2sf) =	vpush v6, $0x0;
	_ =	sdelay $0xe  }
0x155: {  	s11 =	spop (v2sf)  }
0x156: {  	p1 =	sgt.s32 s11, s6;
	s11 =	sadd.s32 $0x4, s10  }
0x157: {  	s11 =	smov.u32 @p1 s10  }
0x158: {  	s10 =	sshll.u32 s11, $0x4  }
0x159: {  	s10 =	sand.u32 $0x3FFFFFF0, s10  }
0x15a: {  	v6 =	vld [tilespmem:s10+$0x10];
	_ =	sdelay $0x4  }
0x15b: {  	(v2sf) =	vpush v6, $0x0;
	_ =	sdelay $0xe  }
0x15c: {  	s10 =	spop (v2sf)  }
0x15d: {  	p1 =	sgt.s32 s10, s6;
	s10 =	sadd.s32 $0x2, s11  }
0x15e: {  	s10 =	smov.u32 @p1 s11  }
0x15f: {  	s11 =	sshll.u32 s10, $0x4  }
0x160: {  	s11 =	sand.u32 $0x3FFFFFF0, s11  }
0x161: {  	v6 =	vld [tilespmem:s11+$0x0];
	_ =	sdelay $0x4  }
0x162: {  	(v2sf) =	vpush v6, $0x0;
	_ =	sdelay $0xe  }
0x163: {  	s11 =	spop (v2sf)  }
0x164: {  	p1 =	sle.s32 s11, s6;
	s11 =	simm.s32 $0x1  }
0x165: {  	s11 =	simm.s32 @!p1 $0x0  }
0x166: {  	s10 =	sadd.s32 s11, s10  }
0x167: {  	s11 =	sshll.u32 s10, $0x4  }
0x168: {  	s11 =	sand.u32 $0x3FFFFFF0, s11  }
0x169: {  	v6 =	vld [tilespmem:s11+$0x0];
	_ =	sdelay $0x4  }
0x16a: {  	(v2sf) =	vpush v6, $0x0;
	_ =	sdelay $0xd  }
0x16b: {  	p1 =	sle.s32 s4, s5;
	s4 =	simm.s32 $0x1  }
0x16c: {  	s4 =	simm.s32 @!p1 $0x0;
	s11 =	spop (v2sf)  }
0x16d: {  	s4 =	sadd.s32 s4, s26;
	p1 =	sle.s32 s11, s6;
	s11 =	simm.s32 $0x1  }
0x16e: {  	s26 =	smax.u32 s4, $0x1;
	s11 =	simm.s32 @!p1 $0x0  }
0x16f: {  	s4 =	sadd.s32 s11, s10;
	s10 =	sadd.s32 $0xFFFFFFFF, s26  }
0x170: {  	p1 =	sge.u32 s10, s4  }
.Ltmp2:
0x171: {  	_ = 	snop;
	(pc) =	sbr.rel @p1 .LBB2_4-.Ltmp2, $1  }
0x172: {  	_ =	sdelay $0x3  }
0x173: {  	s11 =	sshll.u32 s10, $0x6  }
0x174: {  	s11 =	sshra.s32 s11, $0x2  }
0x175: {  	v6 =	vld [tilespmem:s11+$0x0];
	_ =	sdelay $0x4  }
0x176: {  	v7 =	vshra.s32 v6, $0x1;
	v6 =	vand.u32 $0x1, v6  }
0x177: {  	vm1 =	veq.s32 v6, $0x1;
	vm2 =	vge.s32 v7, v0  }
0x178: {  	vm1 =	vmand vm2, vm1;
	vm2 =	vlt.s32 v7, v2  }
0x179: {  	s26 =	sshll.u32 s10, $0x4;
	s10 =	sadd.s32 $0x1, s10;
	v6 =	vsub.s32 v7, v0;
	vm1 =	vmand vm2, vm1  }
0x17a: {  	p1 =	slt.s32 s10, s4;
	v6 =	vnsel vm1, $0x0, v6  }
.Ltmp3:
0x17b: {  	_ = 	snop;
	(pc) =	sbr.rel @!p1 .LBB2_4-.Ltmp3, $3  }
0x17c: {  	_ =	sdelay $0x1  }
0x17d: {  	v7 =	vor.u32 s26, v1  }
0x17e: {  	s11 =	sadd.s32 $0x10, s11;
	[tilespmem:v6+s21+$0x0] =	vst.idx.msk vm1, v7  }
.LBB2_3:
0x17f: {  	v6 =	vld [tilespmem:s11+$0x0];
	s10 =	sadd.s32 $0x1, s10  }
0x180: {  	p1 =	slt.s32 s10, s4;
	_ =	sdelay $0x3  }
0x181: {  	v7 =	vshra.s32 v6, $0x1;
	v6 =	vand.u32 $0x1, v6  }
0x182: {  	vm1 =	veq.s32 v6, $0x1;
	vm2 =	vge.s32 v7, v0  }
0x183: {  	vm1 =	vmand vm2, vm1;
	vm2 =	vlt.s32 v7, v2  }
0x184: {  	v6 =	vsub.s32 v7, v0;
	vm1 =	vmand vm2, vm1  }
0x185: {  	v6 =	vnsel vm1, $0x0, v6  }
.Ltmp4:
0x186: {  	(pc) =	sbr.rel @p1 .LBB2_3-.Ltmp4, $4  }
0x187: {  	_ = 	snop  }
0x188: {  	s26 =	sadd.s32 $0x10, s26  }
0x189: {  	v7 =	vor.u32 s26, v1  }
0x18a: {  	s11 =	sadd.s32 $0x10, s11;
	[tilespmem:v6+s21+$0x0] =	vst.idx.msk vm1, v7  }
.Ltmp5:
0x18b: {  	_ = 	snop;
	(pc) =	sbr.rel .LBB2_4-.Ltmp5, $1  }
0x18c: {  	_ =	sdelay $0x3  }
.LBB2_5:
0x18d: {  	_ =	sfence.sel $0x180000  }
0x18e: {  	[bflag:$0x0] =	sbarrier.arrive $0xFFFF  }
0x18f: {  	_ =	strace $0x90000047  }
0x190: {  	s0 =	stileid.u32;
	[bflag:$0x2] =	sbarrier.arrive $0xFFFF  }
0x191: {  	p0 =	sne.s32 s0, $0x0;
	s0 =	rddreg [dreg:$0x3]  }
0x192: {  	s0 =	sadd.s32 @!p0 $0x100000, s0  }
0x193: {  	[sflag:s0] =	ssyncadd.tile.s32 @!p0 $0x1;
	_ =	shalt  }
.Lfunc_end2:
_tile_overlayer_lowered:
.L_overlay_start_2:
0x194: {  	(tag) =	ssettag $0x2  }
0x195: {  	s0 =	rddreg [dreg:$0x0];
	s2 =	stileid.u32  }
0x196: {  	s1 =	rddreg [dreg:$0x1];
	p0 =	sne.s32 s2, $0x0  }
0x197: {  	s3 =	rddreg [dreg:$0x2];
	[bflag:$0x3] =	sbarrier.arrive $0xFFFF;
	s2 =	simm.s32 @!p0 $0x1C03  }
0x198: {  	[timem:s3], [sflag:s2] =	dma.local @!p0 [hbm:s0], s1  }
0x199: {  	s0 =	simm.s32 @!p0 $0x3  }
0x19a: {  	_ =	swait.ge @!p0 [sflag:s0], s1  }
0x19b: {  	s1 =	ssub.s32 @!p0 $0x0, s1;
	[sflag:s0] =	ssyncset.done @!p0 $0x0  }
0x19c: {  	[sflag:s0] =	ssyncadd.s32 @!p0 s1  }
0x19d: {  	[bflag:$0x3] =	sbarrier.arrive $0xFFFF  }
0x19e: {  	_ =	shalt  }

</sc_bundles>
